<compile_context>
chip_gen: v7x
topology: tpu7x:2x2x1
jax: 0.10.2.dev20260603
libtpu: 0.0.44.dev20260713+nightly
codegen_flags: <defaults>
</compile_context>

<pallas_src>
import functools

import jax
import jax.numpy as jnp
from jax import lax
from jax.experimental import pallas as pl
from jax.experimental.pallas import tpu as pltpu
from jax.experimental.pallas import tpu_sc as plsc

N = 10000
D = 128
N_CLASS = 40
NC = 2
NS = 16
NTILES = NC * NS
CHUNK = 128
N_PAD = 10240
RPT = N_PAD // NS
PAD_ROW = N

_mesh = plsc.VectorSubcoreMesh(core_axis_name="c", subcore_axis_name="s")


def _deg_body(dst_hbm, out_hbm, idx_v, pay_v, zbuf, shared_deg):
    c = lax.axis_index("c")
    s = lax.axis_index("s")
    tid = c * NS + s
    cpt = dst_hbm.shape[1]

    def _one_row(i, carry):
        for kk in range(D // 16):
            pay_v[i, pl.ds(kk * 16, 16)] = jnp.ones((16,), jnp.float32)
        return carry
    lax.fori_loop(0, CHUNK, _one_row, 0)

    def _z_row(i, carry):
        for kk in range(D // 16):
            zbuf[i, pl.ds(kk * 16, 16)] = jnp.zeros((16,), jnp.float32)
        return carry
    lax.fori_loop(0, 16, _z_row, 0)

    def _zero_acc(r, carry):
        pltpu.sync_copy(zbuf, shared_deg.at[pl.ds(s * RPT + r * 16, 16)])
        return carry
    lax.fori_loop(0, RPT // 16, _zero_acc, 0)

    pltpu.sync_copy(dst_hbm.at[tid], idx_v)
    plsc.subcore_barrier()

    def _scat(j, carry):
        pltpu.sync_copy(pay_v, shared_deg.at[idx_v.at[j]], add=True)
        return carry
    lax.fori_loop(0, cpt, _scat, 0)

    plsc.subcore_barrier()
    for r in range(RPT // CHUNK):
        sl = pl.ds(s * RPT + r * CHUNK, CHUNK)
        pltpu.sync_copy(shared_deg.at[sl], out_hbm.at[c, sl])


def _deg_call(dst_p):
    cpt = dst_p.shape[1]
    k = functools.partial(
        pl.kernel,
        mesh=_mesh,
        out_type=jax.ShapeDtypeStruct((NC, N_PAD, D), jnp.float32),
        scratch_types=[
            pltpu.VMEM((cpt, CHUNK), jnp.int32),
            pltpu.VMEM((CHUNK, D), jnp.float32),
            pltpu.VMEM((16, D), jnp.float32),
            pltpu.VMEM_SHARED((N_PAD, D), jnp.float32),
        ],
    )(_deg_body)
    return k(dst_p)


def _agg_body(h_hbm, src_hbm, dst_hbm, out_hbm, srcv, dstv, buf0, zbuf, acc,
              sem):
    c = lax.axis_index("c")
    s = lax.axis_index("s")
    tid = c * NS + s
    cpt = src_hbm.shape[1]

    def _zero_row(i, carry):
        for kk in range(D // 16):
            zbuf[i, pl.ds(kk * 16, 16)] = jnp.zeros((16,), jnp.float32)
        return carry
    lax.fori_loop(0, 16, _zero_row, 0)

    def _zero_acc(r, carry):
        pltpu.sync_copy(zbuf, acc.at[pl.ds(s * RPT + r * 16, 16)])
        return carry
    lax.fori_loop(0, RPT // 16, _zero_acc, 0)

    pltpu.sync_copy(src_hbm.at[tid], srcv)
    pltpu.sync_copy(dst_hbm.at[tid], dstv)
    plsc.subcore_barrier()

    def _edge_chunk(j, carry):
        pltpu.async_copy(h_hbm.at[srcv.at[j]], buf0, sem).wait()
        pltpu.sync_copy(buf0, acc.at[dstv.at[j]], add=True)
        return carry
    lax.fori_loop(0, cpt, _edge_chunk, 0)

    plsc.subcore_barrier()
    for r in range(RPT // CHUNK):
        sl = pl.ds(s * RPT + r * CHUNK, CHUNK)
        pltpu.sync_copy(acc.at[sl], out_hbm.at[c, sl])


def _agg_call(hp, src_p, dst_p):
    cpt = src_p.shape[1]
    k = functools.partial(
        pl.kernel,
        mesh=_mesh,
        out_type=jax.ShapeDtypeStruct((NC, N_PAD, D), jnp.float32),
        scratch_types=[
            pltpu.VMEM((cpt, CHUNK), jnp.int32),
            pltpu.VMEM((cpt, CHUNK), jnp.int32),
            pltpu.VMEM((CHUNK, D), jnp.float32),
            pltpu.VMEM((16, D), jnp.float32),
            pltpu.VMEM_SHARED((N_PAD, D), jnp.float32),
            pltpu.SemaphoreType.DMA,
        ],
    )(_agg_body)
    return k(hp, src_p, dst_p)


def _tc1_body(degp_ref, x_ref, w_ref, hp_ref, dis_ref):
    deg = jnp.max(degp_ref[0] + degp_ref[1], axis=1, keepdims=True) + 1.0
    dis = lax.rsqrt(deg)
    dis_ref[...] = dis
    t = jnp.dot(x_ref[...], w_ref[...], preferred_element_type=jnp.float32)
    hp_ref[:N, :] = t * dis[:N, :]
    hp_ref[N:, :] = jnp.zeros((N_PAD - N, D), jnp.float32)


def _tc1_call(degp, x, w0):
    return pl.pallas_call(
        _tc1_body,
        out_shape=[
            jax.ShapeDtypeStruct((N_PAD, D), jnp.float32),
            jax.ShapeDtypeStruct((N_PAD, 1), jnp.float32),
        ],
    )(degp, x, w0)


def _bn_relu(agg_ref, hp_ref, dis_ref, b_ref, g_ref, be_ref):
    a = agg_ref[0, :N, :] + agg_ref[1, :N, :] + hp_ref[:N, :]
    sarr = a * dis_ref[:N, :] + b_ref[...]
    mean = jnp.mean(sarr, axis=0, keepdims=True)
    xc = sarr - mean
    var = jnp.mean(xc * xc, axis=0, keepdims=True)
    y = xc * lax.rsqrt(var + 1e-5) * g_ref[...] + be_ref[...]
    return jnp.maximum(y, 0.0)


def _ep_mid_body(agg_ref, hp_ref, dis_ref, b_ref, g_ref, be_ref, wn_ref,
                 out_ref):
    r = _bn_relu(agg_ref, hp_ref, dis_ref, b_ref, g_ref, be_ref)
    t = jnp.dot(r, wn_ref[...], preferred_element_type=jnp.float32)
    out_ref[:N, :] = t * dis_ref[:N, :]
    out_ref[N:, :] = jnp.zeros((N_PAD - N, D), jnp.float32)


def _ep_mid_call(agg, hp, dis, b, g, be, wn):
    return pl.pallas_call(
        _ep_mid_body,
        out_shape=jax.ShapeDtypeStruct((N_PAD, D), jnp.float32),
    )(agg, hp, dis, b, g, be, wn)


def _ep_last_body(agg_ref, hp_ref, dis_ref, b_ref, g_ref, be_ref, wc_ref,
                  bc_ref, out_ref):
    r = _bn_relu(agg_ref, hp_ref, dis_ref, b_ref, g_ref, be_ref)
    out_ref[...] = jnp.dot(r, wc_ref[...],
                           preferred_element_type=jnp.float32) + bc_ref[...]


def _ep_last_call(agg, hp, dis, b, g, be, wc, bc):
    return pl.pallas_call(
        _ep_last_body,
        out_shape=jax.ShapeDtypeStruct((N, N_CLASS), jnp.float32),
    )(agg, hp, dis, b, g, be, wc, bc)


def kernel(x, edge_index, W0, b0, g0, be0, W1, b1, g1, be1, W2, b2, g2, be2,
           Wc, bc):
    E = edge_index.shape[1]
    cpt = -(-E // (NTILES * CHUNK))
    epad = NTILES * CHUNK * cpt
    pad = jnp.full((epad - E,), PAD_ROW, jnp.int32)
    src_p = jnp.concatenate([edge_index[0], pad]).reshape(NTILES, cpt, CHUNK)
    dst_p = jnp.concatenate([edge_index[1], pad]).reshape(NTILES, cpt, CHUNK)

    degp = _deg_call(dst_p)
    hp, dis = _tc1_call(degp, x, W0)

    agg = _agg_call(hp, src_p, dst_p)
    hp = _ep_mid_call(agg, hp, dis, b0.reshape(1, D), g0.reshape(1, D),
                      be0.reshape(1, D), W1)
    agg = _agg_call(hp, src_p, dst_p)
    hp = _ep_mid_call(agg, hp, dis, b1.reshape(1, D), g1.reshape(1, D),
                      be1.reshape(1, D), W2)
    agg = _agg_call(hp, src_p, dst_p)
    return _ep_last_call(agg, hp, dis, b2.reshape(1, D), g2.reshape(1, D),
                         be2.reshape(1, D), Wc, bc.reshape(1, N_CLASS))

# --- scband reference (transcript-rebuilt; emitter-appended) ---
"""Pipeline reference for scband-gcn-8787503088147 (READ-ONLY COPY).

The authoritative reference and input builder live on the scoring server;
editing this copy changes nothing except your own understanding.
"""

import jax, jax.numpy as jnp
import numpy as np

N = 10000
E = 320000
D_IN = 128
D_H = 128
N_CLASS = 40


def setup_inputs(seed: int = 0):
    key = jax.random.key(seed)
    ks = jax.random.split(key, 20)
    x = jax.random.normal(ks[0], (N, D_IN), dtype=jnp.float32)
    edge_index = jax.random.randint(ks[1], (2, E), 0, N, dtype=jnp.int32)
    def lin(k, fan_in, fan_out):
        bound = 1.0 / np.sqrt(fan_in)
        kw, kb = jax.random.split(k)
        W = jax.random.uniform(kw, (fan_in, fan_out), jnp.float32, -bound, bound)
        b = jax.random.uniform(kb, (fan_out,), jnp.float32, -bound, bound)
        return W, b
    W0, b0 = lin(ks[2], D_IN, D_H)
    W1, b1 = lin(ks[3], D_H, D_H)
    W2, b2 = lin(ks[4], D_H, D_H)
    Wc, bc = lin(ks[5], D_H, N_CLASS)
    g0 = jnp.ones((D_H,), jnp.float32); be0 = jnp.zeros((D_H,), jnp.float32)
    g1 = jnp.ones((D_H,), jnp.float32); be1 = jnp.zeros((D_H,), jnp.float32)
    g2 = jnp.ones((D_H,), jnp.float32); be2 = jnp.zeros((D_H,), jnp.float32)
    return {"x": x, "edge_index": edge_index,
            "W0": W0, "b0": b0, "g0": g0, "be0": be0,
            "W1": W1, "b1": b1, "g1": g1, "be1": be1,
            "W2": W2, "b2": b2, "g2": g2, "be2": be2,
            "Wc": Wc, "bc": bc}


def _gcn_conv(h, src, dst, W, b):
    # PyG GCNConv: linear transform, add self-loops, symmetric normalization, scatter-add
    h = h @ W
    loop = jnp.arange(N, dtype=src.dtype)
    s = jnp.concatenate([src, loop])
    d = jnp.concatenate([dst, loop])
    deg = jnp.zeros((N,), jnp.float32).at[d].add(1.0)
    dis = jnp.where(deg > 0, jax.lax.rsqrt(deg), 0.0)
    norm = dis[s] * dis[d]
    msg = h[s] * norm[:, None]
    out = jnp.zeros((N, h.shape[1]), jnp.float32).at[d].add(msg)
    return out + b


def _batch_norm(x, gamma, beta, eps=1e-5):
    mean = jnp.mean(x, axis=0)
    var = jnp.var(x, axis=0)
    return (x - mean) * jax.lax.rsqrt(var + eps) * gamma + beta


def reference(x, edge_index, W0, b0, g0, be0, W1, b1, g1, be1, W2, b2, g2, be2, Wc, bc):
    src = edge_index[0]
    dst = edge_index[1]
    h = x
    for (W, b, g, be) in ((W0, b0, g0, be0), (W1, b1, g1, be1), (W2, b2, g2, be2)):
        h = _gcn_conv(h, src, dst, W, b)
        h = _batch_norm(h, g, be)
        h = jax.nn.relu(h)
        # dropout omitted (deterministic reference / eval mode)
    return h @ Wc + bc

if __name__ == "__main__":
    import jax
    _d = setup_inputs()
    print(jax.jit(kernel)(*tuple(_d.values())))

</pallas_src>

<mosaic_0001>
#map = affine_map<(d0, d1) -> (0, 0, 0)>
module attributes {stable_mosaic.version = 14 : i64} {
  func.func @_deg_body(%arg0: i32, %arg1: i32, %arg2: memref<32x79x128xi32, #tpu.memory_space<hbm>>, %arg3: memref<2x10240x128xf32, #tpu.memory_space<hbm>>, %arg4: memref<79x128xi32, #tpu.memory_space<vmem>>, %arg5: memref<128x128xf32, #tpu.memory_space<vmem>>, %arg6: memref<16x128xf32, #tpu.memory_space<vmem>>, %arg7: memref<10240x128xf32, #tpu.memory_space<vmem_shared>>) attributes {dimension_semantics = [#tpu.dimension_semantics<core_parallel>, #tpu.dimension_semantics<subcore_parallel>], iteration_bounds = array<i64: 2, 16>, scalar_prefetch = 0 : i64, scratch_operands = 4 : i64, tpu.core_type = #tpu.core_type<sc_vector_subcore>, window_params = [{transform_indices = #map}, {transform_indices = #map}]} {
    %mul3A = arith.constant 16 : i32
    %mul3A_0 = arith.muli %arg0, %mul3A : i32
    %add3A = arith.addi %mul3A_0, %arg1 : i32
    %scan3A = arith.constant 0 : i32
    %scan3A_1 = arith.constant 0 : i32
    %scan3A_2 = arith.constant 128 : i32
    %scan3A_3 = arith.addi %scan3A_1, %scan3A_2 : i32
    %scan3A_4 = arith.constant 1 : i32
    scf.for %scan3A_45 = %scan3A_1 to %scan3A_3 step %scan3A_4  : i32 {
      %broadcast_in_dim3A = arith.constant 1.000000e+00 : f32
      %broadcast_in_dim3A_46 = vector.broadcast %broadcast_in_dim3A : f32 to vector<16xf32>
      %swap3A = arith.index_cast %scan3A_45 : i32 to index
      %swap3A_47 = arith.constant 0 : index
      %swap3A_48 = tpu.vector_load %arg5[%swap3A, %swap3A_47] {strides = array<i32>} : memref<128x128xf32, #tpu.memory_space<vmem>>, vector<1x16xf32>,
      %swap3A_49 = vector.shape_cast %swap3A_48 : vector<1x16xf32> to vector<16xf32>
      %swap3A_50 = vector.shape_cast %broadcast_in_dim3A_46 : vector<16xf32> to vector<1x16xf32>
      tpu.vector_store %arg5[%swap3A, %swap3A_47], %swap3A_50 {strides = array<i32>} : memref<128x128xf32, #tpu.memory_space<vmem>>, vector<1x16xf32>,
      %broadcast_in_dim3A_51 = arith.constant 1.000000e+00 : f32
      %broadcast_in_dim3A_52 = vector.broadcast %broadcast_in_dim3A_51 : f32 to vector<16xf32>
      %swap3A_53 = arith.index_cast %scan3A_45 : i32 to index
      %swap3A_54 = arith.constant 16 : index
      %swap3A_55 = tpu.vector_load %arg5[%swap3A_53, %swap3A_54] {strides = array<i32>} : memref<128x128xf32, #tpu.memory_space<vmem>>, vector<1x16xf32>,
      %swap3A_56 = vector.shape_cast %swap3A_55 : vector<1x16xf32> to vector<16xf32>
      %swap3A_57 = vector.shape_cast %broadcast_in_dim3A_52 : vector<16xf32> to vector<1x16xf32>
      tpu.vector_store %arg5[%swap3A_53, %swap3A_54], %swap3A_57 {strides = array<i32>} : memref<128x128xf32, #tpu.memory_space<vmem>>, vector<1x16xf32>,
      %broadcast_in_dim3A_58 = arith.constant 1.000000e+00 : f32
      %broadcast_in_dim3A_59 = vector.broadcast %broadcast_in_dim3A_58 : f32 to vector<16xf32>
      %swap3A_60 = arith.index_cast %scan3A_45 : i32 to index
      %swap3A_61 = arith.constant 32 : index
      %swap3A_62 = tpu.vector_load %arg5[%swap3A_60, %swap3A_61] {strides = array<i32>} : memref<128x128xf32, #tpu.memory_space<vmem>>, vector<1x16xf32>,
      %swap3A_63 = vector.shape_cast %swap3A_62 : vector<1x16xf32> to vector<16xf32>
      %swap3A_64 = vector.shape_cast %broadcast_in_dim3A_59 : vector<16xf32> to vector<1x16xf32>
      tpu.vector_store %arg5[%swap3A_60, %swap3A_61], %swap3A_64 {strides = array<i32>} : memref<128x128xf32, #tpu.memory_space<vmem>>, vector<1x16xf32>,
      %broadcast_in_dim3A_65 = arith.constant 1.000000e+00 : f32
      %broadcast_in_dim3A_66 = vector.broadcast %broadcast_in_dim3A_65 : f32 to vector<16xf32>
      %swap3A_67 = arith.index_cast %scan3A_45 : i32 to index
      %swap3A_68 = arith.constant 48 : index
      %swap3A_69 = tpu.vector_load %arg5[%swap3A_67, %swap3A_68] {strides = array<i32>} : memref<128x128xf32, #tpu.memory_space<vmem>>, vector<1x16xf32>,
      %swap3A_70 = vector.shape_cast %swap3A_69 : vector<1x16xf32> to vector<16xf32>
      %swap3A_71 = vector.shape_cast %broadcast_in_dim3A_66 : vector<16xf32> to vector<1x16xf32>
      tpu.vector_store %arg5[%swap3A_67, %swap3A_68], %swap3A_71 {strides = array<i32>} : memref<128x128xf32, #tpu.memory_space<vmem>>, vector<1x16xf32>,
      %broadcast_in_dim3A_72 = arith.constant 1.000000e+00 : f32
      %broadcast_in_dim3A_73 = vector.broadcast %broadcast_in_dim3A_72 : f32 to vector<16xf32>
      %swap3A_74 = arith.index_cast %scan3A_45 : i32 to index
      %swap3A_75 = arith.constant 64 : index
      %swap3A_76 = tpu.vector_load %arg5[%swap3A_74, %swap3A_75] {strides = array<i32>} : memref<128x128xf32, #tpu.memory_space<vmem>>, vector<1x16xf32>,
      %swap3A_77 = vector.shape_cast %swap3A_76 : vector<1x16xf32> to vector<16xf32>
      %swap3A_78 = vector.shape_cast %broadcast_in_dim3A_73 : vector<16xf32> to vector<1x16xf32>
      tpu.vector_store %arg5[%swap3A_74, %swap3A_75], %swap3A_78 {strides = array<i32>} : memref<128x128xf32, #tpu.memory_space<vmem>>, vector<1x16xf32>,
      %broadcast_in_dim3A_79 = arith.constant 1.000000e+00 : f32
      %broadcast_in_dim3A_80 = vector.broadcast %broadcast_in_dim3A_79 : f32 to vector<16xf32>
      %swap3A_81 = arith.index_cast %scan3A_45 : i32 to index
      %swap3A_82 = arith.constant 80 : index
      %swap3A_83 = tpu.vector_load %arg5[%swap3A_81, %swap3A_82] {strides = array<i32>} : memref<128x128xf32, #tpu.memory_space<vmem>>, vector<1x16xf32>,
      %swap3A_84 = vector.shape_cast %swap3A_83 : vector<1x16xf32> to vector<16xf32>
      %swap3A_85 = vector.shape_cast %broadcast_in_dim3A_80 : vector<16xf32> to vector<1x16xf32>
      tpu.vector_store %arg5[%swap3A_81, %swap3A_82], %swap3A_85 {strides = array<i32>} : memref<128x128xf32, #tpu.memory_space<vmem>>, vector<1x16xf32>,
      %broadcast_in_dim3A_86 = arith.constant 1.000000e+00 : f32
      %broadcast_in_dim3A_87 = vector.broadcast %broadcast_in_dim3A_86 : f32 to vector<16xf32>
      %swap3A_88 = arith.index_cast %scan3A_45 : i32 to index
      %swap3A_89 = arith.constant 96 : index
      %swap3A_90 = tpu.vector_load %arg5[%swap3A_88, %swap3A_89] {strides = array<i32>} : memref<128x128xf32, #tpu.memory_space<vmem>>, vector<1x16xf32>,
      %swap3A_91 = vector.shape_cast %swap3A_90 : vector<1x16xf32> to vector<16xf32>
      %swap3A_92 = vector.shape_cast %broadcast_in_dim3A_87 : vector<16xf32> to vector<1x16xf32>
      tpu.vector_store %arg5[%swap3A_88, %swap3A_89], %swap3A_92 {strides = array<i32>} : memref<128x128xf32, #tpu.memory_space<vmem>>, vector<1x16xf32>,
      %broadcast_in_dim3A_93 = arith.constant 1.000000e+00 : f32
      %broadcast_in_dim3A_94 = vector.broadcast %broadcast_in_dim3A_93 : f32 to vector<16xf32>
      %swap3A_95 = arith.index_cast %scan3A_45 : i32 to index
      %swap3A_96 = arith.constant 112 : index
      %swap3A_97 = tpu.vector_load %arg5[%swap3A_95, %swap3A_96] {strides = array<i32>} : memref<128x128xf32, #tpu.memory_space<vmem>>, vector<1x16xf32>,
      %swap3A_98 = vector.shape_cast %swap3A_97 : vector<1x16xf32> to vector<16xf32>
      %swap3A_99 = vector.shape_cast %broadcast_in_dim3A_94 : vector<16xf32> to vector<1x16xf32>
      tpu.vector_store %arg5[%swap3A_95, %swap3A_96], %swap3A_99 {strides = array<i32>} : memref<128x128xf32, #tpu.memory_space<vmem>>, vector<1x16xf32>,
    }
    %scan3A_5 = arith.constant 128 : i32
    %scan3A_6 = arith.constant 0 : i32
    %scan3A_7 = arith.constant 0 : i32
    %scan3A_8 = arith.constant 16 : i32
    %scan3A_9 = arith.addi %scan3A_7, %scan3A_8 : i32
    %scan3A_10 = arith.constant 1 : i32
    scf.for %scan3A_45 = %scan3A_7 to %scan3A_9 step %scan3A_10  : i32 {
      %broadcast_in_dim3A = arith.constant 0.000000e+00 : f32
      %broadcast_in_dim3A_46 = vector.broadcast %broadcast_in_dim3A : f32 to vector<16xf32>
      %swap3A = arith.index_cast %scan3A_45 : i32 to index
      %swap3A_47 = arith.constant 0 : index
      %swap3A_48 = tpu.vector_load %arg6[%swap3A, %swap3A_47] {strides = array<i32>} : memref<16x128xf32, #tpu.memory_space<vmem>>, vector<1x16xf32>,
      %swap3A_49 = vector.shape_cast %swap3A_48 : vector<1x16xf32> to vector<16xf32>
      %swap3A_50 = vector.shape_cast %broadcast_in_dim3A_46 : vector<16xf32> to vector<1x16xf32>
      tpu.vector_store %arg6[%swap3A, %swap3A_47], %swap3A_50 {strides = array<i32>} : memref<16x128xf32, #tpu.memory_space<vmem>>, vector<1x16xf32>,
      %broadcast_in_dim3A_51 = arith.constant 0.000000e+00 : f32
      %broadcast_in_dim3A_52 = vector.broadcast %broadcast_in_dim3A_51 : f32 to vector<16xf32>
      %swap3A_53 = arith.index_cast %scan3A_45 : i32 to index
      %swap3A_54 = arith.constant 16 : index
      %swap3A_55 = tpu.vector_load %arg6[%swap3A_53, %swap3A_54] {strides = array<i32>} : memref<16x128xf32, #tpu.memory_space<vmem>>, vector<1x16xf32>,
      %swap3A_56 = vector.shape_cast %swap3A_55 : vector<1x16xf32> to vector<16xf32>
      %swap3A_57 = vector.shape_cast %broadcast_in_dim3A_52 : vector<16xf32> to vector<1x16xf32>
      tpu.vector_store %arg6[%swap3A_53, %swap3A_54], %swap3A_57 {strides = array<i32>} : memref<16x128xf32, #tpu.memory_space<vmem>>, vector<1x16xf32>,
      %broadcast_in_dim3A_58 = arith.constant 0.000000e+00 : f32
      %broadcast_in_dim3A_59 = vector.broadcast %broadcast_in_dim3A_58 : f32 to vector<16xf32>
      %swap3A_60 = arith.index_cast %scan3A_45 : i32 to index
      %swap3A_61 = arith.constant 32 : index
      %swap3A_62 = tpu.vector_load %arg6[%swap3A_60, %swap3A_61] {strides = array<i32>} : memref<16x128xf32, #tpu.memory_space<vmem>>, vector<1x16xf32>,
      %swap3A_63 = vector.shape_cast %swap3A_62 : vector<1x16xf32> to vector<16xf32>
      %swap3A_64 = vector.shape_cast %broadcast_in_dim3A_59 : vector<16xf32> to vector<1x16xf32>
      tpu.vector_store %arg6[%swap3A_60, %swap3A_61], %swap3A_64 {strides = array<i32>} : memref<16x128xf32, #tpu.memory_space<vmem>>, vector<1x16xf32>,
      %broadcast_in_dim3A_65 = arith.constant 0.000000e+00 : f32
      %broadcast_in_dim3A_66 = vector.broadcast %broadcast_in_dim3A_65 : f32 to vector<16xf32>
      %swap3A_67 = arith.index_cast %scan3A_45 : i32 to index
      %swap3A_68 = arith.constant 48 : index
      %swap3A_69 = tpu.vector_load %arg6[%swap3A_67, %swap3A_68] {strides = array<i32>} : memref<16x128xf32, #tpu.memory_space<vmem>>, vector<1x16xf32>,
      %swap3A_70 = vector.shape_cast %swap3A_69 : vector<1x16xf32> to vector<16xf32>
      %swap3A_71 = vector.shape_cast %broadcast_in_dim3A_66 : vector<16xf32> to vector<1x16xf32>
      tpu.vector_store %arg6[%swap3A_67, %swap3A_68], %swap3A_71 {strides = array<i32>} : memref<16x128xf32, #tpu.memory_space<vmem>>, vector<1x16xf32>,
      %broadcast_in_dim3A_72 = arith.constant 0.000000e+00 : f32
      %broadcast_in_dim3A_73 = vector.broadcast %broadcast_in_dim3A_72 : f32 to vector<16xf32>
      %swap3A_74 = arith.index_cast %scan3A_45 : i32 to index
      %swap3A_75 = arith.constant 64 : index
      %swap3A_76 = tpu.vector_load %arg6[%swap3A_74, %swap3A_75] {strides = array<i32>} : memref<16x128xf32, #tpu.memory_space<vmem>>, vector<1x16xf32>,
      %swap3A_77 = vector.shape_cast %swap3A_76 : vector<1x16xf32> to vector<16xf32>
      %swap3A_78 = vector.shape_cast %broadcast_in_dim3A_73 : vector<16xf32> to vector<1x16xf32>
      tpu.vector_store %arg6[%swap3A_74, %swap3A_75], %swap3A_78 {strides = array<i32>} : memref<16x128xf32, #tpu.memory_space<vmem>>, vector<1x16xf32>,
      %broadcast_in_dim3A_79 = arith.constant 0.000000e+00 : f32
      %broadcast_in_dim3A_80 = vector.broadcast %broadcast_in_dim3A_79 : f32 to vector<16xf32>
      %swap3A_81 = arith.index_cast %scan3A_45 : i32 to index
      %swap3A_82 = arith.constant 80 : index
      %swap3A_83 = tpu.vector_load %arg6[%swap3A_81, %swap3A_82] {strides = array<i32>} : memref<16x128xf32, #tpu.memory_space<vmem>>, vector<1x16xf32>,
      %swap3A_84 = vector.shape_cast %swap3A_83 : vector<1x16xf32> to vector<16xf32>
      %swap3A_85 = vector.shape_cast %broadcast_in_dim3A_80 : vector<16xf32> to vector<1x16xf32>
      tpu.vector_store %arg6[%swap3A_81, %swap3A_82], %swap3A_85 {strides = array<i32>} : memref<16x128xf32, #tpu.memory_space<vmem>>, vector<1x16xf32>,
      %broadcast_in_dim3A_86 = arith.constant 0.000000e+00 : f32
      %broadcast_in_dim3A_87 = vector.broadcast %broadcast_in_dim3A_86 : f32 to vector<16xf32>
      %swap3A_88 = arith.index_cast %scan3A_45 : i32 to index
      %swap3A_89 = arith.constant 96 : index
      %swap3A_90 = tpu.vector_load %arg6[%swap3A_88, %swap3A_89] {strides = array<i32>} : memref<16x128xf32, #tpu.memory_space<vmem>>, vector<1x16xf32>,
      %swap3A_91 = vector.shape_cast %swap3A_90 : vector<1x16xf32> to vector<16xf32>
      %swap3A_92 = vector.shape_cast %broadcast_in_dim3A_87 : vector<16xf32> to vector<1x16xf32>
      tpu.vector_store %arg6[%swap3A_88, %swap3A_89], %swap3A_92 {strides = array<i32>} : memref<16x128xf32, #tpu.memory_space<vmem>>, vector<1x16xf32>,
      %broadcast_in_dim3A_93 = arith.constant 0.000000e+00 : f32
      %broadcast_in_dim3A_94 = vector.broadcast %broadcast_in_dim3A_93 : f32 to vector<16xf32>
      %swap3A_95 = arith.index_cast %scan3A_45 : i32 to index
      %swap3A_96 = arith.constant 112 : index
      %swap3A_97 = tpu.vector_load %arg6[%swap3A_95, %swap3A_96] {strides = array<i32>} : memref<16x128xf32, #tpu.memory_space<vmem>>, vector<1x16xf32>,
      %swap3A_98 = vector.shape_cast %swap3A_97 : vector<1x16xf32> to vector<16xf32>
      %swap3A_99 = vector.shape_cast %broadcast_in_dim3A_94 : vector<16xf32> to vector<1x16xf32>
      tpu.vector_store %arg6[%swap3A_95, %swap3A_96], %swap3A_99 {strides = array<i32>} : memref<16x128xf32, #tpu.memory_space<vmem>>, vector<1x16xf32>,
    }
    %scan3A_11 = arith.constant 16 : i32
    %scan3A_12 = arith.constant 0 : i32
    %scan3A_13 = arith.constant 0 : i32
    %scan3A_14 = arith.constant 40 : i32
    %scan3A_15 = arith.addi %scan3A_13, %scan3A_14 : i32
    %scan3A_16 = arith.constant 1 : i32
    scf.for %scan3A_45 = %scan3A_13 to %scan3A_15 step %scan3A_16  : i32 {
      %mul3A_46 = arith.constant 640 : i32
      %mul3A_47 = arith.muli %arg1, %mul3A_46 : i32
      %mul3A_48 = arith.constant 16 : i32
      %mul3A_49 = arith.muli %scan3A_45, %mul3A_48 : i32
      %add3A_50 = arith.addi %mul3A_47, %mul3A_49 : i32
      "tpu.region"() ({
        %run_scoped3A = tpu.sem_alloc : memref<!tpu.dma_semaphore, #tpu.memory_space<semaphore_mem>>
        %dma_start3A = arith.constant 0 : i32
        %dma_start3A_51 = tpu.memref_slice %arg7[%add3A_50, %dma_start3A] : memref<10240x128xf32, #tpu.memory_space<vmem_shared>> -> memref<16x128xf32, #tpu.memory_space<vmem_shared>>
        %dma_start3A_52 = arith.constant 0 : i32
        %dma_start3A_53 = tpu.memref_slice %arg7[%add3A_50, %dma_start3A_52] : memref<10240x128xf32, #tpu.memory_space<vmem_shared>> -> memref<16x128xf32, #tpu.memory_space<vmem_shared>>
        tpu.enqueue_dma source(%arg6 : memref<16x128xf32, #tpu.memory_space<vmem>>) target(%dma_start3A_53 : memref<16x128xf32, #tpu.memory_space<vmem_shared>>) target_semaphore(%run_scoped3A : memref<!tpu.dma_semaphore, #tpu.memory_space<semaphore_mem>>)
        %dma_wait3A = arith.constant 0 : i32
        %dma_wait3A_54 = tpu.memref_slice %arg7[%add3A_50, %dma_wait3A] : memref<10240x128xf32, #tpu.memory_space<vmem_shared>> -> memref<16x128xf32, #tpu.memory_space<vmem_shared>>
        %dma_wait3A_55 = arith.constant 0 : i32
        %dma_wait3A_56 = tpu.memref_slice %arg7[%add3A_50, %dma_wait3A_55] : memref<10240x128xf32, #tpu.memory_space<vmem_shared>> -> memref<16x128xf32, #tpu.memory_space<vmem_shared>>
        tpu.wait_dma2 semaphore(%run_scoped3A : memref<!tpu.dma_semaphore, #tpu.memory_space<semaphore_mem>>) src(%arg6 : memref<16x128xf32, #tpu.memory_space<vmem>>) dst(%dma_wait3A_56 : memref<16x128xf32, #tpu.memory_space<vmem_shared>>)
        tpu.yield
      }) : () -> ()
    }
    %scan3A_17 = arith.constant 40 : i32
    "tpu.region"() ({
      %run_scoped3A = tpu.sem_alloc : memref<!tpu.dma_semaphore, #tpu.memory_space<semaphore_mem>>
      %dma_start3A = arith.constant 0 : i32
      %dma_start3A_45 = arith.constant 0 : i32
      %dma_start3A_46 = tpu.memref_slice %arg2[%add3A, %dma_start3A, %dma_start3A_45] : memref<32x79x128xi32, #tpu.memory_space<hbm>> -> memref<1x79x128xi32, #tpu.memory_space<hbm>>
      %dma_start3A_47 = tpu.memref_squeeze %dma_start3A_46 : memref<1x79x128xi32, #tpu.memory_space<hbm>> -> memref<79x128xi32, #tpu.memory_space<hbm>>
      %dma_start3A_48 = arith.constant 0 : i32
      %dma_start3A_49 = arith.constant 0 : i32
      %dma_start3A_50 = tpu.memref_slice %arg2[%add3A, %dma_start3A_48, %dma_start3A_49] : memref<32x79x128xi32, #tpu.memory_space<hbm>> -> memref<1x79x128xi32, #tpu.memory_space<hbm>>
      %dma_start3A_51 = tpu.memref_squeeze %dma_start3A_50 : memref<1x79x128xi32, #tpu.memory_space<hbm>> -> memref<79x128xi32, #tpu.memory_space<hbm>>
      tpu.enqueue_dma source(%dma_start3A_51 : memref<79x128xi32, #tpu.memory_space<hbm>>) target(%arg4 : memref<79x128xi32, #tpu.memory_space<vmem>>) target_semaphore(%run_scoped3A : memref<!tpu.dma_semaphore, #tpu.memory_space<semaphore_mem>>)
      %dma_wait3A = arith.constant 0 : i32
      %dma_wait3A_52 = arith.constant 0 : i32
      %dma_wait3A_53 = tpu.memref_slice %arg2[%add3A, %dma_wait3A, %dma_wait3A_52] : memref<32x79x128xi32, #tpu.memory_space<hbm>> -> memref<1x79x128xi32, #tpu.memory_space<hbm>>
      %dma_wait3A_54 = tpu.memref_squeeze %dma_wait3A_53 : memref<1x79x128xi32, #tpu.memory_space<hbm>> -> memref<79x128xi32, #tpu.memory_space<hbm>>
      %dma_wait3A_55 = arith.constant 0 : i32
      %dma_wait3A_56 = arith.constant 0 : i32
      %dma_wait3A_57 = tpu.memref_slice %arg2[%add3A, %dma_wait3A_55, %dma_wait3A_56] : memref<32x79x128xi32, #tpu.memory_space<hbm>> -> memref<1x79x128xi32, #tpu.memory_space<hbm>>
      %dma_wait3A_58 = tpu.memref_squeeze %dma_wait3A_57 : memref<1x79x128xi32, #tpu.memory_space<hbm>> -> memref<79x128xi32, #tpu.memory_space<hbm>>
      tpu.wait_dma2 semaphore(%run_scoped3A : memref<!tpu.dma_semaphore, #tpu.memory_space<semaphore_mem>>) src(%dma_wait3A_58 : memref<79x128xi32, #tpu.memory_space<hbm>>) dst(%arg4 : memref<79x128xi32, #tpu.memory_space<vmem>>)
      tpu.yield
    }) : () -> ()
    %barrier3A = arith.constant 0 : index
    tpu.barrier barrier_id(%barrier3A)
    %scan3A_18 = arith.constant 0 : i32
    %scan3A_19 = arith.constant 0 : i32
    %scan3A_20 = arith.constant 79 : i32
    %scan3A_21 = arith.addi %scan3A_19, %scan3A_20 : i32
    %scan3A_22 = arith.constant 1 : i32
    scf.for %scan3A_45 = %scan3A_19 to %scan3A_21 step %scan3A_22  : i32 {
      "tpu.region"() ({
        %run_scoped3A = tpu.sem_alloc : memref<!tpu.dma_semaphore, #tpu.memory_space<semaphore_mem>>
        %dma_start3A = arith.constant 0 : i32
        %dma_start3A_46 = tpu.memref_slice %arg4[%scan3A_45, %dma_start3A] : memref<79x128xi32, #tpu.memory_space<vmem>> -> memref<1x128xi32, #tpu.memory_space<vmem>>
        %dma_start3A_47 = tpu.memref_squeeze %dma_start3A_46 : memref<1x128xi32, #tpu.memory_space<vmem>> -> memref<128xi32, #tpu.memory_space<vmem>>
        %dma_start3A_48 = arith.constant 0 : i32
        %dma_start3A_49 = arith.constant 0 : i32
        %dma_start3A_50 = tpu.memref_slice %arg7[%dma_start3A_48, %dma_start3A_49] : memref<10240x128xf32, #tpu.memory_space<vmem_shared>> -> memref<10240x128xf32, #tpu.memory_space<vmem_shared>>
        tpu.enqueue_indirect_dma source(%arg5 : memref<128x128xf32, #tpu.memory_space<vmem>>) target(%dma_start3A_50 : memref<10240x128xf32, #tpu.memory_space<vmem_shared>>) offsets(%dma_start3A_47 : memref<128xi32, #tpu.memory_space<vmem>>) semaphore(%run_scoped3A : memref<!tpu.dma_semaphore, #tpu.memory_space<semaphore_mem>>) {add = true}
        %dma_wait3A = arith.constant 0 : i32
        %dma_wait3A_51 = tpu.memref_slice %arg4[%scan3A_45, %dma_wait3A] : memref<79x128xi32, #tpu.memory_space<vmem>> -> memref<1x128xi32, #tpu.memory_space<vmem>>
        %dma_wait3A_52 = tpu.memref_squeeze %dma_wait3A_51 : memref<1x128xi32, #tpu.memory_space<vmem>> -> memref<128xi32, #tpu.memory_space<vmem>>
        %dma_wait3A_53 = arith.constant 0 : i32
        %dma_wait3A_54 = arith.constant 0 : i32
        %dma_wait3A_55 = tpu.memref_slice %arg7[%dma_wait3A_53, %dma_wait3A_54] : memref<10240x128xf32, #tpu.memory_space<vmem_shared>> -> memref<10240x128xf32, #tpu.memory_space<vmem_shared>>
        tpu.wait_indirect_dma semaphore(%run_scoped3A : memref<!tpu.dma_semaphore, #tpu.memory_space<semaphore_mem>>) src(%arg5 : memref<128x128xf32, #tpu.memory_space<vmem>>) dst(%dma_wait3A_55 : memref<10240x128xf32, #tpu.memory_space<vmem_shared>>)
        tpu.yield
      }) : () -> ()
    }
    %scan3A_23 = arith.constant 79 : i32
    %barrier3A_24 = arith.constant 0 : index
    tpu.barrier barrier_id(%barrier3A_24)
    %mul3A_25 = arith.constant 640 : i32
    %mul3A_26 = arith.muli %arg1, %mul3A_25 : i32
    %add3A_27 = arith.constant 0 : i32
    %add3A_28 = arith.addi %mul3A_26, %add3A_27 : i32
    "tpu.region"() ({
      %run_scoped3A = tpu.sem_alloc : memref<!tpu.dma_semaphore, #tpu.memory_space<semaphore_mem>>
      %dma_start3A = arith.constant 0 : i32
      %dma_start3A_45 = tpu.memref_slice %arg3[%arg0, %add3A_28, %dma_start3A] : memref<2x10240x128xf32, #tpu.memory_space<hbm>> -> memref<1x128x128xf32, #tpu.memory_space<hbm>>
      %dma_start3A_46 = tpu.memref_squeeze %dma_start3A_45 : memref<1x128x128xf32, #tpu.memory_space<hbm>> -> memref<128x128xf32, #tpu.memory_space<hbm>>
      %dma_start3A_47 = arith.constant 0 : i32
      %dma_start3A_48 = tpu.memref_slice %arg7[%add3A_28, %dma_start3A_47] : memref<10240x128xf32, #tpu.memory_space<vmem_shared>> -> memref<128x128xf32, #tpu.memory_space<vmem_shared>>
      tpu.enqueue_dma source(%dma_start3A_48 : memref<128x128xf32, #tpu.memory_space<vmem_shared>>) target(%dma_start3A_46 : memref<128x128xf32, #tpu.memory_space<hbm>>) target_semaphore(%run_scoped3A : memref<!tpu.dma_semaphore, #tpu.memory_space<semaphore_mem>>)
      %dma_wait3A = arith.constant 0 : i32
      %dma_wait3A_49 = tpu.memref_slice %arg3[%arg0, %add3A_28, %dma_wait3A] : memref<2x10240x128xf32, #tpu.memory_space<hbm>> -> memref<1x128x128xf32, #tpu.memory_space<hbm>>
      %dma_wait3A_50 = tpu.memref_squeeze %dma_wait3A_49 : memref<1x128x128xf32, #tpu.memory_space<hbm>> -> memref<128x128xf32, #tpu.memory_space<hbm>>
      %dma_wait3A_51 = arith.constant 0 : i32
      %dma_wait3A_52 = tpu.memref_slice %arg7[%add3A_28, %dma_wait3A_51] : memref<10240x128xf32, #tpu.memory_space<vmem_shared>> -> memref<128x128xf32, #tpu.memory_space<vmem_shared>>
      tpu.wait_dma2 semaphore(%run_scoped3A : memref<!tpu.dma_semaphore, #tpu.memory_space<semaphore_mem>>) src(%dma_wait3A_52 : memref<128x128xf32, #tpu.memory_space<vmem_shared>>) dst(%dma_wait3A_50 : memref<128x128xf32, #tpu.memory_space<hbm>>)
      tpu.yield
    }) : () -> ()
    %mul3A_29 = arith.constant 640 : i32
    %mul3A_30 = arith.muli %arg1, %mul3A_29 : i32
    %add3A_31 = arith.constant 128 : i32
    %add3A_32 = arith.addi %mul3A_30, %add3A_31 : i32
    "tpu.region"() ({
      %run_scoped3A = tpu.sem_alloc : memref<!tpu.dma_semaphore, #tpu.memory_space<semaphore_mem>>
      %dma_start3A = arith.constant 0 : i32
      %dma_start3A_45 = tpu.memref_slice %arg3[%arg0, %add3A_32, %dma_start3A] : memref<2x10240x128xf32, #tpu.memory_space<hbm>> -> memref<1x128x128xf32, #tpu.memory_space<hbm>>
      %dma_start3A_46 = tpu.memref_squeeze %dma_start3A_45 : memref<1x128x128xf32, #tpu.memory_space<hbm>> -> memref<128x128xf32, #tpu.memory_space<hbm>>
      %dma_start3A_47 = arith.constant 0 : i32
      %dma_start3A_48 = tpu.memref_slice %arg7[%add3A_32, %dma_start3A_47] : memref<10240x128xf32, #tpu.memory_space<vmem_shared>> -> memref<128x128xf32, #tpu.memory_space<vmem_shared>>
      tpu.enqueue_dma source(%dma_start3A_48 : memref<128x128xf32, #tpu.memory_space<vmem_shared>>) target(%dma_start3A_46 : memref<128x128xf32, #tpu.memory_space<hbm>>) target_semaphore(%run_scoped3A : memref<!tpu.dma_semaphore, #tpu.memory_space<semaphore_mem>>)
      %dma_wait3A = arith.constant 0 : i32
      %dma_wait3A_49 = tpu.memref_slice %arg3[%arg0, %add3A_32, %dma_wait3A] : memref<2x10240x128xf32, #tpu.memory_space<hbm>> -> memref<1x128x128xf32, #tpu.memory_space<hbm>>
      %dma_wait3A_50 = tpu.memref_squeeze %dma_wait3A_49 : memref<1x128x128xf32, #tpu.memory_space<hbm>> -> memref<128x128xf32, #tpu.memory_space<hbm>>
      %dma_wait3A_51 = arith.constant 0 : i32
      %dma_wait3A_52 = tpu.memref_slice %arg7[%add3A_32, %dma_wait3A_51] : memref<10240x128xf32, #tpu.memory_space<vmem_shared>> -> memref<128x128xf32, #tpu.memory_space<vmem_shared>>
      tpu.wait_dma2 semaphore(%run_scoped3A : memref<!tpu.dma_semaphore, #tpu.memory_space<semaphore_mem>>) src(%dma_wait3A_52 : memref<128x128xf32, #tpu.memory_space<vmem_shared>>) dst(%dma_wait3A_50 : memref<128x128xf32, #tpu.memory_space<hbm>>)
      tpu.yield
    }) : () -> ()
    %mul3A_33 = arith.constant 640 : i32
    %mul3A_34 = arith.muli %arg1, %mul3A_33 : i32
    %add3A_35 = arith.constant 256 : i32
    %add3A_36 = arith.addi %mul3A_34, %add3A_35 : i32
    "tpu.region"() ({
      %run_scoped3A = tpu.sem_alloc : memref<!tpu.dma_semaphore, #tpu.memory_space<semaphore_mem>>
      %dma_start3A = arith.constant 0 : i32
      %dma_start3A_45 = tpu.memref_slice %arg3[%arg0, %add3A_36, %dma_start3A] : memref<2x10240x128xf32, #tpu.memory_space<hbm>> -> memref<1x128x128xf32, #tpu.memory_space<hbm>>
      %dma_start3A_46 = tpu.memref_squeeze %dma_start3A_45 : memref<1x128x128xf32, #tpu.memory_space<hbm>> -> memref<128x128xf32, #tpu.memory_space<hbm>>
      %dma_start3A_47 = arith.constant 0 : i32
      %dma_start3A_48 = tpu.memref_slice %arg7[%add3A_36, %dma_start3A_47] : memref<10240x128xf32, #tpu.memory_space<vmem_shared>> -> memref<128x128xf32, #tpu.memory_space<vmem_shared>>
      tpu.enqueue_dma source(%dma_start3A_48 : memref<128x128xf32, #tpu.memory_space<vmem_shared>>) target(%dma_start3A_46 : memref<128x128xf32, #tpu.memory_space<hbm>>) target_semaphore(%run_scoped3A : memref<!tpu.dma_semaphore, #tpu.memory_space<semaphore_mem>>)
      %dma_wait3A = arith.constant 0 : i32
      %dma_wait3A_49 = tpu.memref_slice %arg3[%arg0, %add3A_36, %dma_wait3A] : memref<2x10240x128xf32, #tpu.memory_space<hbm>> -> memref<1x128x128xf32, #tpu.memory_space<hbm>>
      %dma_wait3A_50 = tpu.memref_squeeze %dma_wait3A_49 : memref<1x128x128xf32, #tpu.memory_space<hbm>> -> memref<128x128xf32, #tpu.memory_space<hbm>>
      %dma_wait3A_51 = arith.constant 0 : i32
      %dma_wait3A_52 = tpu.memref_slice %arg7[%add3A_36, %dma_wait3A_51] : memref<10240x128xf32, #tpu.memory_space<vmem_shared>> -> memref<128x128xf32, #tpu.memory_space<vmem_shared>>
      tpu.wait_dma2 semaphore(%run_scoped3A : memref<!tpu.dma_semaphore, #tpu.memory_space<semaphore_mem>>) src(%dma_wait3A_52 : memref<128x128xf32, #tpu.memory_space<vmem_shared>>) dst(%dma_wait3A_50 : memref<128x128xf32, #tpu.memory_space<hbm>>)
      tpu.yield
    }) : () -> ()
    %mul3A_37 = arith.constant 640 : i32
    %mul3A_38 = arith.muli %arg1, %mul3A_37 : i32
    %add3A_39 = arith.constant 384 : i32
    %add3A_40 = arith.addi %mul3A_38, %add3A_39 : i32
    "tpu.region"() ({
      %run_scoped3A = tpu.sem_alloc : memref<!tpu.dma_semaphore, #tpu.memory_space<semaphore_mem>>
      %dma_start3A = arith.constant 0 : i32
      %dma_start3A_45 = tpu.memref_slice %arg3[%arg0, %add3A_40, %dma_start3A] : memref<2x10240x128xf32, #tpu.memory_space<hbm>> -> memref<1x128x128xf32, #tpu.memory_space<hbm>>
      %dma_start3A_46 = tpu.memref_squeeze %dma_start3A_45 : memref<1x128x128xf32, #tpu.memory_space<hbm>> -> memref<128x128xf32, #tpu.memory_space<hbm>>
      %dma_start3A_47 = arith.constant 0 : i32
      %dma_start3A_48 = tpu.memref_slice %arg7[%add3A_40, %dma_start3A_47] : memref<10240x128xf32, #tpu.memory_space<vmem_shared>> -> memref<128x128xf32, #tpu.memory_space<vmem_shared>>
      tpu.enqueue_dma source(%dma_start3A_48 : memref<128x128xf32, #tpu.memory_space<vmem_shared>>) target(%dma_start3A_46 : memref<128x128xf32, #tpu.memory_space<hbm>>) target_semaphore(%run_scoped3A : memref<!tpu.dma_semaphore, #tpu.memory_space<semaphore_mem>>)
      %dma_wait3A = arith.constant 0 : i32
      %dma_wait3A_49 = tpu.memref_slice %arg3[%arg0, %add3A_40, %dma_wait3A] : memref<2x10240x128xf32, #tpu.memory_space<hbm>> -> memref<1x128x128xf32, #tpu.memory_space<hbm>>
      %dma_wait3A_50 = tpu.memref_squeeze %dma_wait3A_49 : memref<1x128x128xf32, #tpu.memory_space<hbm>> -> memref<128x128xf32, #tpu.memory_space<hbm>>
      %dma_wait3A_51 = arith.constant 0 : i32
      %dma_wait3A_52 = tpu.memref_slice %arg7[%add3A_40, %dma_wait3A_51] : memref<10240x128xf32, #tpu.memory_space<vmem_shared>> -> memref<128x128xf32, #tpu.memory_space<vmem_shared>>
      tpu.wait_dma2 semaphore(%run_scoped3A : memref<!tpu.dma_semaphore, #tpu.memory_space<semaphore_mem>>) src(%dma_wait3A_52 : memref<128x128xf32, #tpu.memory_space<vmem_shared>>) dst(%dma_wait3A_50 : memref<128x128xf32, #tpu.memory_space<hbm>>)
      tpu.yield
    }) : () -> ()
    %mul3A_41 = arith.constant 640 : i32
    %mul3A_42 = arith.muli %arg1, %mul3A_41 : i32
    %add3A_43 = arith.constant 512 : i32
    %add3A_44 = arith.addi %mul3A_42, %add3A_43 : i32
    "tpu.region"() ({
      %run_scoped3A = tpu.sem_alloc : memref<!tpu.dma_semaphore, #tpu.memory_space<semaphore_mem>>
      %dma_start3A = arith.constant 0 : i32
      %dma_start3A_45 = tpu.memref_slice %arg3[%arg0, %add3A_44, %dma_start3A] : memref<2x10240x128xf32, #tpu.memory_space<hbm>> -> memref<1x128x128xf32, #tpu.memory_space<hbm>>
      %dma_start3A_46 = tpu.memref_squeeze %dma_start3A_45 : memref<1x128x128xf32, #tpu.memory_space<hbm>> -> memref<128x128xf32, #tpu.memory_space<hbm>>
      %dma_start3A_47 = arith.constant 0 : i32
      %dma_start3A_48 = tpu.memref_slice %arg7[%add3A_44, %dma_start3A_47] : memref<10240x128xf32, #tpu.memory_space<vmem_shared>> -> memref<128x128xf32, #tpu.memory_space<vmem_shared>>
      tpu.enqueue_dma source(%dma_start3A_48 : memref<128x128xf32, #tpu.memory_space<vmem_shared>>) target(%dma_start3A_46 : memref<128x128xf32, #tpu.memory_space<hbm>>) target_semaphore(%run_scoped3A : memref<!tpu.dma_semaphore, #tpu.memory_space<semaphore_mem>>)
      %dma_wait3A = arith.constant 0 : i32
      %dma_wait3A_49 = tpu.memref_slice %arg3[%arg0, %add3A_44, %dma_wait3A] : memref<2x10240x128xf32, #tpu.memory_space<hbm>> -> memref<1x128x128xf32, #tpu.memory_space<hbm>>
      %dma_wait3A_50 = tpu.memref_squeeze %dma_wait3A_49 : memref<1x128x128xf32, #tpu.memory_space<hbm>> -> memref<128x128xf32, #tpu.memory_space<hbm>>
      %dma_wait3A_51 = arith.constant 0 : i32
      %dma_wait3A_52 = tpu.memref_slice %arg7[%add3A_44, %dma_wait3A_51] : memref<10240x128xf32, #tpu.memory_space<vmem_shared>> -> memref<128x128xf32, #tpu.memory_space<vmem_shared>>
      tpu.wait_dma2 semaphore(%run_scoped3A : memref<!tpu.dma_semaphore, #tpu.memory_space<semaphore_mem>>) src(%dma_wait3A_52 : memref<128x128xf32, #tpu.memory_space<vmem_shared>>) dst(%dma_wait3A_50 : memref<128x128xf32, #tpu.memory_space<hbm>>)
      tpu.yield
    }) : () -> ()
    return
  }
}

#map = affine_map<(d0, d1) -> (0, 0)>
#map1 = affine_map<(d0, d1) -> (0, 0, 0)>
module attributes {stable_mosaic.version = 14 : i64} {
  func.func @_agg_body(%arg0: i32, %arg1: i32, %arg2: memref<10240x128xf32, #tpu.memory_space<hbm>>, %arg3: memref<32x79x128xi32, #tpu.memory_space<hbm>>, %arg4: memref<32x79x128xi32, #tpu.memory_space<hbm>>, %arg5: memref<2x10240x128xf32, #tpu.memory_space<hbm>>, %arg6: memref<79x128xi32, #tpu.memory_space<vmem>>, %arg7: memref<79x128xi32, #tpu.memory_space<vmem>>, %arg8: memref<128x128xf32, #tpu.memory_space<vmem>>, %arg9: memref<16x128xf32, #tpu.memory_space<vmem>>, %arg10: memref<10240x128xf32, #tpu.memory_space<vmem_shared>>, %arg11: memref<!tpu.dma_semaphore, #tpu.memory_space<semaphore_mem>>) attributes {dimension_semantics = [#tpu.dimension_semantics<core_parallel>, #tpu.dimension_semantics<subcore_parallel>], iteration_bounds = array<i64: 2, 16>, scalar_prefetch = 0 : i64, scratch_operands = 6 : i64, tpu.core_type = #tpu.core_type<sc_vector_subcore>, window_params = [{transform_indices = #map}, {transform_indices = #map1}, {transform_indices = #map1}, {transform_indices = #map1}]} {
    %mul3A = arith.constant 16 : i32
    %mul3A_0 = arith.muli %arg0, %mul3A : i32
    %add3A = arith.addi %mul3A_0, %arg1 : i32
    %scan3A = arith.constant 0 : i32
    %scan3A_1 = arith.constant 0 : i32
    %scan3A_2 = arith.constant 16 : i32
    %scan3A_3 = arith.addi %scan3A_1, %scan3A_2 : i32
    %scan3A_4 = arith.constant 1 : i32
    scf.for %scan3A_39 = %scan3A_1 to %scan3A_3 step %scan3A_4  : i32 {
      %broadcast_in_dim3A = arith.constant 0.000000e+00 : f32
      %broadcast_in_dim3A_40 = vector.broadcast %broadcast_in_dim3A : f32 to vector<16xf32>
      %swap3A = arith.index_cast %scan3A_39 : i32 to index
      %swap3A_41 = arith.constant 0 : index
      %swap3A_42 = tpu.vector_load %arg9[%swap3A, %swap3A_41] {strides = array<i32>} : memref<16x128xf32, #tpu.memory_space<vmem>>, vector<1x16xf32>,
      %swap3A_43 = vector.shape_cast %swap3A_42 : vector<1x16xf32> to vector<16xf32>
      %swap3A_44 = vector.shape_cast %broadcast_in_dim3A_40 : vector<16xf32> to vector<1x16xf32>
      tpu.vector_store %arg9[%swap3A, %swap3A_41], %swap3A_44 {strides = array<i32>} : memref<16x128xf32, #tpu.memory_space<vmem>>, vector<1x16xf32>,
      %broadcast_in_dim3A_45 = arith.constant 0.000000e+00 : f32
      %broadcast_in_dim3A_46 = vector.broadcast %broadcast_in_dim3A_45 : f32 to vector<16xf32>
      %swap3A_47 = arith.index_cast %scan3A_39 : i32 to index
      %swap3A_48 = arith.constant 16 : index
      %swap3A_49 = tpu.vector_load %arg9[%swap3A_47, %swap3A_48] {strides = array<i32>} : memref<16x128xf32, #tpu.memory_space<vmem>>, vector<1x16xf32>,
      %swap3A_50 = vector.shape_cast %swap3A_49 : vector<1x16xf32> to vector<16xf32>
      %swap3A_51 = vector.shape_cast %broadcast_in_dim3A_46 : vector<16xf32> to vector<1x16xf32>
      tpu.vector_store %arg9[%swap3A_47, %swap3A_48], %swap3A_51 {strides = array<i32>} : memref<16x128xf32, #tpu.memory_space<vmem>>, vector<1x16xf32>,
      %broadcast_in_dim3A_52 = arith.constant 0.000000e+00 : f32
      %broadcast_in_dim3A_53 = vector.broadcast %broadcast_in_dim3A_52 : f32 to vector<16xf32>
      %swap3A_54 = arith.index_cast %scan3A_39 : i32 to index
      %swap3A_55 = arith.constant 32 : index
      %swap3A_56 = tpu.vector_load %arg9[%swap3A_54, %swap3A_55] {strides = array<i32>} : memref<16x128xf32, #tpu.memory_space<vmem>>, vector<1x16xf32>,
      %swap3A_57 = vector.shape_cast %swap3A_56 : vector<1x16xf32> to vector<16xf32>
      %swap3A_58 = vector.shape_cast %broadcast_in_dim3A_53 : vector<16xf32> to vector<1x16xf32>
      tpu.vector_store %arg9[%swap3A_54, %swap3A_55], %swap3A_58 {strides = array<i32>} : memref<16x128xf32, #tpu.memory_space<vmem>>, vector<1x16xf32>,
      %broadcast_in_dim3A_59 = arith.constant 0.000000e+00 : f32
      %broadcast_in_dim3A_60 = vector.broadcast %broadcast_in_dim3A_59 : f32 to vector<16xf32>
      %swap3A_61 = arith.index_cast %scan3A_39 : i32 to index
      %swap3A_62 = arith.constant 48 : index
      %swap3A_63 = tpu.vector_load %arg9[%swap3A_61, %swap3A_62] {strides = array<i32>} : memref<16x128xf32, #tpu.memory_space<vmem>>, vector<1x16xf32>,
      %swap3A_64 = vector.shape_cast %swap3A_63 : vector<1x16xf32> to vector<16xf32>
      %swap3A_65 = vector.shape_cast %broadcast_in_dim3A_60 : vector<16xf32> to vector<1x16xf32>
      tpu.vector_store %arg9[%swap3A_61, %swap3A_62], %swap3A_65 {strides = array<i32>} : memref<16x128xf32, #tpu.memory_space<vmem>>, vector<1x16xf32>,
      %broadcast_in_dim3A_66 = arith.constant 0.000000e+00 : f32
      %broadcast_in_dim3A_67 = vector.broadcast %broadcast_in_dim3A_66 : f32 to vector<16xf32>
      %swap3A_68 = arith.index_cast %scan3A_39 : i32 to index
      %swap3A_69 = arith.constant 64 : index
      %swap3A_70 = tpu.vector_load %arg9[%swap3A_68, %swap3A_69] {strides = array<i32>} : memref<16x128xf32, #tpu.memory_space<vmem>>, vector<1x16xf32>,
      %swap3A_71 = vector.shape_cast %swap3A_70 : vector<1x16xf32> to vector<16xf32>
      %swap3A_72 = vector.shape_cast %broadcast_in_dim3A_67 : vector<16xf32> to vector<1x16xf32>
      tpu.vector_store %arg9[%swap3A_68, %swap3A_69], %swap3A_72 {strides = array<i32>} : memref<16x128xf32, #tpu.memory_space<vmem>>, vector<1x16xf32>,
      %broadcast_in_dim3A_73 = arith.constant 0.000000e+00 : f32
      %broadcast_in_dim3A_74 = vector.broadcast %broadcast_in_dim3A_73 : f32 to vector<16xf32>
      %swap3A_75 = arith.index_cast %scan3A_39 : i32 to index
      %swap3A_76 = arith.constant 80 : index
      %swap3A_77 = tpu.vector_load %arg9[%swap3A_75, %swap3A_76] {strides = array<i32>} : memref<16x128xf32, #tpu.memory_space<vmem>>, vector<1x16xf32>,
      %swap3A_78 = vector.shape_cast %swap3A_77 : vector<1x16xf32> to vector<16xf32>
      %swap3A_79 = vector.shape_cast %broadcast_in_dim3A_74 : vector<16xf32> to vector<1x16xf32>
      tpu.vector_store %arg9[%swap3A_75, %swap3A_76], %swap3A_79 {strides = array<i32>} : memref<16x128xf32, #tpu.memory_space<vmem>>, vector<1x16xf32>,
      %broadcast_in_dim3A_80 = arith.constant 0.000000e+00 : f32
      %broadcast_in_dim3A_81 = vector.broadcast %broadcast_in_dim3A_80 : f32 to vector<16xf32>
      %swap3A_82 = arith.index_cast %scan3A_39 : i32 to index
      %swap3A_83 = arith.constant 96 : index
      %swap3A_84 = tpu.vector_load %arg9[%swap3A_82, %swap3A_83] {strides = array<i32>} : memref<16x128xf32, #tpu.memory_space<vmem>>, vector<1x16xf32>,
      %swap3A_85 = vector.shape_cast %swap3A_84 : vector<1x16xf32> to vector<16xf32>
      %swap3A_86 = vector.shape_cast %broadcast_in_dim3A_81 : vector<16xf32> to vector<1x16xf32>
      tpu.vector_store %arg9[%swap3A_82, %swap3A_83], %swap3A_86 {strides = array<i32>} : memref<16x128xf32, #tpu.memory_space<vmem>>, vector<1x16xf32>,
      %broadcast_in_dim3A_87 = arith.constant 0.000000e+00 : f32
      %broadcast_in_dim3A_88 = vector.broadcast %broadcast_in_dim3A_87 : f32 to vector<16xf32>
      %swap3A_89 = arith.index_cast %scan3A_39 : i32 to index
      %swap3A_90 = arith.constant 112 : index
      %swap3A_91 = tpu.vector_load %arg9[%swap3A_89, %swap3A_90] {strides = array<i32>} : memref<16x128xf32, #tpu.memory_space<vmem>>, vector<1x16xf32>,
      %swap3A_92 = vector.shape_cast %swap3A_91 : vector<1x16xf32> to vector<16xf32>
      %swap3A_93 = vector.shape_cast %broadcast_in_dim3A_88 : vector<16xf32> to vector<1x16xf32>
      tpu.vector_store %arg9[%swap3A_89, %swap3A_90], %swap3A_93 {strides = array<i32>} : memref<16x128xf32, #tpu.memory_space<vmem>>, vector<1x16xf32>,
    }
    %scan3A_5 = arith.constant 16 : i32
    %scan3A_6 = arith.constant 0 : i32
    %scan3A_7 = arith.constant 0 : i32
    %scan3A_8 = arith.constant 40 : i32
    %scan3A_9 = arith.addi %scan3A_7, %scan3A_8 : i32
    %scan3A_10 = arith.constant 1 : i32
    scf.for %scan3A_39 = %scan3A_7 to %scan3A_9 step %scan3A_10  : i32 {
      %mul3A_40 = arith.constant 640 : i32
      %mul3A_41 = arith.muli %arg1, %mul3A_40 : i32
      %mul3A_42 = arith.constant 16 : i32
      %mul3A_43 = arith.muli %scan3A_39, %mul3A_42 : i32
      %add3A_44 = arith.addi %mul3A_41, %mul3A_43 : i32
      "tpu.region"() ({
        %run_scoped3A = tpu.sem_alloc : memref<!tpu.dma_semaphore, #tpu.memory_space<semaphore_mem>>
        %dma_start3A = arith.constant 0 : i32
        %dma_start3A_45 = tpu.memref_slice %arg10[%add3A_44, %dma_start3A] : memref<10240x128xf32, #tpu.memory_space<vmem_shared>> -> memref<16x128xf32, #tpu.memory_space<vmem_shared>>
        %dma_start3A_46 = arith.constant 0 : i32
        %dma_start3A_47 = tpu.memref_slice %arg10[%add3A_44, %dma_start3A_46] : memref<10240x128xf32, #tpu.memory_space<vmem_shared>> -> memref<16x128xf32, #tpu.memory_space<vmem_shared>>
        tpu.enqueue_dma source(%arg9 : memref<16x128xf32, #tpu.memory_space<vmem>>) target(%dma_start3A_47 : memref<16x128xf32, #tpu.memory_space<vmem_shared>>) target_semaphore(%run_scoped3A : memref<!tpu.dma_semaphore, #tpu.memory_space<semaphore_mem>>)
        %dma_wait3A = arith.constant 0 : i32
        %dma_wait3A_48 = tpu.memref_slice %arg10[%add3A_44, %dma_wait3A] : memref<10240x128xf32, #tpu.memory_space<vmem_shared>> -> memref<16x128xf32, #tpu.memory_space<vmem_shared>>
        %dma_wait3A_49 = arith.constant 0 : i32
        %dma_wait3A_50 = tpu.memref_slice %arg10[%add3A_44, %dma_wait3A_49] : memref<10240x128xf32, #tpu.memory_space<vmem_shared>> -> memref<16x128xf32, #tpu.memory_space<vmem_shared>>
        tpu.wait_dma2 semaphore(%run_scoped3A : memref<!tpu.dma_semaphore, #tpu.memory_space<semaphore_mem>>) src(%arg9 : memref<16x128xf32, #tpu.memory_space<vmem>>) dst(%dma_wait3A_50 : memref<16x128xf32, #tpu.memory_space<vmem_shared>>)
        tpu.yield
      }) : () -> ()
    }
    %scan3A_11 = arith.constant 40 : i32
    "tpu.region"() ({
      %run_scoped3A = tpu.sem_alloc : memref<!tpu.dma_semaphore, #tpu.memory_space<semaphore_mem>>
      %dma_start3A = arith.constant 0 : i32
      %dma_start3A_39 = arith.constant 0 : i32
      %dma_start3A_40 = tpu.memref_slice %arg3[%add3A, %dma_start3A, %dma_start3A_39] : memref<32x79x128xi32, #tpu.memory_space<hbm>> -> memref<1x79x128xi32, #tpu.memory_space<hbm>>
      %dma_start3A_41 = tpu.memref_squeeze %dma_start3A_40 : memref<1x79x128xi32, #tpu.memory_space<hbm>> -> memref<79x128xi32, #tpu.memory_space<hbm>>
      %dma_start3A_42 = arith.constant 0 : i32
      %dma_start3A_43 = arith.constant 0 : i32
      %dma_start3A_44 = tpu.memref_slice %arg3[%add3A, %dma_start3A_42, %dma_start3A_43] : memref<32x79x128xi32, #tpu.memory_space<hbm>> -> memref<1x79x128xi32, #tpu.memory_space<hbm>>
      %dma_start3A_45 = tpu.memref_squeeze %dma_start3A_44 : memref<1x79x128xi32, #tpu.memory_space<hbm>> -> memref<79x128xi32, #tpu.memory_space<hbm>>
      tpu.enqueue_dma source(%dma_start3A_45 : memref<79x128xi32, #tpu.memory_space<hbm>>) target(%arg6 : memref<79x128xi32, #tpu.memory_space<vmem>>) target_semaphore(%run_scoped3A : memref<!tpu.dma_semaphore, #tpu.memory_space<semaphore_mem>>)
      %dma_wait3A = arith.constant 0 : i32
      %dma_wait3A_46 = arith.constant 0 : i32
      %dma_wait3A_47 = tpu.memref_slice %arg3[%add3A, %dma_wait3A, %dma_wait3A_46] : memref<32x79x128xi32, #tpu.memory_space<hbm>> -> memref<1x79x128xi32, #tpu.memory_space<hbm>>
      %dma_wait3A_48 = tpu.memref_squeeze %dma_wait3A_47 : memref<1x79x128xi32, #tpu.memory_space<hbm>> -> memref<79x128xi32, #tpu.memory_space<hbm>>
      %dma_wait3A_49 = arith.constant 0 : i32
      %dma_wait3A_50 = arith.constant 0 : i32
      %dma_wait3A_51 = tpu.memref_slice %arg3[%add3A, %dma_wait3A_49, %dma_wait3A_50] : memref<32x79x128xi32, #tpu.memory_space<hbm>> -> memref<1x79x128xi32, #tpu.memory_space<hbm>>
      %dma_wait3A_52 = tpu.memref_squeeze %dma_wait3A_51 : memref<1x79x128xi32, #tpu.memory_space<hbm>> -> memref<79x128xi32, #tpu.memory_space<hbm>>
      tpu.wait_dma2 semaphore(%run_scoped3A : memref<!tpu.dma_semaphore, #tpu.memory_space<semaphore_mem>>) src(%dma_wait3A_52 : memref<79x128xi32, #tpu.memory_space<hbm>>) dst(%arg6 : memref<79x128xi32, #tpu.memory_space<vmem>>)
      tpu.yield
    }) : () -> ()
    "tpu.region"() ({
      %run_scoped3A = tpu.sem_alloc : memref<!tpu.dma_semaphore, #tpu.memory_space<semaphore_mem>>
      %dma_start3A = arith.constant 0 : i32
      %dma_start3A_39 = arith.constant 0 : i32
      %dma_start3A_40 = tpu.memref_slice %arg4[%add3A, %dma_start3A, %dma_start3A_39] : memref<32x79x128xi32, #tpu.memory_space<hbm>> -> memref<1x79x128xi32, #tpu.memory_space<hbm>>
      %dma_start3A_41 = tpu.memref_squeeze %dma_start3A_40 : memref<1x79x128xi32, #tpu.memory_space<hbm>> -> memref<79x128xi32, #tpu.memory_space<hbm>>
      %dma_start3A_42 = arith.constant 0 : i32
      %dma_start3A_43 = arith.constant 0 : i32
      %dma_start3A_44 = tpu.memref_slice %arg4[%add3A, %dma_start3A_42, %dma_start3A_43] : memref<32x79x128xi32, #tpu.memory_space<hbm>> -> memref<1x79x128xi32, #tpu.memory_space<hbm>>
      %dma_start3A_45 = tpu.memref_squeeze %dma_start3A_44 : memref<1x79x128xi32, #tpu.memory_space<hbm>> -> memref<79x128xi32, #tpu.memory_space<hbm>>
      tpu.enqueue_dma source(%dma_start3A_45 : memref<79x128xi32, #tpu.memory_space<hbm>>) target(%arg7 : memref<79x128xi32, #tpu.memory_space<vmem>>) target_semaphore(%run_scoped3A : memref<!tpu.dma_semaphore, #tpu.memory_space<semaphore_mem>>)
      %dma_wait3A = arith.constant 0 : i32
      %dma_wait3A_46 = arith.constant 0 : i32
      %dma_wait3A_47 = tpu.memref_slice %arg4[%add3A, %dma_wait3A, %dma_wait3A_46] : memref<32x79x128xi32, #tpu.memory_space<hbm>> -> memref<1x79x128xi32, #tpu.memory_space<hbm>>
      %dma_wait3A_48 = tpu.memref_squeeze %dma_wait3A_47 : memref<1x79x128xi32, #tpu.memory_space<hbm>> -> memref<79x128xi32, #tpu.memory_space<hbm>>
      %dma_wait3A_49 = arith.constant 0 : i32
      %dma_wait3A_50 = arith.constant 0 : i32
      %dma_wait3A_51 = tpu.memref_slice %arg4[%add3A, %dma_wait3A_49, %dma_wait3A_50] : memref<32x79x128xi32, #tpu.memory_space<hbm>> -> memref<1x79x128xi32, #tpu.memory_space<hbm>>
      %dma_wait3A_52 = tpu.memref_squeeze %dma_wait3A_51 : memref<1x79x128xi32, #tpu.memory_space<hbm>> -> memref<79x128xi32, #tpu.memory_space<hbm>>
      tpu.wait_dma2 semaphore(%run_scoped3A : memref<!tpu.dma_semaphore, #tpu.memory_space<semaphore_mem>>) src(%dma_wait3A_52 : memref<79x128xi32, #tpu.memory_space<hbm>>) dst(%arg7 : memref<79x128xi32, #tpu.memory_space<vmem>>)
      tpu.yield
    }) : () -> ()
    %barrier3A = arith.constant 0 : index
    tpu.barrier barrier_id(%barrier3A)
    %scan3A_12 = arith.constant 0 : i32
    %scan3A_13 = arith.constant 0 : i32
    %scan3A_14 = arith.constant 79 : i32
    %scan3A_15 = arith.addi %scan3A_13, %scan3A_14 : i32
    %scan3A_16 = arith.constant 1 : i32
    scf.for %scan3A_39 = %scan3A_13 to %scan3A_15 step %scan3A_16  : i32 {
      %dma_start3A = arith.constant 0 : i32
      %dma_start3A_40 = tpu.memref_slice %arg6[%scan3A_39, %dma_start3A] : memref<79x128xi32, #tpu.memory_space<vmem>> -> memref<1x128xi32, #tpu.memory_space<vmem>>
      %dma_start3A_41 = tpu.memref_squeeze %dma_start3A_40 : memref<1x128xi32, #tpu.memory_space<vmem>> -> memref<128xi32, #tpu.memory_space<vmem>>
      %dma_start3A_42 = arith.constant 0 : i32
      %dma_start3A_43 = arith.constant 0 : i32
      %dma_start3A_44 = tpu.memref_slice %arg2[%dma_start3A_42, %dma_start3A_43] : memref<10240x128xf32, #tpu.memory_space<hbm>> -> memref<10240x128xf32, #tpu.memory_space<hbm>>
      tpu.enqueue_indirect_dma source(%dma_start3A_44 : memref<10240x128xf32, #tpu.memory_space<hbm>>) target(%arg8 : memref<128x128xf32, #tpu.memory_space<vmem>>) offsets(%dma_start3A_41 : memref<128xi32, #tpu.memory_space<vmem>>) semaphore(%arg11 : memref<!tpu.dma_semaphore, #tpu.memory_space<semaphore_mem>>)
      %dma_wait3A = arith.constant 0 : i32
      %dma_wait3A_45 = tpu.memref_slice %arg6[%scan3A_39, %dma_wait3A] : memref<79x128xi32, #tpu.memory_space<vmem>> -> memref<1x128xi32, #tpu.memory_space<vmem>>
      %dma_wait3A_46 = tpu.memref_squeeze %dma_wait3A_45 : memref<1x128xi32, #tpu.memory_space<vmem>> -> memref<128xi32, #tpu.memory_space<vmem>>
      %dma_wait3A_47 = arith.constant 0 : i32
      %dma_wait3A_48 = arith.constant 0 : i32
      %dma_wait3A_49 = tpu.memref_slice %arg2[%dma_wait3A_47, %dma_wait3A_48] : memref<10240x128xf32, #tpu.memory_space<hbm>> -> memref<10240x128xf32, #tpu.memory_space<hbm>>
      tpu.wait_indirect_dma semaphore(%arg11 : memref<!tpu.dma_semaphore, #tpu.memory_space<semaphore_mem>>) src(%dma_wait3A_49 : memref<10240x128xf32, #tpu.memory_space<hbm>>) dst(%arg8 : memref<128x128xf32, #tpu.memory_space<vmem>>)
      "tpu.region"() ({
        %run_scoped3A = tpu.sem_alloc : memref<!tpu.dma_semaphore, #tpu.memory_space<semaphore_mem>>
        %dma_start3A_50 = arith.constant 0 : i32
        %dma_start3A_51 = tpu.memref_slice %arg7[%scan3A_39, %dma_start3A_50] : memref<79x128xi32, #tpu.memory_space<vmem>> -> memref<1x128xi32, #tpu.memory_space<vmem>>
        %dma_start3A_52 = tpu.memref_squeeze %dma_start3A_51 : memref<1x128xi32, #tpu.memory_space<vmem>> -> memref<128xi32, #tpu.memory_space<vmem>>
        %dma_start3A_53 = arith.constant 0 : i32
        %dma_start3A_54 = arith.constant 0 : i32
        %dma_start3A_55 = tpu.memref_slice %arg10[%dma_start3A_53, %dma_start3A_54] : memref<10240x128xf32, #tpu.memory_space<vmem_shared>> -> memref<10240x128xf32, #tpu.memory_space<vmem_shared>>
        tpu.enqueue_indirect_dma source(%arg8 : memref<128x128xf32, #tpu.memory_space<vmem>>) target(%dma_start3A_55 : memref<10240x128xf32, #tpu.memory_space<vmem_shared>>) offsets(%dma_start3A_52 : memref<128xi32, #tpu.memory_space<vmem>>) semaphore(%run_scoped3A : memref<!tpu.dma_semaphore, #tpu.memory_space<semaphore_mem>>) {add = true}
        %dma_wait3A_56 = arith.constant 0 : i32
        %dma_wait3A_57 = tpu.memref_slice %arg7[%scan3A_39, %dma_wait3A_56] : memref<79x128xi32, #tpu.memory_space<vmem>> -> memref<1x128xi32, #tpu.memory_space<vmem>>
        %dma_wait3A_58 = tpu.memref_squeeze %dma_wait3A_57 : memref<1x128xi32, #tpu.memory_space<vmem>> -> memref<128xi32, #tpu.memory_space<vmem>>
        %dma_wait3A_59 = arith.constant 0 : i32
        %dma_wait3A_60 = arith.constant 0 : i32
        %dma_wait3A_61 = tpu.memref_slice %arg10[%dma_wait3A_59, %dma_wait3A_60] : memref<10240x128xf32, #tpu.memory_space<vmem_shared>> -> memref<10240x128xf32, #tpu.memory_space<vmem_shared>>
        tpu.wait_indirect_dma semaphore(%run_scoped3A : memref<!tpu.dma_semaphore, #tpu.memory_space<semaphore_mem>>) src(%arg8 : memref<128x128xf32, #tpu.memory_space<vmem>>) dst(%dma_wait3A_61 : memref<10240x128xf32, #tpu.memory_space<vmem_shared>>)
        tpu.yield
      }) : () -> ()
    }
    %scan3A_17 = arith.constant 79 : i32
    %barrier3A_18 = arith.constant 0 : index
    tpu.barrier barrier_id(%barrier3A_18)
    %mul3A_19 = arith.constant 640 : i32
    %mul3A_20 = arith.muli %arg1, %mul3A_19 : i32
    %add3A_21 = arith.constant 0 : i32
    %add3A_22 = arith.addi %mul3A_20, %add3A_21 : i32
    "tpu.region"() ({
      %run_scoped3A = tpu.sem_alloc : memref<!tpu.dma_semaphore, #tpu.memory_space<semaphore_mem>>
      %dma_start3A = arith.constant 0 : i32
      %dma_start3A_39 = tpu.memref_slice %arg5[%arg0, %add3A_22, %dma_start3A] : memref<2x10240x128xf32, #tpu.memory_space<hbm>> -> memref<1x128x128xf32, #tpu.memory_space<hbm>>
      %dma_start3A_40 = tpu.memref_squeeze %dma_start3A_39 : memref<1x128x128xf32, #tpu.memory_space<hbm>> -> memref<128x128xf32, #tpu.memory_space<hbm>>
      %dma_start3A_41 = arith.constant 0 : i32
      %dma_start3A_42 = tpu.memref_slice %arg10[%add3A_22, %dma_start3A_41] : memref<10240x128xf32, #tpu.memory_space<vmem_shared>> -> memref<128x128xf32, #tpu.memory_space<vmem_shared>>
      tpu.enqueue_dma source(%dma_start3A_42 : memref<128x128xf32, #tpu.memory_space<vmem_shared>>) target(%dma_start3A_40 : memref<128x128xf32, #tpu.memory_space<hbm>>) target_semaphore(%run_scoped3A : memref<!tpu.dma_semaphore, #tpu.memory_space<semaphore_mem>>)
      %dma_wait3A = arith.constant 0 : i32
      %dma_wait3A_43 = tpu.memref_slice %arg5[%arg0, %add3A_22, %dma_wait3A] : memref<2x10240x128xf32, #tpu.memory_space<hbm>> -> memref<1x128x128xf32, #tpu.memory_space<hbm>>
      %dma_wait3A_44 = tpu.memref_squeeze %dma_wait3A_43 : memref<1x128x128xf32, #tpu.memory_space<hbm>> -> memref<128x128xf32, #tpu.memory_space<hbm>>
      %dma_wait3A_45 = arith.constant 0 : i32
      %dma_wait3A_46 = tpu.memref_slice %arg10[%add3A_22, %dma_wait3A_45] : memref<10240x128xf32, #tpu.memory_space<vmem_shared>> -> memref<128x128xf32, #tpu.memory_space<vmem_shared>>
      tpu.wait_dma2 semaphore(%run_scoped3A : memref<!tpu.dma_semaphore, #tpu.memory_space<semaphore_mem>>) src(%dma_wait3A_46 : memref<128x128xf32, #tpu.memory_space<vmem_shared>>) dst(%dma_wait3A_44 : memref<128x128xf32, #tpu.memory_space<hbm>>)
      tpu.yield
    }) : () -> ()
    %mul3A_23 = arith.constant 640 : i32
    %mul3A_24 = arith.muli %arg1, %mul3A_23 : i32
    %add3A_25 = arith.constant 128 : i32
    %add3A_26 = arith.addi %mul3A_24, %add3A_25 : i32
    "tpu.region"() ({
      %run_scoped3A = tpu.sem_alloc : memref<!tpu.dma_semaphore, #tpu.memory_space<semaphore_mem>>
      %dma_start3A = arith.constant 0 : i32
      %dma_start3A_39 = tpu.memref_slice %arg5[%arg0, %add3A_26, %dma_start3A] : memref<2x10240x128xf32, #tpu.memory_space<hbm>> -> memref<1x128x128xf32, #tpu.memory_space<hbm>>
      %dma_start3A_40 = tpu.memref_squeeze %dma_start3A_39 : memref<1x128x128xf32, #tpu.memory_space<hbm>> -> memref<128x128xf32, #tpu.memory_space<hbm>>
      %dma_start3A_41 = arith.constant 0 : i32
      %dma_start3A_42 = tpu.memref_slice %arg10[%add3A_26, %dma_start3A_41] : memref<10240x128xf32, #tpu.memory_space<vmem_shared>> -> memref<128x128xf32, #tpu.memory_space<vmem_shared>>
      tpu.enqueue_dma source(%dma_start3A_42 : memref<128x128xf32, #tpu.memory_space<vmem_shared>>) target(%dma_start3A_40 : memref<128x128xf32, #tpu.memory_space<hbm>>) target_semaphore(%run_scoped3A : memref<!tpu.dma_semaphore, #tpu.memory_space<semaphore_mem>>)
      %dma_wait3A = arith.constant 0 : i32
      %dma_wait3A_43 = tpu.memref_slice %arg5[%arg0, %add3A_26, %dma_wait3A] : memref<2x10240x128xf32, #tpu.memory_space<hbm>> -> memref<1x128x128xf32, #tpu.memory_space<hbm>>
      %dma_wait3A_44 = tpu.memref_squeeze %dma_wait3A_43 : memref<1x128x128xf32, #tpu.memory_space<hbm>> -> memref<128x128xf32, #tpu.memory_space<hbm>>
      %dma_wait3A_45 = arith.constant 0 : i32
      %dma_wait3A_46 = tpu.memref_slice %arg10[%add3A_26, %dma_wait3A_45] : memref<10240x128xf32, #tpu.memory_space<vmem_shared>> -> memref<128x128xf32, #tpu.memory_space<vmem_shared>>
      tpu.wait_dma2 semaphore(%run_scoped3A : memref<!tpu.dma_semaphore, #tpu.memory_space<semaphore_mem>>) src(%dma_wait3A_46 : memref<128x128xf32, #tpu.memory_space<vmem_shared>>) dst(%dma_wait3A_44 : memref<128x128xf32, #tpu.memory_space<hbm>>)
      tpu.yield
    }) : () -> ()
    %mul3A_27 = arith.constant 640 : i32
    %mul3A_28 = arith.muli %arg1, %mul3A_27 : i32
    %add3A_29 = arith.constant 256 : i32
    %add3A_30 = arith.addi %mul3A_28, %add3A_29 : i32
    "tpu.region"() ({
      %run_scoped3A = tpu.sem_alloc : memref<!tpu.dma_semaphore, #tpu.memory_space<semaphore_mem>>
      %dma_start3A = arith.constant 0 : i32
      %dma_start3A_39 = tpu.memref_slice %arg5[%arg0, %add3A_30, %dma_start3A] : memref<2x10240x128xf32, #tpu.memory_space<hbm>> -> memref<1x128x128xf32, #tpu.memory_space<hbm>>
      %dma_start3A_40 = tpu.memref_squeeze %dma_start3A_39 : memref<1x128x128xf32, #tpu.memory_space<hbm>> -> memref<128x128xf32, #tpu.memory_space<hbm>>
      %dma_start3A_41 = arith.constant 0 : i32
      %dma_start3A_42 = tpu.memref_slice %arg10[%add3A_30, %dma_start3A_41] : memref<10240x128xf32, #tpu.memory_space<vmem_shared>> -> memref<128x128xf32, #tpu.memory_space<vmem_shared>>
      tpu.enqueue_dma source(%dma_start3A_42 : memref<128x128xf32, #tpu.memory_space<vmem_shared>>) target(%dma_start3A_40 : memref<128x128xf32, #tpu.memory_space<hbm>>) target_semaphore(%run_scoped3A : memref<!tpu.dma_semaphore, #tpu.memory_space<semaphore_mem>>)
      %dma_wait3A = arith.constant 0 : i32
      %dma_wait3A_43 = tpu.memref_slice %arg5[%arg0, %add3A_30, %dma_wait3A] : memref<2x10240x128xf32, #tpu.memory_space<hbm>> -> memref<1x128x128xf32, #tpu.memory_space<hbm>>
      %dma_wait3A_44 = tpu.memref_squeeze %dma_wait3A_43 : memref<1x128x128xf32, #tpu.memory_space<hbm>> -> memref<128x128xf32, #tpu.memory_space<hbm>>
      %dma_wait3A_45 = arith.constant 0 : i32
      %dma_wait3A_46 = tpu.memref_slice %arg10[%add3A_30, %dma_wait3A_45] : memref<10240x128xf32, #tpu.memory_space<vmem_shared>> -> memref<128x128xf32, #tpu.memory_space<vmem_shared>>
      tpu.wait_dma2 semaphore(%run_scoped3A : memref<!tpu.dma_semaphore, #tpu.memory_space<semaphore_mem>>) src(%dma_wait3A_46 : memref<128x128xf32, #tpu.memory_space<vmem_shared>>) dst(%dma_wait3A_44 : memref<128x128xf32, #tpu.memory_space<hbm>>)
      tpu.yield
    }) : () -> ()
    %mul3A_31 = arith.constant 640 : i32
    %mul3A_32 = arith.muli %arg1, %mul3A_31 : i32
    %add3A_33 = arith.constant 384 : i32
    %add3A_34 = arith.addi %mul3A_32, %add3A_33 : i32
    "tpu.region"() ({
      %run_scoped3A = tpu.sem_alloc : memref<!tpu.dma_semaphore, #tpu.memory_space<semaphore_mem>>
      %dma_start3A = arith.constant 0 : i32
      %dma_start3A_39 = tpu.memref_slice %arg5[%arg0, %add3A_34, %dma_start3A] : memref<2x10240x128xf32, #tpu.memory_space<hbm>> -> memref<1x128x128xf32, #tpu.memory_space<hbm>>
      %dma_start3A_40 = tpu.memref_squeeze %dma_start3A_39 : memref<1x128x128xf32, #tpu.memory_space<hbm>> -> memref<128x128xf32, #tpu.memory_space<hbm>>
      %dma_start3A_41 = arith.constant 0 : i32
      %dma_start3A_42 = tpu.memref_slice %arg10[%add3A_34, %dma_start3A_41] : memref<10240x128xf32, #tpu.memory_space<vmem_shared>> -> memref<128x128xf32, #tpu.memory_space<vmem_shared>>
      tpu.enqueue_dma source(%dma_start3A_42 : memref<128x128xf32, #tpu.memory_space<vmem_shared>>) target(%dma_start3A_40 : memref<128x128xf32, #tpu.memory_space<hbm>>) target_semaphore(%run_scoped3A : memref<!tpu.dma_semaphore, #tpu.memory_space<semaphore_mem>>)
      %dma_wait3A = arith.constant 0 : i32
      %dma_wait3A_43 = tpu.memref_slice %arg5[%arg0, %add3A_34, %dma_wait3A] : memref<2x10240x128xf32, #tpu.memory_space<hbm>> -> memref<1x128x128xf32, #tpu.memory_space<hbm>>
      %dma_wait3A_44 = tpu.memref_squeeze %dma_wait3A_43 : memref<1x128x128xf32, #tpu.memory_space<hbm>> -> memref<128x128xf32, #tpu.memory_space<hbm>>
      %dma_wait3A_45 = arith.constant 0 : i32
      %dma_wait3A_46 = tpu.memref_slice %arg10[%add3A_34, %dma_wait3A_45] : memref<10240x128xf32, #tpu.memory_space<vmem_shared>> -> memref<128x128xf32, #tpu.memory_space<vmem_shared>>
      tpu.wait_dma2 semaphore(%run_scoped3A : memref<!tpu.dma_semaphore, #tpu.memory_space<semaphore_mem>>) src(%dma_wait3A_46 : memref<128x128xf32, #tpu.memory_space<vmem_shared>>) dst(%dma_wait3A_44 : memref<128x128xf32, #tpu.memory_space<hbm>>)
      tpu.yield
    }) : () -> ()
    %mul3A_35 = arith.constant 640 : i32
    %mul3A_36 = arith.muli %arg1, %mul3A_35 : i32
    %add3A_37 = arith.constant 512 : i32
    %add3A_38 = arith.addi %mul3A_36, %add3A_37 : i32
    "tpu.region"() ({
      %run_scoped3A = tpu.sem_alloc : memref<!tpu.dma_semaphore, #tpu.memory_space<semaphore_mem>>
      %dma_start3A = arith.constant 0 : i32
      %dma_start3A_39 = tpu.memref_slice %arg5[%arg0, %add3A_38, %dma_start3A] : memref<2x10240x128xf32, #tpu.memory_space<hbm>> -> memref<1x128x128xf32, #tpu.memory_space<hbm>>
      %dma_start3A_40 = tpu.memref_squeeze %dma_start3A_39 : memref<1x128x128xf32, #tpu.memory_space<hbm>> -> memref<128x128xf32, #tpu.memory_space<hbm>>
      %dma_start3A_41 = arith.constant 0 : i32
      %dma_start3A_42 = tpu.memref_slice %arg10[%add3A_38, %dma_start3A_41] : memref<10240x128xf32, #tpu.memory_space<vmem_shared>> -> memref<128x128xf32, #tpu.memory_space<vmem_shared>>
      tpu.enqueue_dma source(%dma_start3A_42 : memref<128x128xf32, #tpu.memory_space<vmem_shared>>) target(%dma_start3A_40 : memref<128x128xf32, #tpu.memory_space<hbm>>) target_semaphore(%run_scoped3A : memref<!tpu.dma_semaphore, #tpu.memory_space<semaphore_mem>>)
      %dma_wait3A = arith.constant 0 : i32
      %dma_wait3A_43 = tpu.memref_slice %arg5[%arg0, %add3A_38, %dma_wait3A] : memref<2x10240x128xf32, #tpu.memory_space<hbm>> -> memref<1x128x128xf32, #tpu.memory_space<hbm>>
      %dma_wait3A_44 = tpu.memref_squeeze %dma_wait3A_43 : memref<1x128x128xf32, #tpu.memory_space<hbm>> -> memref<128x128xf32, #tpu.memory_space<hbm>>
      %dma_wait3A_45 = arith.constant 0 : i32
      %dma_wait3A_46 = tpu.memref_slice %arg10[%add3A_38, %dma_wait3A_45] : memref<10240x128xf32, #tpu.memory_space<vmem_shared>> -> memref<128x128xf32, #tpu.memory_space<vmem_shared>>
      tpu.wait_dma2 semaphore(%run_scoped3A : memref<!tpu.dma_semaphore, #tpu.memory_space<semaphore_mem>>) src(%dma_wait3A_46 : memref<128x128xf32, #tpu.memory_space<vmem_shared>>) dst(%dma_wait3A_44 : memref<128x128xf32, #tpu.memory_space<hbm>>)
      tpu.yield
    }) : () -> ()
    return
  }
}

#map = affine_map<(d0, d1) -> (0, 0)>
#map1 = affine_map<(d0, d1) -> (0, 0, 0)>
module attributes {stable_mosaic.version = 14 : i64} {
  func.func @_agg_body(%arg0: i32, %arg1: i32, %arg2: memref<10240x128xf32, #tpu.memory_space<hbm>>, %arg3: memref<32x79x128xi32, #tpu.memory_space<hbm>>, %arg4: memref<32x79x128xi32, #tpu.memory_space<hbm>>, %arg5: memref<2x10240x128xf32, #tpu.memory_space<hbm>>, %arg6: memref<79x128xi32, #tpu.memory_space<vmem>>, %arg7: memref<79x128xi32, #tpu.memory_space<vmem>>, %arg8: memref<128x128xf32, #tpu.memory_space<vmem>>, %arg9: memref<16x128xf32, #tpu.memory_space<vmem>>, %arg10: memref<10240x128xf32, #tpu.memory_space<vmem_shared>>, %arg11: memref<!tpu.dma_semaphore, #tpu.memory_space<semaphore_mem>>) attributes {dimension_semantics = [#tpu.dimension_semantics<core_parallel>, #tpu.dimension_semantics<subcore_parallel>], iteration_bounds = array<i64: 2, 16>, scalar_prefetch = 0 : i64, scratch_operands = 6 : i64, tpu.core_type = #tpu.core_type<sc_vector_subcore>, window_params = [{transform_indices = #map}, {transform_indices = #map1}, {transform_indices = #map1}, {transform_indices = #map1}]} {
    %mul3A = arith.constant 16 : i32
    %mul3A_0 = arith.muli %arg0, %mul3A : i32
    %add3A = arith.addi %mul3A_0, %arg1 : i32
    %scan3A = arith.constant 0 : i32
    %scan3A_1 = arith.constant 0 : i32
    %scan3A_2 = arith.constant 16 : i32
    %scan3A_3 = arith.addi %scan3A_1, %scan3A_2 : i32
    %scan3A_4 = arith.constant 1 : i32
    scf.for %scan3A_39 = %scan3A_1 to %scan3A_3 step %scan3A_4  : i32 {
      %broadcast_in_dim3A = arith.constant 0.000000e+00 : f32
      %broadcast_in_dim3A_40 = vector.broadcast %broadcast_in_dim3A : f32 to vector<16xf32>
      %swap3A = arith.index_cast %scan3A_39 : i32 to index
      %swap3A_41 = arith.constant 0 : index
      %swap3A_42 = tpu.vector_load %arg9[%swap3A, %swap3A_41] {strides = array<i32>} : memref<16x128xf32, #tpu.memory_space<vmem>>, vector<1x16xf32>,
      %swap3A_43 = vector.shape_cast %swap3A_42 : vector<1x16xf32> to vector<16xf32>
      %swap3A_44 = vector.shape_cast %broadcast_in_dim3A_40 : vector<16xf32> to vector<1x16xf32>
      tpu.vector_store %arg9[%swap3A, %swap3A_41], %swap3A_44 {strides = array<i32>} : memref<16x128xf32, #tpu.memory_space<vmem>>, vector<1x16xf32>,
      %broadcast_in_dim3A_45 = arith.constant 0.000000e+00 : f32
      %broadcast_in_dim3A_46 = vector.broadcast %broadcast_in_dim3A_45 : f32 to vector<16xf32>
      %swap3A_47 = arith.index_cast %scan3A_39 : i32 to index
      %swap3A_48 = arith.constant 16 : index
      %swap3A_49 = tpu.vector_load %arg9[%swap3A_47, %swap3A_48] {strides = array<i32>} : memref<16x128xf32, #tpu.memory_space<vmem>>, vector<1x16xf32>,
      %swap3A_50 = vector.shape_cast %swap3A_49 : vector<1x16xf32> to vector<16xf32>
      %swap3A_51 = vector.shape_cast %broadcast_in_dim3A_46 : vector<16xf32> to vector<1x16xf32>
      tpu.vector_store %arg9[%swap3A_47, %swap3A_48], %swap3A_51 {strides = array<i32>} : memref<16x128xf32, #tpu.memory_space<vmem>>, vector<1x16xf32>,
      %broadcast_in_dim3A_52 = arith.constant 0.000000e+00 : f32
      %broadcast_in_dim3A_53 = vector.broadcast %broadcast_in_dim3A_52 : f32 to vector<16xf32>
      %swap3A_54 = arith.index_cast %scan3A_39 : i32 to index
      %swap3A_55 = arith.constant 32 : index
      %swap3A_56 = tpu.vector_load %arg9[%swap3A_54, %swap3A_55] {strides = array<i32>} : memref<16x128xf32, #tpu.memory_space<vmem>>, vector<1x16xf32>,
      %swap3A_57 = vector.shape_cast %swap3A_56 : vector<1x16xf32> to vector<16xf32>
      %swap3A_58 = vector.shape_cast %broadcast_in_dim3A_53 : vector<16xf32> to vector<1x16xf32>
      tpu.vector_store %arg9[%swap3A_54, %swap3A_55], %swap3A_58 {strides = array<i32>} : memref<16x128xf32, #tpu.memory_space<vmem>>, vector<1x16xf32>,
      %broadcast_in_dim3A_59 = arith.constant 0.000000e+00 : f32
      %broadcast_in_dim3A_60 = vector.broadcast %broadcast_in_dim3A_59 : f32 to vector<16xf32>
      %swap3A_61 = arith.index_cast %scan3A_39 : i32 to index
      %swap3A_62 = arith.constant 48 : index
      %swap3A_63 = tpu.vector_load %arg9[%swap3A_61, %swap3A_62] {strides = array<i32>} : memref<16x128xf32, #tpu.memory_space<vmem>>, vector<1x16xf32>,
      %swap3A_64 = vector.shape_cast %swap3A_63 : vector<1x16xf32> to vector<16xf32>
      %swap3A_65 = vector.shape_cast %broadcast_in_dim3A_60 : vector<16xf32> to vector<1x16xf32>
      tpu.vector_store %arg9[%swap3A_61, %swap3A_62], %swap3A_65 {strides = array<i32>} : memref<16x128xf32, #tpu.memory_space<vmem>>, vector<1x16xf32>,
      %broadcast_in_dim3A_66 = arith.constant 0.000000e+00 : f32
      %broadcast_in_dim3A_67 = vector.broadcast %broadcast_in_dim3A_66 : f32 to vector<16xf32>
      %swap3A_68 = arith.index_cast %scan3A_39 : i32 to index
      %swap3A_69 = arith.constant 64 : index
      %swap3A_70 = tpu.vector_load %arg9[%swap3A_68, %swap3A_69] {strides = array<i32>} : memref<16x128xf32, #tpu.memory_space<vmem>>, vector<1x16xf32>,
      %swap3A_71 = vector.shape_cast %swap3A_70 : vector<1x16xf32> to vector<16xf32>
      %swap3A_72 = vector.shape_cast %broadcast_in_dim3A_67 : vector<16xf32> to vector<1x16xf32>
      tpu.vector_store %arg9[%swap3A_68, %swap3A_69], %swap3A_72 {strides = array<i32>} : memref<16x128xf32, #tpu.memory_space<vmem>>, vector<1x16xf32>,
      %broadcast_in_dim3A_73 = arith.constant 0.000000e+00 : f32
      %broadcast_in_dim3A_74 = vector.broadcast %broadcast_in_dim3A_73 : f32 to vector<16xf32>
      %swap3A_75 = arith.index_cast %scan3A_39 : i32 to index
      %swap3A_76 = arith.constant 80 : index
      %swap3A_77 = tpu.vector_load %arg9[%swap3A_75, %swap3A_76] {strides = array<i32>} : memref<16x128xf32, #tpu.memory_space<vmem>>, vector<1x16xf32>,
      %swap3A_78 = vector.shape_cast %swap3A_77 : vector<1x16xf32> to vector<16xf32>
      %swap3A_79 = vector.shape_cast %broadcast_in_dim3A_74 : vector<16xf32> to vector<1x16xf32>
      tpu.vector_store %arg9[%swap3A_75, %swap3A_76], %swap3A_79 {strides = array<i32>} : memref<16x128xf32, #tpu.memory_space<vmem>>, vector<1x16xf32>,
      %broadcast_in_dim3A_80 = arith.constant 0.000000e+00 : f32
      %broadcast_in_dim3A_81 = vector.broadcast %broadcast_in_dim3A_80 : f32 to vector<16xf32>
      %swap3A_82 = arith.index_cast %scan3A_39 : i32 to index
      %swap3A_83 = arith.constant 96 : index
      %swap3A_84 = tpu.vector_load %arg9[%swap3A_82, %swap3A_83] {strides = array<i32>} : memref<16x128xf32, #tpu.memory_space<vmem>>, vector<1x16xf32>,
      %swap3A_85 = vector.shape_cast %swap3A_84 : vector<1x16xf32> to vector<16xf32>
      %swap3A_86 = vector.shape_cast %broadcast_in_dim3A_81 : vector<16xf32> to vector<1x16xf32>
      tpu.vector_store %arg9[%swap3A_82, %swap3A_83], %swap3A_86 {strides = array<i32>} : memref<16x128xf32, #tpu.memory_space<vmem>>, vector<1x16xf32>,
      %broadcast_in_dim3A_87 = arith.constant 0.000000e+00 : f32
      %broadcast_in_dim3A_88 = vector.broadcast %broadcast_in_dim3A_87 : f32 to vector<16xf32>
      %swap3A_89 = arith.index_cast %scan3A_39 : i32 to index
      %swap3A_90 = arith.constant 112 : index
      %swap3A_91 = tpu.vector_load %arg9[%swap3A_89, %swap3A_90] {strides = array<i32>} : memref<16x128xf32, #tpu.memory_space<vmem>>, vector<1x16xf32>,
      %swap3A_92 = vector.shape_cast %swap3A_91 : vector<1x16xf32> to vector<16xf32>
      %swap3A_93 = vector.shape_cast %broadcast_in_dim3A_88 : vector<16xf32> to vector<1x16xf32>
      tpu.vector_store %arg9[%swap3A_89, %swap3A_90], %swap3A_93 {strides = array<i32>} : memref<16x128xf32, #tpu.memory_space<vmem>>, vector<1x16xf32>,
    }
    %scan3A_5 = arith.constant 16 : i32
    %scan3A_6 = arith.constant 0 : i32
    %scan3A_7 = arith.constant 0 : i32
    %scan3A_8 = arith.constant 40 : i32
    %scan3A_9 = arith.addi %scan3A_7, %scan3A_8 : i32
    %scan3A_10 = arith.constant 1 : i32
    scf.for %scan3A_39 = %scan3A_7 to %scan3A_9 step %scan3A_10  : i32 {
      %mul3A_40 = arith.constant 640 : i32
      %mul3A_41 = arith.muli %arg1, %mul3A_40 : i32
      %mul3A_42 = arith.constant 16 : i32
      %mul3A_43 = arith.muli %scan3A_39, %mul3A_42 : i32
      %add3A_44 = arith.addi %mul3A_41, %mul3A_43 : i32
      "tpu.region"() ({
        %run_scoped3A = tpu.sem_alloc : memref<!tpu.dma_semaphore, #tpu.memory_space<semaphore_mem>>
        %dma_start3A = arith.constant 0 : i32
        %dma_start3A_45 = tpu.memref_slice %arg10[%add3A_44, %dma_start3A] : memref<10240x128xf32, #tpu.memory_space<vmem_shared>> -> memref<16x128xf32, #tpu.memory_space<vmem_shared>>
        %dma_start3A_46 = arith.constant 0 : i32
        %dma_start3A_47 = tpu.memref_slice %arg10[%add3A_44, %dma_start3A_46] : memref<10240x128xf32, #tpu.memory_space<vmem_shared>> -> memref<16x128xf32, #tpu.memory_space<vmem_shared>>
        tpu.enqueue_dma source(%arg9 : memref<16x128xf32, #tpu.memory_space<vmem>>) target(%dma_start3A_47 : memref<16x128xf32, #tpu.memory_space<vmem_shared>>) target_semaphore(%run_scoped3A : memref<!tpu.dma_semaphore, #tpu.memory_space<semaphore_mem>>)
        %dma_wait3A = arith.constant 0 : i32
        %dma_wait3A_48 = tpu.memref_slice %arg10[%add3A_44, %dma_wait3A] : memref<10240x128xf32, #tpu.memory_space<vmem_shared>> -> memref<16x128xf32, #tpu.memory_space<vmem_shared>>
        %dma_wait3A_49 = arith.constant 0 : i32
        %dma_wait3A_50 = tpu.memref_slice %arg10[%add3A_44, %dma_wait3A_49] : memref<10240x128xf32, #tpu.memory_space<vmem_shared>> -> memref<16x128xf32, #tpu.memory_space<vmem_shared>>
        tpu.wait_dma2 semaphore(%run_scoped3A : memref<!tpu.dma_semaphore, #tpu.memory_space<semaphore_mem>>) src(%arg9 : memref<16x128xf32, #tpu.memory_space<vmem>>) dst(%dma_wait3A_50 : memref<16x128xf32, #tpu.memory_space<vmem_shared>>)
        tpu.yield
      }) : () -> ()
    }
    %scan3A_11 = arith.constant 40 : i32
    "tpu.region"() ({
      %run_scoped3A = tpu.sem_alloc : memref<!tpu.dma_semaphore, #tpu.memory_space<semaphore_mem>>
      %dma_start3A = arith.constant 0 : i32
      %dma_start3A_39 = arith.constant 0 : i32
      %dma_start3A_40 = tpu.memref_slice %arg3[%add3A, %dma_start3A, %dma_start3A_39] : memref<32x79x128xi32, #tpu.memory_space<hbm>> -> memref<1x79x128xi32, #tpu.memory_space<hbm>>
      %dma_start3A_41 = tpu.memref_squeeze %dma_start3A_40 : memref<1x79x128xi32, #tpu.memory_space<hbm>> -> memref<79x128xi32, #tpu.memory_space<hbm>>
      %dma_start3A_42 = arith.constant 0 : i32
      %dma_start3A_43 = arith.constant 0 : i32
      %dma_start3A_44 = tpu.memref_slice %arg3[%add3A, %dma_start3A_42, %dma_start3A_43] : memref<32x79x128xi32, #tpu.memory_space<hbm>> -> memref<1x79x128xi32, #tpu.memory_space<hbm>>
      %dma_start3A_45 = tpu.memref_squeeze %dma_start3A_44 : memref<1x79x128xi32, #tpu.memory_space<hbm>> -> memref<79x128xi32, #tpu.memory_space<hbm>>
      tpu.enqueue_dma source(%dma_start3A_45 : memref<79x128xi32, #tpu.memory_space<hbm>>) target(%arg6 : memref<79x128xi32, #tpu.memory_space<vmem>>) target_semaphore(%run_scoped3A : memref<!tpu.dma_semaphore, #tpu.memory_space<semaphore_mem>>)
      %dma_wait3A = arith.constant 0 : i32
      %dma_wait3A_46 = arith.constant 0 : i32
      %dma_wait3A_47 = tpu.memref_slice %arg3[%add3A, %dma_wait3A, %dma_wait3A_46] : memref<32x79x128xi32, #tpu.memory_space<hbm>> -> memref<1x79x128xi32, #tpu.memory_space<hbm>>
      %dma_wait3A_48 = tpu.memref_squeeze %dma_wait3A_47 : memref<1x79x128xi32, #tpu.memory_space<hbm>> -> memref<79x128xi32, #tpu.memory_space<hbm>>
      %dma_wait3A_49 = arith.constant 0 : i32
      %dma_wait3A_50 = arith.constant 0 : i32
      %dma_wait3A_51 = tpu.memref_slice %arg3[%add3A, %dma_wait3A_49, %dma_wait3A_50] : memref<32x79x128xi32, #tpu.memory_space<hbm>> -> memref<1x79x128xi32, #tpu.memory_space<hbm>>
      %dma_wait3A_52 = tpu.memref_squeeze %dma_wait3A_51 : memref<1x79x128xi32, #tpu.memory_space<hbm>> -> memref<79x128xi32, #tpu.memory_space<hbm>>
      tpu.wait_dma2 semaphore(%run_scoped3A : memref<!tpu.dma_semaphore, #tpu.memory_space<semaphore_mem>>) src(%dma_wait3A_52 : memref<79x128xi32, #tpu.memory_space<hbm>>) dst(%arg6 : memref<79x128xi32, #tpu.memory_space<vmem>>)
      tpu.yield
    }) : () -> ()
    "tpu.region"() ({
      %run_scoped3A = tpu.sem_alloc : memref<!tpu.dma_semaphore, #tpu.memory_space<semaphore_mem>>
      %dma_start3A = arith.constant 0 : i32
      %dma_start3A_39 = arith.constant 0 : i32
      %dma_start3A_40 = tpu.memref_slice %arg4[%add3A, %dma_start3A, %dma_start3A_39] : memref<32x79x128xi32, #tpu.memory_space<hbm>> -> memref<1x79x128xi32, #tpu.memory_space<hbm>>
      %dma_start3A_41 = tpu.memref_squeeze %dma_start3A_40 : memref<1x79x128xi32, #tpu.memory_space<hbm>> -> memref<79x128xi32, #tpu.memory_space<hbm>>
      %dma_start3A_42 = arith.constant 0 : i32
      %dma_start3A_43 = arith.constant 0 : i32
      %dma_start3A_44 = tpu.memref_slice %arg4[%add3A, %dma_start3A_42, %dma_start3A_43] : memref<32x79x128xi32, #tpu.memory_space<hbm>> -> memref<1x79x128xi32, #tpu.memory_space<hbm>>
      %dma_start3A_45 = tpu.memref_squeeze %dma_start3A_44 : memref<1x79x128xi32, #tpu.memory_space<hbm>> -> memref<79x128xi32, #tpu.memory_space<hbm>>
      tpu.enqueue_dma source(%dma_start3A_45 : memref<79x128xi32, #tpu.memory_space<hbm>>) target(%arg7 : memref<79x128xi32, #tpu.memory_space<vmem>>) target_semaphore(%run_scoped3A : memref<!tpu.dma_semaphore, #tpu.memory_space<semaphore_mem>>)
      %dma_wait3A = arith.constant 0 : i32
      %dma_wait3A_46 = arith.constant 0 : i32
      %dma_wait3A_47 = tpu.memref_slice %arg4[%add3A, %dma_wait3A, %dma_wait3A_46] : memref<32x79x128xi32, #tpu.memory_space<hbm>> -> memref<1x79x128xi32, #tpu.memory_space<hbm>>
      %dma_wait3A_48 = tpu.memref_squeeze %dma_wait3A_47 : memref<1x79x128xi32, #tpu.memory_space<hbm>> -> memref<79x128xi32, #tpu.memory_space<hbm>>
      %dma_wait3A_49 = arith.constant 0 : i32
      %dma_wait3A_50 = arith.constant 0 : i32
      %dma_wait3A_51 = tpu.memref_slice %arg4[%add3A, %dma_wait3A_49, %dma_wait3A_50] : memref<32x79x128xi32, #tpu.memory_space<hbm>> -> memref<1x79x128xi32, #tpu.memory_space<hbm>>
      %dma_wait3A_52 = tpu.memref_squeeze %dma_wait3A_51 : memref<1x79x128xi32, #tpu.memory_space<hbm>> -> memref<79x128xi32, #tpu.memory_space<hbm>>
      tpu.wait_dma2 semaphore(%run_scoped3A : memref<!tpu.dma_semaphore, #tpu.memory_space<semaphore_mem>>) src(%dma_wait3A_52 : memref<79x128xi32, #tpu.memory_space<hbm>>) dst(%arg7 : memref<79x128xi32, #tpu.memory_space<vmem>>)
      tpu.yield
    }) : () -> ()
    %barrier3A = arith.constant 0 : index
    tpu.barrier barrier_id(%barrier3A)
    %scan3A_12 = arith.constant 0 : i32
    %scan3A_13 = arith.constant 0 : i32
    %scan3A_14 = arith.constant 79 : i32
    %scan3A_15 = arith.addi %scan3A_13, %scan3A_14 : i32
    %scan3A_16 = arith.constant 1 : i32
    scf.for %scan3A_39 = %scan3A_13 to %scan3A_15 step %scan3A_16  : i32 {
      %dma_start3A = arith.constant 0 : i32
      %dma_start3A_40 = tpu.memref_slice %arg6[%scan3A_39, %dma_start3A] : memref<79x128xi32, #tpu.memory_space<vmem>> -> memref<1x128xi32, #tpu.memory_space<vmem>>
      %dma_start3A_41 = tpu.memref_squeeze %dma_start3A_40 : memref<1x128xi32, #tpu.memory_space<vmem>> -> memref<128xi32, #tpu.memory_space<vmem>>
      %dma_start3A_42 = arith.constant 0 : i32
      %dma_start3A_43 = arith.constant 0 : i32
      %dma_start3A_44 = tpu.memref_slice %arg2[%dma_start3A_42, %dma_start3A_43] : memref<10240x128xf32, #tpu.memory_space<hbm>> -> memref<10240x128xf32, #tpu.memory_space<hbm>>
      tpu.enqueue_indirect_dma source(%dma_start3A_44 : memref<10240x128xf32, #tpu.memory_space<hbm>>) target(%arg8 : memref<128x128xf32, #tpu.memory_space<vmem>>) offsets(%dma_start3A_41 : memref<128xi32, #tpu.memory_space<vmem>>) semaphore(%arg11 : memref<!tpu.dma_semaphore, #tpu.memory_space<semaphore_mem>>)
      %dma_wait3A = arith.constant 0 : i32
      %dma_wait3A_45 = tpu.memref_slice %arg6[%scan3A_39, %dma_wait3A] : memref<79x128xi32, #tpu.memory_space<vmem>> -> memref<1x128xi32, #tpu.memory_space<vmem>>
      %dma_wait3A_46 = tpu.memref_squeeze %dma_wait3A_45 : memref<1x128xi32, #tpu.memory_space<vmem>> -> memref<128xi32, #tpu.memory_space<vmem>>
      %dma_wait3A_47 = arith.constant 0 : i32
      %dma_wait3A_48 = arith.constant 0 : i32
      %dma_wait3A_49 = tpu.memref_slice %arg2[%dma_wait3A_47, %dma_wait3A_48] : memref<10240x128xf32, #tpu.memory_space<hbm>> -> memref<10240x128xf32, #tpu.memory_space<hbm>>
      tpu.wait_indirect_dma semaphore(%arg11 : memref<!tpu.dma_semaphore, #tpu.memory_space<semaphore_mem>>) src(%dma_wait3A_49 : memref<10240x128xf32, #tpu.memory_space<hbm>>) dst(%arg8 : memref<128x128xf32, #tpu.memory_space<vmem>>)
      "tpu.region"() ({
        %run_scoped3A = tpu.sem_alloc : memref<!tpu.dma_semaphore, #tpu.memory_space<semaphore_mem>>
        %dma_start3A_50 = arith.constant 0 : i32
        %dma_start3A_51 = tpu.memref_slice %arg7[%scan3A_39, %dma_start3A_50] : memref<79x128xi32, #tpu.memory_space<vmem>> -> memref<1x128xi32, #tpu.memory_space<vmem>>
        %dma_start3A_52 = tpu.memref_squeeze %dma_start3A_51 : memref<1x128xi32, #tpu.memory_space<vmem>> -> memref<128xi32, #tpu.memory_space<vmem>>
        %dma_start3A_53 = arith.constant 0 : i32
        %dma_start3A_54 = arith.constant 0 : i32
        %dma_start3A_55 = tpu.memref_slice %arg10[%dma_start3A_53, %dma_start3A_54] : memref<10240x128xf32, #tpu.memory_space<vmem_shared>> -> memref<10240x128xf32, #tpu.memory_space<vmem_shared>>
        tpu.enqueue_indirect_dma source(%arg8 : memref<128x128xf32, #tpu.memory_space<vmem>>) target(%dma_start3A_55 : memref<10240x128xf32, #tpu.memory_space<vmem_shared>>) offsets(%dma_start3A_52 : memref<128xi32, #tpu.memory_space<vmem>>) semaphore(%run_scoped3A : memref<!tpu.dma_semaphore, #tpu.memory_space<semaphore_mem>>) {add = true}
        %dma_wait3A_56 = arith.constant 0 : i32
        %dma_wait3A_57 = tpu.memref_slice %arg7[%scan3A_39, %dma_wait3A_56] : memref<79x128xi32, #tpu.memory_space<vmem>> -> memref<1x128xi32, #tpu.memory_space<vmem>>
        %dma_wait3A_58 = tpu.memref_squeeze %dma_wait3A_57 : memref<1x128xi32, #tpu.memory_space<vmem>> -> memref<128xi32, #tpu.memory_space<vmem>>
        %dma_wait3A_59 = arith.constant 0 : i32
        %dma_wait3A_60 = arith.constant 0 : i32
        %dma_wait3A_61 = tpu.memref_slice %arg10[%dma_wait3A_59, %dma_wait3A_60] : memref<10240x128xf32, #tpu.memory_space<vmem_shared>> -> memref<10240x128xf32, #tpu.memory_space<vmem_shared>>
        tpu.wait_indirect_dma semaphore(%run_scoped3A : memref<!tpu.dma_semaphore, #tpu.memory_space<semaphore_mem>>) src(%arg8 : memref<128x128xf32, #tpu.memory_space<vmem>>) dst(%dma_wait3A_61 : memref<10240x128xf32, #tpu.memory_space<vmem_shared>>)
        tpu.yield
      }) : () -> ()
    }
    %scan3A_17 = arith.constant 79 : i32
    %barrier3A_18 = arith.constant 0 : index
    tpu.barrier barrier_id(%barrier3A_18)
    %mul3A_19 = arith.constant 640 : i32
    %mul3A_20 = arith.muli %arg1, %mul3A_19 : i32
    %add3A_21 = arith.constant 0 : i32
    %add3A_22 = arith.addi %mul3A_20, %add3A_21 : i32
    "tpu.region"() ({
      %run_scoped3A = tpu.sem_alloc : memref<!tpu.dma_semaphore, #tpu.memory_space<semaphore_mem>>
      %dma_start3A = arith.constant 0 : i32
      %dma_start3A_39 = tpu.memref_slice %arg5[%arg0, %add3A_22, %dma_start3A] : memref<2x10240x128xf32, #tpu.memory_space<hbm>> -> memref<1x128x128xf32, #tpu.memory_space<hbm>>
      %dma_start3A_40 = tpu.memref_squeeze %dma_start3A_39 : memref<1x128x128xf32, #tpu.memory_space<hbm>> -> memref<128x128xf32, #tpu.memory_space<hbm>>
      %dma_start3A_41 = arith.constant 0 : i32
      %dma_start3A_42 = tpu.memref_slice %arg10[%add3A_22, %dma_start3A_41] : memref<10240x128xf32, #tpu.memory_space<vmem_shared>> -> memref<128x128xf32, #tpu.memory_space<vmem_shared>>
      tpu.enqueue_dma source(%dma_start3A_42 : memref<128x128xf32, #tpu.memory_space<vmem_shared>>) target(%dma_start3A_40 : memref<128x128xf32, #tpu.memory_space<hbm>>) target_semaphore(%run_scoped3A : memref<!tpu.dma_semaphore, #tpu.memory_space<semaphore_mem>>)
      %dma_wait3A = arith.constant 0 : i32
      %dma_wait3A_43 = tpu.memref_slice %arg5[%arg0, %add3A_22, %dma_wait3A] : memref<2x10240x128xf32, #tpu.memory_space<hbm>> -> memref<1x128x128xf32, #tpu.memory_space<hbm>>
      %dma_wait3A_44 = tpu.memref_squeeze %dma_wait3A_43 : memref<1x128x128xf32, #tpu.memory_space<hbm>> -> memref<128x128xf32, #tpu.memory_space<hbm>>
      %dma_wait3A_45 = arith.constant 0 : i32
      %dma_wait3A_46 = tpu.memref_slice %arg10[%add3A_22, %dma_wait3A_45] : memref<10240x128xf32, #tpu.memory_space<vmem_shared>> -> memref<128x128xf32, #tpu.memory_space<vmem_shared>>
      tpu.wait_dma2 semaphore(%run_scoped3A : memref<!tpu.dma_semaphore, #tpu.memory_space<semaphore_mem>>) src(%dma_wait3A_46 : memref<128x128xf32, #tpu.memory_space<vmem_shared>>) dst(%dma_wait3A_44 : memref<128x128xf32, #tpu.memory_space<hbm>>)
      tpu.yield
    }) : () -> ()
    %mul3A_23 = arith.constant 640 : i32
    %mul3A_24 = arith.muli %arg1, %mul3A_23 : i32
    %add3A_25 = arith.constant 128 : i32
    %add3A_26 = arith.addi %mul3A_24, %add3A_25 : i32
    "tpu.region"() ({
      %run_scoped3A = tpu.sem_alloc : memref<!tpu.dma_semaphore, #tpu.memory_space<semaphore_mem>>
      %dma_start3A = arith.constant 0 : i32
      %dma_start3A_39 = tpu.memref_slice %arg5[%arg0, %add3A_26, %dma_start3A] : memref<2x10240x128xf32, #tpu.memory_space<hbm>> -> memref<1x128x128xf32, #tpu.memory_space<hbm>>
      %dma_start3A_40 = tpu.memref_squeeze %dma_start3A_39 : memref<1x128x128xf32, #tpu.memory_space<hbm>> -> memref<128x128xf32, #tpu.memory_space<hbm>>
      %dma_start3A_41 = arith.constant 0 : i32
      %dma_start3A_42 = tpu.memref_slice %arg10[%add3A_26, %dma_start3A_41] : memref<10240x128xf32, #tpu.memory_space<vmem_shared>> -> memref<128x128xf32, #tpu.memory_space<vmem_shared>>
      tpu.enqueue_dma source(%dma_start3A_42 : memref<128x128xf32, #tpu.memory_space<vmem_shared>>) target(%dma_start3A_40 : memref<128x128xf32, #tpu.memory_space<hbm>>) target_semaphore(%run_scoped3A : memref<!tpu.dma_semaphore, #tpu.memory_space<semaphore_mem>>)
      %dma_wait3A = arith.constant 0 : i32
      %dma_wait3A_43 = tpu.memref_slice %arg5[%arg0, %add3A_26, %dma_wait3A] : memref<2x10240x128xf32, #tpu.memory_space<hbm>> -> memref<1x128x128xf32, #tpu.memory_space<hbm>>
      %dma_wait3A_44 = tpu.memref_squeeze %dma_wait3A_43 : memref<1x128x128xf32, #tpu.memory_space<hbm>> -> memref<128x128xf32, #tpu.memory_space<hbm>>
      %dma_wait3A_45 = arith.constant 0 : i32
      %dma_wait3A_46 = tpu.memref_slice %arg10[%add3A_26, %dma_wait3A_45] : memref<10240x128xf32, #tpu.memory_space<vmem_shared>> -> memref<128x128xf32, #tpu.memory_space<vmem_shared>>
      tpu.wait_dma2 semaphore(%run_scoped3A : memref<!tpu.dma_semaphore, #tpu.memory_space<semaphore_mem>>) src(%dma_wait3A_46 : memref<128x128xf32, #tpu.memory_space<vmem_shared>>) dst(%dma_wait3A_44 : memref<128x128xf32, #tpu.memory_space<hbm>>)
      tpu.yield
    }) : () -> ()
    %mul3A_27 = arith.constant 640 : i32
    %mul3A_28 = arith.muli %arg1, %mul3A_27 : i32
    %add3A_29 = arith.constant 256 : i32
    %add3A_30 = arith.addi %mul3A_28, %add3A_29 : i32
    "tpu.region"() ({
      %run_scoped3A = tpu.sem_alloc : memref<!tpu.dma_semaphore, #tpu.memory_space<semaphore_mem>>
      %dma_start3A = arith.constant 0 : i32
      %dma_start3A_39 = tpu.memref_slice %arg5[%arg0, %add3A_30, %dma_start3A] : memref<2x10240x128xf32, #tpu.memory_space<hbm>> -> memref<1x128x128xf32, #tpu.memory_space<hbm>>
      %dma_start3A_40 = tpu.memref_squeeze %dma_start3A_39 : memref<1x128x128xf32, #tpu.memory_space<hbm>> -> memref<128x128xf32, #tpu.memory_space<hbm>>
      %dma_start3A_41 = arith.constant 0 : i32
      %dma_start3A_42 = tpu.memref_slice %arg10[%add3A_30, %dma_start3A_41] : memref<10240x128xf32, #tpu.memory_space<vmem_shared>> -> memref<128x128xf32, #tpu.memory_space<vmem_shared>>
      tpu.enqueue_dma source(%dma_start3A_42 : memref<128x128xf32, #tpu.memory_space<vmem_shared>>) target(%dma_start3A_40 : memref<128x128xf32, #tpu.memory_space<hbm>>) target_semaphore(%run_scoped3A : memref<!tpu.dma_semaphore, #tpu.memory_space<semaphore_mem>>)
      %dma_wait3A = arith.constant 0 : i32
      %dma_wait3A_43 = tpu.memref_slice %arg5[%arg0, %add3A_30, %dma_wait3A] : memref<2x10240x128xf32, #tpu.memory_space<hbm>> -> memref<1x128x128xf32, #tpu.memory_space<hbm>>
      %dma_wait3A_44 = tpu.memref_squeeze %dma_wait3A_43 : memref<1x128x128xf32, #tpu.memory_space<hbm>> -> memref<128x128xf32, #tpu.memory_space<hbm>>
      %dma_wait3A_45 = arith.constant 0 : i32
      %dma_wait3A_46 = tpu.memref_slice %arg10[%add3A_30, %dma_wait3A_45] : memref<10240x128xf32, #tpu.memory_space<vmem_shared>> -> memref<128x128xf32, #tpu.memory_space<vmem_shared>>
      tpu.wait_dma2 semaphore(%run_scoped3A : memref<!tpu.dma_semaphore, #tpu.memory_space<semaphore_mem>>) src(%dma_wait3A_46 : memref<128x128xf32, #tpu.memory_space<vmem_shared>>) dst(%dma_wait3A_44 : memref<128x128xf32, #tpu.memory_space<hbm>>)
      tpu.yield
    }) : () -> ()
    %mul3A_31 = arith.constant 640 : i32
    %mul3A_32 = arith.muli %arg1, %mul3A_31 : i32
    %add3A_33 = arith.constant 384 : i32
    %add3A_34 = arith.addi %mul3A_32, %add3A_33 : i32
    "tpu.region"() ({
      %run_scoped3A = tpu.sem_alloc : memref<!tpu.dma_semaphore, #tpu.memory_space<semaphore_mem>>
      %dma_start3A = arith.constant 0 : i32
      %dma_start3A_39 = tpu.memref_slice %arg5[%arg0, %add3A_34, %dma_start3A] : memref<2x10240x128xf32, #tpu.memory_space<hbm>> -> memref<1x128x128xf32, #tpu.memory_space<hbm>>
      %dma_start3A_40 = tpu.memref_squeeze %dma_start3A_39 : memref<1x128x128xf32, #tpu.memory_space<hbm>> -> memref<128x128xf32, #tpu.memory_space<hbm>>
      %dma_start3A_41 = arith.constant 0 : i32
      %dma_start3A_42 = tpu.memref_slice %arg10[%add3A_34, %dma_start3A_41] : memref<10240x128xf32, #tpu.memory_space<vmem_shared>> -> memref<128x128xf32, #tpu.memory_space<vmem_shared>>
      tpu.enqueue_dma source(%dma_start3A_42 : memref<128x128xf32, #tpu.memory_space<vmem_shared>>) target(%dma_start3A_40 : memref<128x128xf32, #tpu.memory_space<hbm>>) target_semaphore(%run_scoped3A : memref<!tpu.dma_semaphore, #tpu.memory_space<semaphore_mem>>)
      %dma_wait3A = arith.constant 0 : i32
      %dma_wait3A_43 = tpu.memref_slice %arg5[%arg0, %add3A_34, %dma_wait3A] : memref<2x10240x128xf32, #tpu.memory_space<hbm>> -> memref<1x128x128xf32, #tpu.memory_space<hbm>>
      %dma_wait3A_44 = tpu.memref_squeeze %dma_wait3A_43 : memref<1x128x128xf32, #tpu.memory_space<hbm>> -> memref<128x128xf32, #tpu.memory_space<hbm>>
      %dma_wait3A_45 = arith.constant 0 : i32
      %dma_wait3A_46 = tpu.memref_slice %arg10[%add3A_34, %dma_wait3A_45] : memref<10240x128xf32, #tpu.memory_space<vmem_shared>> -> memref<128x128xf32, #tpu.memory_space<vmem_shared>>
      tpu.wait_dma2 semaphore(%run_scoped3A : memref<!tpu.dma_semaphore, #tpu.memory_space<semaphore_mem>>) src(%dma_wait3A_46 : memref<128x128xf32, #tpu.memory_space<vmem_shared>>) dst(%dma_wait3A_44 : memref<128x128xf32, #tpu.memory_space<hbm>>)
      tpu.yield
    }) : () -> ()
    %mul3A_35 = arith.constant 640 : i32
    %mul3A_36 = arith.muli %arg1, %mul3A_35 : i32
    %add3A_37 = arith.constant 512 : i32
    %add3A_38 = arith.addi %mul3A_36, %add3A_37 : i32
    "tpu.region"() ({
      %run_scoped3A = tpu.sem_alloc : memref<!tpu.dma_semaphore, #tpu.memory_space<semaphore_mem>>
      %dma_start3A = arith.constant 0 : i32
      %dma_start3A_39 = tpu.memref_slice %arg5[%arg0, %add3A_38, %dma_start3A] : memref<2x10240x128xf32, #tpu.memory_space<hbm>> -> memref<1x128x128xf32, #tpu.memory_space<hbm>>
      %dma_start3A_40 = tpu.memref_squeeze %dma_start3A_39 : memref<1x128x128xf32, #tpu.memory_space<hbm>> -> memref<128x128xf32, #tpu.memory_space<hbm>>
      %dma_start3A_41 = arith.constant 0 : i32
      %dma_start3A_42 = tpu.memref_slice %arg10[%add3A_38, %dma_start3A_41] : memref<10240x128xf32, #tpu.memory_space<vmem_shared>> -> memref<128x128xf32, #tpu.memory_space<vmem_shared>>
      tpu.enqueue_dma source(%dma_start3A_42 : memref<128x128xf32, #tpu.memory_space<vmem_shared>>) target(%dma_start3A_40 : memref<128x128xf32, #tpu.memory_space<hbm>>) target_semaphore(%run_scoped3A : memref<!tpu.dma_semaphore, #tpu.memory_space<semaphore_mem>>)
      %dma_wait3A = arith.constant 0 : i32
      %dma_wait3A_43 = tpu.memref_slice %arg5[%arg0, %add3A_38, %dma_wait3A] : memref<2x10240x128xf32, #tpu.memory_space<hbm>> -> memref<1x128x128xf32, #tpu.memory_space<hbm>>
      %dma_wait3A_44 = tpu.memref_squeeze %dma_wait3A_43 : memref<1x128x128xf32, #tpu.memory_space<hbm>> -> memref<128x128xf32, #tpu.memory_space<hbm>>
      %dma_wait3A_45 = arith.constant 0 : i32
      %dma_wait3A_46 = tpu.memref_slice %arg10[%add3A_38, %dma_wait3A_45] : memref<10240x128xf32, #tpu.memory_space<vmem_shared>> -> memref<128x128xf32, #tpu.memory_space<vmem_shared>>
      tpu.wait_dma2 semaphore(%run_scoped3A : memref<!tpu.dma_semaphore, #tpu.memory_space<semaphore_mem>>) src(%dma_wait3A_46 : memref<128x128xf32, #tpu.memory_space<vmem_shared>>) dst(%dma_wait3A_44 : memref<128x128xf32, #tpu.memory_space<hbm>>)
      tpu.yield
    }) : () -> ()
    return
  }
}

#map = affine_map<(d0, d1) -> (0, 0)>
#map1 = affine_map<(d0, d1) -> (0, 0, 0)>
module attributes {stable_mosaic.version = 14 : i64} {
  func.func @_agg_body(%arg0: i32, %arg1: i32, %arg2: memref<10240x128xf32, #tpu.memory_space<hbm>>, %arg3: memref<32x79x128xi32, #tpu.memory_space<hbm>>, %arg4: memref<32x79x128xi32, #tpu.memory_space<hbm>>, %arg5: memref<2x10240x128xf32, #tpu.memory_space<hbm>>, %arg6: memref<79x128xi32, #tpu.memory_space<vmem>>, %arg7: memref<79x128xi32, #tpu.memory_space<vmem>>, %arg8: memref<128x128xf32, #tpu.memory_space<vmem>>, %arg9: memref<16x128xf32, #tpu.memory_space<vmem>>, %arg10: memref<10240x128xf32, #tpu.memory_space<vmem_shared>>, %arg11: memref<!tpu.dma_semaphore, #tpu.memory_space<semaphore_mem>>) attributes {dimension_semantics = [#tpu.dimension_semantics<core_parallel>, #tpu.dimension_semantics<subcore_parallel>], iteration_bounds = array<i64: 2, 16>, scalar_prefetch = 0 : i64, scratch_operands = 6 : i64, tpu.core_type = #tpu.core_type<sc_vector_subcore>, window_params = [{transform_indices = #map}, {transform_indices = #map1}, {transform_indices = #map1}, {transform_indices = #map1}]} {
    %mul3A = arith.constant 16 : i32
    %mul3A_0 = arith.muli %arg0, %mul3A : i32
    %add3A = arith.addi %mul3A_0, %arg1 : i32
    %scan3A = arith.constant 0 : i32
    %scan3A_1 = arith.constant 0 : i32
    %scan3A_2 = arith.constant 16 : i32
    %scan3A_3 = arith.addi %scan3A_1, %scan3A_2 : i32
    %scan3A_4 = arith.constant 1 : i32
    scf.for %scan3A_39 = %scan3A_1 to %scan3A_3 step %scan3A_4  : i32 {
      %broadcast_in_dim3A = arith.constant 0.000000e+00 : f32
      %broadcast_in_dim3A_40 = vector.broadcast %broadcast_in_dim3A : f32 to vector<16xf32>
      %swap3A = arith.index_cast %scan3A_39 : i32 to index
      %swap3A_41 = arith.constant 0 : index
      %swap3A_42 = tpu.vector_load %arg9[%swap3A, %swap3A_41] {strides = array<i32>} : memref<16x128xf32, #tpu.memory_space<vmem>>, vector<1x16xf32>,
      %swap3A_43 = vector.shape_cast %swap3A_42 : vector<1x16xf32> to vector<16xf32>
      %swap3A_44 = vector.shape_cast %broadcast_in_dim3A_40 : vector<16xf32> to vector<1x16xf32>
      tpu.vector_store %arg9[%swap3A, %swap3A_41], %swap3A_44 {strides = array<i32>} : memref<16x128xf32, #tpu.memory_space<vmem>>, vector<1x16xf32>,
      %broadcast_in_dim3A_45 = arith.constant 0.000000e+00 : f32
      %broadcast_in_dim3A_46 = vector.broadcast %broadcast_in_dim3A_45 : f32 to vector<16xf32>
      %swap3A_47 = arith.index_cast %scan3A_39 : i32 to index
      %swap3A_48 = arith.constant 16 : index
      %swap3A_49 = tpu.vector_load %arg9[%swap3A_47, %swap3A_48] {strides = array<i32>} : memref<16x128xf32, #tpu.memory_space<vmem>>, vector<1x16xf32>,
      %swap3A_50 = vector.shape_cast %swap3A_49 : vector<1x16xf32> to vector<16xf32>
      %swap3A_51 = vector.shape_cast %broadcast_in_dim3A_46 : vector<16xf32> to vector<1x16xf32>
      tpu.vector_store %arg9[%swap3A_47, %swap3A_48], %swap3A_51 {strides = array<i32>} : memref<16x128xf32, #tpu.memory_space<vmem>>, vector<1x16xf32>,
      %broadcast_in_dim3A_52 = arith.constant 0.000000e+00 : f32
      %broadcast_in_dim3A_53 = vector.broadcast %broadcast_in_dim3A_52 : f32 to vector<16xf32>
      %swap3A_54 = arith.index_cast %scan3A_39 : i32 to index
      %swap3A_55 = arith.constant 32 : index
      %swap3A_56 = tpu.vector_load %arg9[%swap3A_54, %swap3A_55] {strides = array<i32>} : memref<16x128xf32, #tpu.memory_space<vmem>>, vector<1x16xf32>,
      %swap3A_57 = vector.shape_cast %swap3A_56 : vector<1x16xf32> to vector<16xf32>
      %swap3A_58 = vector.shape_cast %broadcast_in_dim3A_53 : vector<16xf32> to vector<1x16xf32>
      tpu.vector_store %arg9[%swap3A_54, %swap3A_55], %swap3A_58 {strides = array<i32>} : memref<16x128xf32, #tpu.memory_space<vmem>>, vector<1x16xf32>,
      %broadcast_in_dim3A_59 = arith.constant 0.000000e+00 : f32
      %broadcast_in_dim3A_60 = vector.broadcast %broadcast_in_dim3A_59 : f32 to vector<16xf32>
      %swap3A_61 = arith.index_cast %scan3A_39 : i32 to index
      %swap3A_62 = arith.constant 48 : index
      %swap3A_63 = tpu.vector_load %arg9[%swap3A_61, %swap3A_62] {strides = array<i32>} : memref<16x128xf32, #tpu.memory_space<vmem>>, vector<1x16xf32>,
      %swap3A_64 = vector.shape_cast %swap3A_63 : vector<1x16xf32> to vector<16xf32>
      %swap3A_65 = vector.shape_cast %broadcast_in_dim3A_60 : vector<16xf32> to vector<1x16xf32>
      tpu.vector_store %arg9[%swap3A_61, %swap3A_62], %swap3A_65 {strides = array<i32>} : memref<16x128xf32, #tpu.memory_space<vmem>>, vector<1x16xf32>,
      %broadcast_in_dim3A_66 = arith.constant 0.000000e+00 : f32
      %broadcast_in_dim3A_67 = vector.broadcast %broadcast_in_dim3A_66 : f32 to vector<16xf32>
      %swap3A_68 = arith.index_cast %scan3A_39 : i32 to index
      %swap3A_69 = arith.constant 64 : index
      %swap3A_70 = tpu.vector_load %arg9[%swap3A_68, %swap3A_69] {strides = array<i32>} : memref<16x128xf32, #tpu.memory_space<vmem>>, vector<1x16xf32>,
      %swap3A_71 = vector.shape_cast %swap3A_70 : vector<1x16xf32> to vector<16xf32>
      %swap3A_72 = vector.shape_cast %broadcast_in_dim3A_67 : vector<16xf32> to vector<1x16xf32>
      tpu.vector_store %arg9[%swap3A_68, %swap3A_69], %swap3A_72 {strides = array<i32>} : memref<16x128xf32, #tpu.memory_space<vmem>>, vector<1x16xf32>,
      %broadcast_in_dim3A_73 = arith.constant 0.000000e+00 : f32
      %broadcast_in_dim3A_74 = vector.broadcast %broadcast_in_dim3A_73 : f32 to vector<16xf32>
      %swap3A_75 = arith.index_cast %scan3A_39 : i32 to index
      %swap3A_76 = arith.constant 80 : index
      %swap3A_77 = tpu.vector_load %arg9[%swap3A_75, %swap3A_76] {strides = array<i32>} : memref<16x128xf32, #tpu.memory_space<vmem>>, vector<1x16xf32>,
      %swap3A_78 = vector.shape_cast %swap3A_77 : vector<1x16xf32> to vector<16xf32>
      %swap3A_79 = vector.shape_cast %broadcast_in_dim3A_74 : vector<16xf32> to vector<1x16xf32>
      tpu.vector_store %arg9[%swap3A_75, %swap3A_76], %swap3A_79 {strides = array<i32>} : memref<16x128xf32, #tpu.memory_space<vmem>>, vector<1x16xf32>,
      %broadcast_in_dim3A_80 = arith.constant 0.000000e+00 : f32
      %broadcast_in_dim3A_81 = vector.broadcast %broadcast_in_dim3A_80 : f32 to vector<16xf32>
      %swap3A_82 = arith.index_cast %scan3A_39 : i32 to index
      %swap3A_83 = arith.constant 96 : index
      %swap3A_84 = tpu.vector_load %arg9[%swap3A_82, %swap3A_83] {strides = array<i32>} : memref<16x128xf32, #tpu.memory_space<vmem>>, vector<1x16xf32>,
      %swap3A_85 = vector.shape_cast %swap3A_84 : vector<1x16xf32> to vector<16xf32>
      %swap3A_86 = vector.shape_cast %broadcast_in_dim3A_81 : vector<16xf32> to vector<1x16xf32>
      tpu.vector_store %arg9[%swap3A_82, %swap3A_83], %swap3A_86 {strides = array<i32>} : memref<16x128xf32, #tpu.memory_space<vmem>>, vector<1x16xf32>,
      %broadcast_in_dim3A_87 = arith.constant 0.000000e+00 : f32
      %broadcast_in_dim3A_88 = vector.broadcast %broadcast_in_dim3A_87 : f32 to vector<16xf32>
      %swap3A_89 = arith.index_cast %scan3A_39 : i32 to index
      %swap3A_90 = arith.constant 112 : index
      %swap3A_91 = tpu.vector_load %arg9[%swap3A_89, %swap3A_90] {strides = array<i32>} : memref<16x128xf32, #tpu.memory_space<vmem>>, vector<1x16xf32>,
      %swap3A_92 = vector.shape_cast %swap3A_91 : vector<1x16xf32> to vector<16xf32>
      %swap3A_93 = vector.shape_cast %broadcast_in_dim3A_88 : vector<16xf32> to vector<1x16xf32>
      tpu.vector_store %arg9[%swap3A_89, %swap3A_90], %swap3A_93 {strides = array<i32>} : memref<16x128xf32, #tpu.memory_space<vmem>>, vector<1x16xf32>,
    }
    %scan3A_5 = arith.constant 16 : i32
    %scan3A_6 = arith.constant 0 : i32
    %scan3A_7 = arith.constant 0 : i32
    %scan3A_8 = arith.constant 40 : i32
    %scan3A_9 = arith.addi %scan3A_7, %scan3A_8 : i32
    %scan3A_10 = arith.constant 1 : i32
    scf.for %scan3A_39 = %scan3A_7 to %scan3A_9 step %scan3A_10  : i32 {
      %mul3A_40 = arith.constant 640 : i32
      %mul3A_41 = arith.muli %arg1, %mul3A_40 : i32
      %mul3A_42 = arith.constant 16 : i32
      %mul3A_43 = arith.muli %scan3A_39, %mul3A_42 : i32
      %add3A_44 = arith.addi %mul3A_41, %mul3A_43 : i32
      "tpu.region"() ({
        %run_scoped3A = tpu.sem_alloc : memref<!tpu.dma_semaphore, #tpu.memory_space<semaphore_mem>>
        %dma_start3A = arith.constant 0 : i32
        %dma_start3A_45 = tpu.memref_slice %arg10[%add3A_44, %dma_start3A] : memref<10240x128xf32, #tpu.memory_space<vmem_shared>> -> memref<16x128xf32, #tpu.memory_space<vmem_shared>>
        %dma_start3A_46 = arith.constant 0 : i32
        %dma_start3A_47 = tpu.memref_slice %arg10[%add3A_44, %dma_start3A_46] : memref<10240x128xf32, #tpu.memory_space<vmem_shared>> -> memref<16x128xf32, #tpu.memory_space<vmem_shared>>
        tpu.enqueue_dma source(%arg9 : memref<16x128xf32, #tpu.memory_space<vmem>>) target(%dma_start3A_47 : memref<16x128xf32, #tpu.memory_space<vmem_shared>>) target_semaphore(%run_scoped3A : memref<!tpu.dma_semaphore, #tpu.memory_space<semaphore_mem>>)
        %dma_wait3A = arith.constant 0 : i32
        %dma_wait3A_48 = tpu.memref_slice %arg10[%add3A_44, %dma_wait3A] : memref<10240x128xf32, #tpu.memory_space<vmem_shared>> -> memref<16x128xf32, #tpu.memory_space<vmem_shared>>
        %dma_wait3A_49 = arith.constant 0 : i32
        %dma_wait3A_50 = tpu.memref_slice %arg10[%add3A_44, %dma_wait3A_49] : memref<10240x128xf32, #tpu.memory_space<vmem_shared>> -> memref<16x128xf32, #tpu.memory_space<vmem_shared>>
        tpu.wait_dma2 semaphore(%run_scoped3A : memref<!tpu.dma_semaphore, #tpu.memory_space<semaphore_mem>>) src(%arg9 : memref<16x128xf32, #tpu.memory_space<vmem>>) dst(%dma_wait3A_50 : memref<16x128xf32, #tpu.memory_space<vmem_shared>>)
        tpu.yield
      }) : () -> ()
    }
    %scan3A_11 = arith.constant 40 : i32
    "tpu.region"() ({
      %run_scoped3A = tpu.sem_alloc : memref<!tpu.dma_semaphore, #tpu.memory_space<semaphore_mem>>
      %dma_start3A = arith.constant 0 : i32
      %dma_start3A_39 = arith.constant 0 : i32
      %dma_start3A_40 = tpu.memref_slice %arg3[%add3A, %dma_start3A, %dma_start3A_39] : memref<32x79x128xi32, #tpu.memory_space<hbm>> -> memref<1x79x128xi32, #tpu.memory_space<hbm>>
      %dma_start3A_41 = tpu.memref_squeeze %dma_start3A_40 : memref<1x79x128xi32, #tpu.memory_space<hbm>> -> memref<79x128xi32, #tpu.memory_space<hbm>>
      %dma_start3A_42 = arith.constant 0 : i32
      %dma_start3A_43 = arith.constant 0 : i32
      %dma_start3A_44 = tpu.memref_slice %arg3[%add3A, %dma_start3A_42, %dma_start3A_43] : memref<32x79x128xi32, #tpu.memory_space<hbm>> -> memref<1x79x128xi32, #tpu.memory_space<hbm>>
      %dma_start3A_45 = tpu.memref_squeeze %dma_start3A_44 : memref<1x79x128xi32, #tpu.memory_space<hbm>> -> memref<79x128xi32, #tpu.memory_space<hbm>>
      tpu.enqueue_dma source(%dma_start3A_45 : memref<79x128xi32, #tpu.memory_space<hbm>>) target(%arg6 : memref<79x128xi32, #tpu.memory_space<vmem>>) target_semaphore(%run_scoped3A : memref<!tpu.dma_semaphore, #tpu.memory_space<semaphore_mem>>)
      %dma_wait3A = arith.constant 0 : i32
      %dma_wait3A_46 = arith.constant 0 : i32
      %dma_wait3A_47 = tpu.memref_slice %arg3[%add3A, %dma_wait3A, %dma_wait3A_46] : memref<32x79x128xi32, #tpu.memory_space<hbm>> -> memref<1x79x128xi32, #tpu.memory_space<hbm>>
      %dma_wait3A_48 = tpu.memref_squeeze %dma_wait3A_47 : memref<1x79x128xi32, #tpu.memory_space<hbm>> -> memref<79x128xi32, #tpu.memory_space<hbm>>
      %dma_wait3A_49 = arith.constant 0 : i32
      %dma_wait3A_50 = arith.constant 0 : i32
      %dma_wait3A_51 = tpu.memref_slice %arg3[%add3A, %dma_wait3A_49, %dma_wait3A_50] : memref<32x79x128xi32, #tpu.memory_space<hbm>> -> memref<1x79x128xi32, #tpu.memory_space<hbm>>
      %dma_wait3A_52 = tpu.memref_squeeze %dma_wait3A_51 : memref<1x79x128xi32, #tpu.memory_space<hbm>> -> memref<79x128xi32, #tpu.memory_space<hbm>>
      tpu.wait_dma2 semaphore(%run_scoped3A : memref<!tpu.dma_semaphore, #tpu.memory_space<semaphore_mem>>) src(%dma_wait3A_52 : memref<79x128xi32, #tpu.memory_space<hbm>>) dst(%arg6 : memref<79x128xi32, #tpu.memory_space<vmem>>)
      tpu.yield
    }) : () -> ()
    "tpu.region"() ({
      %run_scoped3A = tpu.sem_alloc : memref<!tpu.dma_semaphore, #tpu.memory_space<semaphore_mem>>
      %dma_start3A = arith.constant 0 : i32
      %dma_start3A_39 = arith.constant 0 : i32
      %dma_start3A_40 = tpu.memref_slice %arg4[%add3A, %dma_start3A, %dma_start3A_39] : memref<32x79x128xi32, #tpu.memory_space<hbm>> -> memref<1x79x128xi32, #tpu.memory_space<hbm>>
      %dma_start3A_41 = tpu.memref_squeeze %dma_start3A_40 : memref<1x79x128xi32, #tpu.memory_space<hbm>> -> memref<79x128xi32, #tpu.memory_space<hbm>>
      %dma_start3A_42 = arith.constant 0 : i32
      %dma_start3A_43 = arith.constant 0 : i32
      %dma_start3A_44 = tpu.memref_slice %arg4[%add3A, %dma_start3A_42, %dma_start3A_43] : memref<32x79x128xi32, #tpu.memory_space<hbm>> -> memref<1x79x128xi32, #tpu.memory_space<hbm>>
      %dma_start3A_45 = tpu.memref_squeeze %dma_start3A_44 : memref<1x79x128xi32, #tpu.memory_space<hbm>> -> memref<79x128xi32, #tpu.memory_space<hbm>>
      tpu.enqueue_dma source(%dma_start3A_45 : memref<79x128xi32, #tpu.memory_space<hbm>>) target(%arg7 : memref<79x128xi32, #tpu.memory_space<vmem>>) target_semaphore(%run_scoped3A : memref<!tpu.dma_semaphore, #tpu.memory_space<semaphore_mem>>)
      %dma_wait3A = arith.constant 0 : i32
      %dma_wait3A_46 = arith.constant 0 : i32
      %dma_wait3A_47 = tpu.memref_slice %arg4[%add3A, %dma_wait3A, %dma_wait3A_46] : memref<32x79x128xi32, #tpu.memory_space<hbm>> -> memref<1x79x128xi32, #tpu.memory_space<hbm>>
      %dma_wait3A_48 = tpu.memref_squeeze %dma_wait3A_47 : memref<1x79x128xi32, #tpu.memory_space<hbm>> -> memref<79x128xi32, #tpu.memory_space<hbm>>
      %dma_wait3A_49 = arith.constant 0 : i32
      %dma_wait3A_50 = arith.constant 0 : i32
      %dma_wait3A_51 = tpu.memref_slice %arg4[%add3A, %dma_wait3A_49, %dma_wait3A_50] : memref<32x79x128xi32, #tpu.memory_space<hbm>> -> memref<1x79x128xi32, #tpu.memory_space<hbm>>
      %dma_wait3A_52 = tpu.memref_squeeze %dma_wait3A_51 : memref<1x79x128xi32, #tpu.memory_space<hbm>> -> memref<79x128xi32, #tpu.memory_space<hbm>>
      tpu.wait_dma2 semaphore(%run_scoped3A : memref<!tpu.dma_semaphore, #tpu.memory_space<semaphore_mem>>) src(%dma_wait3A_52 : memref<79x128xi32, #tpu.memory_space<hbm>>) dst(%arg7 : memref<79x128xi32, #tpu.memory_space<vmem>>)
      tpu.yield
    }) : () -> ()
    %barrier3A = arith.constant 0 : index
    tpu.barrier barrier_id(%barrier3A)
    %scan3A_12 = arith.constant 0 : i32
    %scan3A_13 = arith.constant 0 : i32
    %scan3A_14 = arith.constant 79 : i32
    %scan3A_15 = arith.addi %scan3A_13, %scan3A_14 : i32
    %scan3A_16 = arith.constant 1 : i32
    scf.for %scan3A_39 = %scan3A_13 to %scan3A_15 step %scan3A_16  : i32 {
      %dma_start3A = arith.constant 0 : i32
      %dma_start3A_40 = tpu.memref_slice %arg6[%scan3A_39, %dma_start3A] : memref<79x128xi32, #tpu.memory_space<vmem>> -> memref<1x128xi32, #tpu.memory_space<vmem>>
      %dma_start3A_41 = tpu.memref_squeeze %dma_start3A_40 : memref<1x128xi32, #tpu.memory_space<vmem>> -> memref<128xi32, #tpu.memory_space<vmem>>
      %dma_start3A_42 = arith.constant 0 : i32
      %dma_start3A_43 = arith.constant 0 : i32
      %dma_start3A_44 = tpu.memref_slice %arg2[%dma_start3A_42, %dma_start3A_43] : memref<10240x128xf32, #tpu.memory_space<hbm>> -> memref<10240x128xf32, #tpu.memory_space<hbm>>
      tpu.enqueue_indirect_dma source(%dma_start3A_44 : memref<10240x128xf32, #tpu.memory_space<hbm>>) target(%arg8 : memref<128x128xf32, #tpu.memory_space<vmem>>) offsets(%dma_start3A_41 : memref<128xi32, #tpu.memory_space<vmem>>) semaphore(%arg11 : memref<!tpu.dma_semaphore, #tpu.memory_space<semaphore_mem>>)
      %dma_wait3A = arith.constant 0 : i32
      %dma_wait3A_45 = tpu.memref_slice %arg6[%scan3A_39, %dma_wait3A] : memref<79x128xi32, #tpu.memory_space<vmem>> -> memref<1x128xi32, #tpu.memory_space<vmem>>
      %dma_wait3A_46 = tpu.memref_squeeze %dma_wait3A_45 : memref<1x128xi32, #tpu.memory_space<vmem>> -> memref<128xi32, #tpu.memory_space<vmem>>
      %dma_wait3A_47 = arith.constant 0 : i32
      %dma_wait3A_48 = arith.constant 0 : i32
      %dma_wait3A_49 = tpu.memref_slice %arg2[%dma_wait3A_47, %dma_wait3A_48] : memref<10240x128xf32, #tpu.memory_space<hbm>> -> memref<10240x128xf32, #tpu.memory_space<hbm>>
      tpu.wait_indirect_dma semaphore(%arg11 : memref<!tpu.dma_semaphore, #tpu.memory_space<semaphore_mem>>) src(%dma_wait3A_49 : memref<10240x128xf32, #tpu.memory_space<hbm>>) dst(%arg8 : memref<128x128xf32, #tpu.memory_space<vmem>>)
      "tpu.region"() ({
        %run_scoped3A = tpu.sem_alloc : memref<!tpu.dma_semaphore, #tpu.memory_space<semaphore_mem>>
        %dma_start3A_50 = arith.constant 0 : i32
        %dma_start3A_51 = tpu.memref_slice %arg7[%scan3A_39, %dma_start3A_50] : memref<79x128xi32, #tpu.memory_space<vmem>> -> memref<1x128xi32, #tpu.memory_space<vmem>>
        %dma_start3A_52 = tpu.memref_squeeze %dma_start3A_51 : memref<1x128xi32, #tpu.memory_space<vmem>> -> memref<128xi32, #tpu.memory_space<vmem>>
        %dma_start3A_53 = arith.constant 0 : i32
        %dma_start3A_54 = arith.constant 0 : i32
        %dma_start3A_55 = tpu.memref_slice %arg10[%dma_start3A_53, %dma_start3A_54] : memref<10240x128xf32, #tpu.memory_space<vmem_shared>> -> memref<10240x128xf32, #tpu.memory_space<vmem_shared>>
        tpu.enqueue_indirect_dma source(%arg8 : memref<128x128xf32, #tpu.memory_space<vmem>>) target(%dma_start3A_55 : memref<10240x128xf32, #tpu.memory_space<vmem_shared>>) offsets(%dma_start3A_52 : memref<128xi32, #tpu.memory_space<vmem>>) semaphore(%run_scoped3A : memref<!tpu.dma_semaphore, #tpu.memory_space<semaphore_mem>>) {add = true}
        %dma_wait3A_56 = arith.constant 0 : i32
        %dma_wait3A_57 = tpu.memref_slice %arg7[%scan3A_39, %dma_wait3A_56] : memref<79x128xi32, #tpu.memory_space<vmem>> -> memref<1x128xi32, #tpu.memory_space<vmem>>
        %dma_wait3A_58 = tpu.memref_squeeze %dma_wait3A_57 : memref<1x128xi32, #tpu.memory_space<vmem>> -> memref<128xi32, #tpu.memory_space<vmem>>
        %dma_wait3A_59 = arith.constant 0 : i32
        %dma_wait3A_60 = arith.constant 0 : i32
        %dma_wait3A_61 = tpu.memref_slice %arg10[%dma_wait3A_59, %dma_wait3A_60] : memref<10240x128xf32, #tpu.memory_space<vmem_shared>> -> memref<10240x128xf32, #tpu.memory_space<vmem_shared>>
        tpu.wait_indirect_dma semaphore(%run_scoped3A : memref<!tpu.dma_semaphore, #tpu.memory_space<semaphore_mem>>) src(%arg8 : memref<128x128xf32, #tpu.memory_space<vmem>>) dst(%dma_wait3A_61 : memref<10240x128xf32, #tpu.memory_space<vmem_shared>>)
        tpu.yield
      }) : () -> ()
    }
    %scan3A_17 = arith.constant 79 : i32
    %barrier3A_18 = arith.constant 0 : index
    tpu.barrier barrier_id(%barrier3A_18)
    %mul3A_19 = arith.constant 640 : i32
    %mul3A_20 = arith.muli %arg1, %mul3A_19 : i32
    %add3A_21 = arith.constant 0 : i32
    %add3A_22 = arith.addi %mul3A_20, %add3A_21 : i32
    "tpu.region"() ({
      %run_scoped3A = tpu.sem_alloc : memref<!tpu.dma_semaphore, #tpu.memory_space<semaphore_mem>>
      %dma_start3A = arith.constant 0 : i32
      %dma_start3A_39 = tpu.memref_slice %arg5[%arg0, %add3A_22, %dma_start3A] : memref<2x10240x128xf32, #tpu.memory_space<hbm>> -> memref<1x128x128xf32, #tpu.memory_space<hbm>>
      %dma_start3A_40 = tpu.memref_squeeze %dma_start3A_39 : memref<1x128x128xf32, #tpu.memory_space<hbm>> -> memref<128x128xf32, #tpu.memory_space<hbm>>
      %dma_start3A_41 = arith.constant 0 : i32
      %dma_start3A_42 = tpu.memref_slice %arg10[%add3A_22, %dma_start3A_41] : memref<10240x128xf32, #tpu.memory_space<vmem_shared>> -> memref<128x128xf32, #tpu.memory_space<vmem_shared>>
      tpu.enqueue_dma source(%dma_start3A_42 : memref<128x128xf32, #tpu.memory_space<vmem_shared>>) target(%dma_start3A_40 : memref<128x128xf32, #tpu.memory_space<hbm>>) target_semaphore(%run_scoped3A : memref<!tpu.dma_semaphore, #tpu.memory_space<semaphore_mem>>)
      %dma_wait3A = arith.constant 0 : i32
      %dma_wait3A_43 = tpu.memref_slice %arg5[%arg0, %add3A_22, %dma_wait3A] : memref<2x10240x128xf32, #tpu.memory_space<hbm>> -> memref<1x128x128xf32, #tpu.memory_space<hbm>>
      %dma_wait3A_44 = tpu.memref_squeeze %dma_wait3A_43 : memref<1x128x128xf32, #tpu.memory_space<hbm>> -> memref<128x128xf32, #tpu.memory_space<hbm>>
      %dma_wait3A_45 = arith.constant 0 : i32
      %dma_wait3A_46 = tpu.memref_slice %arg10[%add3A_22, %dma_wait3A_45] : memref<10240x128xf32, #tpu.memory_space<vmem_shared>> -> memref<128x128xf32, #tpu.memory_space<vmem_shared>>
      tpu.wait_dma2 semaphore(%run_scoped3A : memref<!tpu.dma_semaphore, #tpu.memory_space<semaphore_mem>>) src(%dma_wait3A_46 : memref<128x128xf32, #tpu.memory_space<vmem_shared>>) dst(%dma_wait3A_44 : memref<128x128xf32, #tpu.memory_space<hbm>>)
      tpu.yield
    }) : () -> ()
    %mul3A_23 = arith.constant 640 : i32
    %mul3A_24 = arith.muli %arg1, %mul3A_23 : i32
    %add3A_25 = arith.constant 128 : i32
    %add3A_26 = arith.addi %mul3A_24, %add3A_25 : i32
    "tpu.region"() ({
      %run_scoped3A = tpu.sem_alloc : memref<!tpu.dma_semaphore, #tpu.memory_space<semaphore_mem>>
      %dma_start3A = arith.constant 0 : i32
      %dma_start3A_39 = tpu.memref_slice %arg5[%arg0, %add3A_26, %dma_start3A] : memref<2x10240x128xf32, #tpu.memory_space<hbm>> -> memref<1x128x128xf32, #tpu.memory_space<hbm>>
      %dma_start3A_40 = tpu.memref_squeeze %dma_start3A_39 : memref<1x128x128xf32, #tpu.memory_space<hbm>> -> memref<128x128xf32, #tpu.memory_space<hbm>>
      %dma_start3A_41 = arith.constant 0 : i32
      %dma_start3A_42 = tpu.memref_slice %arg10[%add3A_26, %dma_start3A_41] : memref<10240x128xf32, #tpu.memory_space<vmem_shared>> -> memref<128x128xf32, #tpu.memory_space<vmem_shared>>
      tpu.enqueue_dma source(%dma_start3A_42 : memref<128x128xf32, #tpu.memory_space<vmem_shared>>) target(%dma_start3A_40 : memref<128x128xf32, #tpu.memory_space<hbm>>) target_semaphore(%run_scoped3A : memref<!tpu.dma_semaphore, #tpu.memory_space<semaphore_mem>>)
      %dma_wait3A = arith.constant 0 : i32
      %dma_wait3A_43 = tpu.memref_slice %arg5[%arg0, %add3A_26, %dma_wait3A] : memref<2x10240x128xf32, #tpu.memory_space<hbm>> -> memref<1x128x128xf32, #tpu.memory_space<hbm>>
      %dma_wait3A_44 = tpu.memref_squeeze %dma_wait3A_43 : memref<1x128x128xf32, #tpu.memory_space<hbm>> -> memref<128x128xf32, #tpu.memory_space<hbm>>
      %dma_wait3A_45 = arith.constant 0 : i32
      %dma_wait3A_46 = tpu.memref_slice %arg10[%add3A_26, %dma_wait3A_45] : memref<10240x128xf32, #tpu.memory_space<vmem_shared>> -> memref<128x128xf32, #tpu.memory_space<vmem_shared>>
      tpu.wait_dma2 semaphore(%run_scoped3A : memref<!tpu.dma_semaphore, #tpu.memory_space<semaphore_mem>>) src(%dma_wait3A_46 : memref<128x128xf32, #tpu.memory_space<vmem_shared>>) dst(%dma_wait3A_44 : memref<128x128xf32, #tpu.memory_space<hbm>>)
      tpu.yield
    }) : () -> ()
    %mul3A_27 = arith.constant 640 : i32
    %mul3A_28 = arith.muli %arg1, %mul3A_27 : i32
    %add3A_29 = arith.constant 256 : i32
    %add3A_30 = arith.addi %mul3A_28, %add3A_29 : i32
    "tpu.region"() ({
      %run_scoped3A = tpu.sem_alloc : memref<!tpu.dma_semaphore, #tpu.memory_space<semaphore_mem>>
      %dma_start3A = arith.constant 0 : i32
      %dma_start3A_39 = tpu.memref_slice %arg5[%arg0, %add3A_30, %dma_start3A] : memref<2x10240x128xf32, #tpu.memory_space<hbm>> -> memref<1x128x128xf32, #tpu.memory_space<hbm>>
      %dma_start3A_40 = tpu.memref_squeeze %dma_start3A_39 : memref<1x128x128xf32, #tpu.memory_space<hbm>> -> memref<128x128xf32, #tpu.memory_space<hbm>>
      %dma_start3A_41 = arith.constant 0 : i32
      %dma_start3A_42 = tpu.memref_slice %arg10[%add3A_30, %dma_start3A_41] : memref<10240x128xf32, #tpu.memory_space<vmem_shared>> -> memref<128x128xf32, #tpu.memory_space<vmem_shared>>
      tpu.enqueue_dma source(%dma_start3A_42 : memref<128x128xf32, #tpu.memory_space<vmem_shared>>) target(%dma_start3A_40 : memref<128x128xf32, #tpu.memory_space<hbm>>) target_semaphore(%run_scoped3A : memref<!tpu.dma_semaphore, #tpu.memory_space<semaphore_mem>>)
      %dma_wait3A = arith.constant 0 : i32
      %dma_wait3A_43 = tpu.memref_slice %arg5[%arg0, %add3A_30, %dma_wait3A] : memref<2x10240x128xf32, #tpu.memory_space<hbm>> -> memref<1x128x128xf32, #tpu.memory_space<hbm>>
      %dma_wait3A_44 = tpu.memref_squeeze %dma_wait3A_43 : memref<1x128x128xf32, #tpu.memory_space<hbm>> -> memref<128x128xf32, #tpu.memory_space<hbm>>
      %dma_wait3A_45 = arith.constant 0 : i32
      %dma_wait3A_46 = tpu.memref_slice %arg10[%add3A_30, %dma_wait3A_45] : memref<10240x128xf32, #tpu.memory_space<vmem_shared>> -> memref<128x128xf32, #tpu.memory_space<vmem_shared>>
      tpu.wait_dma2 semaphore(%run_scoped3A : memref<!tpu.dma_semaphore, #tpu.memory_space<semaphore_mem>>) src(%dma_wait3A_46 : memref<128x128xf32, #tpu.memory_space<vmem_shared>>) dst(%dma_wait3A_44 : memref<128x128xf32, #tpu.memory_space<hbm>>)
      tpu.yield
    }) : () -> ()
    %mul3A_31 = arith.constant 640 : i32
    %mul3A_32 = arith.muli %arg1, %mul3A_31 : i32
    %add3A_33 = arith.constant 384 : i32
    %add3A_34 = arith.addi %mul3A_32, %add3A_33 : i32
    "tpu.region"() ({
      %run_scoped3A = tpu.sem_alloc : memref<!tpu.dma_semaphore, #tpu.memory_space<semaphore_mem>>
      %dma_start3A = arith.constant 0 : i32
      %dma_start3A_39 = tpu.memref_slice %arg5[%arg0, %add3A_34, %dma_start3A] : memref<2x10240x128xf32, #tpu.memory_space<hbm>> -> memref<1x128x128xf32, #tpu.memory_space<hbm>>
      %dma_start3A_40 = tpu.memref_squeeze %dma_start3A_39 : memref<1x128x128xf32, #tpu.memory_space<hbm>> -> memref<128x128xf32, #tpu.memory_space<hbm>>
      %dma_start3A_41 = arith.constant 0 : i32
      %dma_start3A_42 = tpu.memref_slice %arg10[%add3A_34, %dma_start3A_41] : memref<10240x128xf32, #tpu.memory_space<vmem_shared>> -> memref<128x128xf32, #tpu.memory_space<vmem_shared>>
      tpu.enqueue_dma source(%dma_start3A_42 : memref<128x128xf32, #tpu.memory_space<vmem_shared>>) target(%dma_start3A_40 : memref<128x128xf32, #tpu.memory_space<hbm>>) target_semaphore(%run_scoped3A : memref<!tpu.dma_semaphore, #tpu.memory_space<semaphore_mem>>)
      %dma_wait3A = arith.constant 0 : i32
      %dma_wait3A_43 = tpu.memref_slice %arg5[%arg0, %add3A_34, %dma_wait3A] : memref<2x10240x128xf32, #tpu.memory_space<hbm>> -> memref<1x128x128xf32, #tpu.memory_space<hbm>>
      %dma_wait3A_44 = tpu.memref_squeeze %dma_wait3A_43 : memref<1x128x128xf32, #tpu.memory_space<hbm>> -> memref<128x128xf32, #tpu.memory_space<hbm>>
      %dma_wait3A_45 = arith.constant 0 : i32
      %dma_wait3A_46 = tpu.memref_slice %arg10[%add3A_34, %dma_wait3A_45] : memref<10240x128xf32, #tpu.memory_space<vmem_shared>> -> memref<128x128xf32, #tpu.memory_space<vmem_shared>>
      tpu.wait_dma2 semaphore(%run_scoped3A : memref<!tpu.dma_semaphore, #tpu.memory_space<semaphore_mem>>) src(%dma_wait3A_46 : memref<128x128xf32, #tpu.memory_space<vmem_shared>>) dst(%dma_wait3A_44 : memref<128x128xf32, #tpu.memory_space<hbm>>)
      tpu.yield
    }) : () -> ()
    %mul3A_35 = arith.constant 640 : i32
    %mul3A_36 = arith.muli %arg1, %mul3A_35 : i32
    %add3A_37 = arith.constant 512 : i32
    %add3A_38 = arith.addi %mul3A_36, %add3A_37 : i32
    "tpu.region"() ({
      %run_scoped3A = tpu.sem_alloc : memref<!tpu.dma_semaphore, #tpu.memory_space<semaphore_mem>>
      %dma_start3A = arith.constant 0 : i32
      %dma_start3A_39 = tpu.memref_slice %arg5[%arg0, %add3A_38, %dma_start3A] : memref<2x10240x128xf32, #tpu.memory_space<hbm>> -> memref<1x128x128xf32, #tpu.memory_space<hbm>>
      %dma_start3A_40 = tpu.memref_squeeze %dma_start3A_39 : memref<1x128x128xf32, #tpu.memory_space<hbm>> -> memref<128x128xf32, #tpu.memory_space<hbm>>
      %dma_start3A_41 = arith.constant 0 : i32
      %dma_start3A_42 = tpu.memref_slice %arg10[%add3A_38, %dma_start3A_41] : memref<10240x128xf32, #tpu.memory_space<vmem_shared>> -> memref<128x128xf32, #tpu.memory_space<vmem_shared>>
      tpu.enqueue_dma source(%dma_start3A_42 : memref<128x128xf32, #tpu.memory_space<vmem_shared>>) target(%dma_start3A_40 : memref<128x128xf32, #tpu.memory_space<hbm>>) target_semaphore(%run_scoped3A : memref<!tpu.dma_semaphore, #tpu.memory_space<semaphore_mem>>)
      %dma_wait3A = arith.constant 0 : i32
      %dma_wait3A_43 = tpu.memref_slice %arg5[%arg0, %add3A_38, %dma_wait3A] : memref<2x10240x128xf32, #tpu.memory_space<hbm>> -> memref<1x128x128xf32, #tpu.memory_space<hbm>>
      %dma_wait3A_44 = tpu.memref_squeeze %dma_wait3A_43 : memref<1x128x128xf32, #tpu.memory_space<hbm>> -> memref<128x128xf32, #tpu.memory_space<hbm>>
      %dma_wait3A_45 = arith.constant 0 : i32
      %dma_wait3A_46 = tpu.memref_slice %arg10[%add3A_38, %dma_wait3A_45] : memref<10240x128xf32, #tpu.memory_space<vmem_shared>> -> memref<128x128xf32, #tpu.memory_space<vmem_shared>>
      tpu.wait_dma2 semaphore(%run_scoped3A : memref<!tpu.dma_semaphore, #tpu.memory_space<semaphore_mem>>) src(%dma_wait3A_46 : memref<128x128xf32, #tpu.memory_space<vmem_shared>>) dst(%dma_wait3A_44 : memref<128x128xf32, #tpu.memory_space<hbm>>)
      tpu.yield
    }) : () -> ()
    return
  }
}

module attributes {stable_mosaic.version = 14 : i64} {
  func.func @_tc1_body(%arg0: memref<2x10240x128xf32, #tpu.memory_space<vmem>>, %arg1: memref<10000x128xf32, #tpu.memory_space<vmem>>, %arg2: memref<128x128xf32, #tpu.memory_space<vmem>>, %arg3: memref<10240x128xf32, #tpu.memory_space<vmem>>, %arg4: memref<10240x1xf32, #tpu.memory_space<vmem>>) attributes {dimension_semantics = [], scalar_prefetch = 0 : i64, scratch_operands = 0 : i64, tpu.core_type = #tpu.core_type<tc>} {
    %get3A = arith.constant 0 : index
    %get3A_0 = arith.constant 0 : index
    %get3A_1 = arith.constant 0 : index
    %get3A_2 = vector.load %arg0[%get3A, %get3A_0, %get3A_1] : memref<2x10240x128xf32, #tpu.memory_space<vmem>>, vector<1x10240x128xf32>
    %get3A_3 = vector.shape_cast %get3A_2 : vector<1x10240x128xf32> to vector<10240x128xf32>
    %get3A_4 = arith.constant 1 : index
    %get3A_5 = arith.constant 0 : index
    %get3A_6 = arith.constant 0 : index
    %get3A_7 = vector.load %arg0[%get3A_4, %get3A_5, %get3A_6] : memref<2x10240x128xf32, #tpu.memory_space<vmem>>, vector<1x10240x128xf32>
    %get3A_8 = vector.shape_cast %get3A_7 : vector<1x10240x128xf32> to vector<10240x128xf32>
    %add3A = arith.addf %get3A_3, %get3A_8 : vector<10240x128xf32>
    %reduce_max3A = arith.constant dense<0xFF800000> : vector<10240xf32>
    %reduce_max3A_9 = vector.multi_reduction <maximumf>, %add3A, %reduce_max3A [1] : vector<10240x128xf32> to vector<10240xf32>
    %broadcast_in_dim3A = vector.shape_cast %reduce_max3A_9 : vector<10240xf32> to vector<10240x1xf32>
    %add3A_10 = arith.constant 1.000000e+00 : f32
    %add3A_11 = vector.broadcast %add3A_10 : f32 to vector<10240x1xf32>
    %add3A_12 = arith.addf %broadcast_in_dim3A, %add3A_11 : vector<10240x1xf32>
    %rsqrt3A = math.rsqrt %add3A_12 : vector<10240x1xf32>
    %swap3A = arith.constant 0 : index
    %swap3A_13 = arith.constant 0 : index
    %swap3A_14 = vector.load %arg4[%swap3A, %swap3A_13] : memref<10240x1xf32, #tpu.memory_space<vmem>>, vector<10240x1xf32>
    tpu.vector_store %arg4[%swap3A, %swap3A_13], %rsqrt3A {strides = array<i32>} : memref<10240x1xf32, #tpu.memory_space<vmem>>, vector<10240x1xf32>,
    %get3A_15 = arith.constant 0 : index
    %get3A_16 = arith.constant 0 : index
    %get3A_17 = vector.load %arg1[%get3A_15, %get3A_16] : memref<10000x128xf32, #tpu.memory_space<vmem>>, vector<10000x128xf32>
    %get3A_18 = arith.constant 0 : index
    %get3A_19 = arith.constant 0 : index
    %get3A_20 = vector.load %arg2[%get3A_18, %get3A_19] : memref<128x128xf32, #tpu.memory_space<vmem>>, vector<128x128xf32>
    %dot_general3A = arith.constant dense<0.000000e+00> : vector<10000x128xf32>
    %dot_general3A_21 = tpu.matmul %get3A_17, %get3A_20, %dot_general3A {dimension_numbers = #tpu.dot_dimension_numbers<[1], [0], [0], [1], [0, 0, 1, 1], [], []>, transpose_lhs_hint = false} : vector<10000x128xf32>, vector<128x128xf32>, vector<10000x128xf32> -> vector<10000x128xf32>
    %slice3A = vector.extract_strided_slice %rsqrt3A {offsets = [0, 0], sizes = [10000, 1], strides = [1, 1]} : vector<10240x1xf32> to vector<10000x1xf32>
    %mul3A = vector.broadcast %slice3A : vector<10000x1xf32> to vector<10000x128xf32>
    %mul3A_22 = arith.mulf %dot_general3A_21, %mul3A : vector<10000x128xf32>
    %swap3A_23 = arith.constant 0 : index
    %swap3A_24 = arith.constant 0 : index
    %swap3A_25 = vector.load %arg3[%swap3A_23, %swap3A_24] : memref<10240x128xf32, #tpu.memory_space<vmem>>, vector<10000x128xf32>
    tpu.vector_store %arg3[%swap3A_23, %swap3A_24], %mul3A_22 {strides = array<i32>} : memref<10240x128xf32, #tpu.memory_space<vmem>>, vector<10000x128xf32>,
    %broadcast_in_dim3A_26 = arith.constant 0.000000e+00 : f32
    %broadcast_in_dim3A_27 = vector.broadcast %broadcast_in_dim3A_26 : f32 to vector<240x128xf32>
    %swap3A_28 = arith.constant 10000 : index
    %swap3A_29 = arith.constant 0 : index
    %swap3A_30 = vector.load %arg3[%swap3A_28, %swap3A_29] : memref<10240x128xf32, #tpu.memory_space<vmem>>, vector<240x128xf32>
    tpu.vector_store %arg3[%swap3A_28, %swap3A_29], %broadcast_in_dim3A_27 {strides = array<i32>} : memref<10240x128xf32, #tpu.memory_space<vmem>>, vector<240x128xf32>,
    return
  }
}

module attributes {stable_mosaic.version = 14 : i64} {
  func.func @_ep_mid_body(%arg0: memref<2x10240x128xf32, #tpu.memory_space<vmem>>, %arg1: memref<10240x128xf32, #tpu.memory_space<vmem>>, %arg2: memref<10240x1xf32, #tpu.memory_space<vmem>>, %arg3: memref<1x128xf32, #tpu.memory_space<vmem>>, %arg4: memref<1x128xf32, #tpu.memory_space<vmem>>, %arg5: memref<1x128xf32, #tpu.memory_space<vmem>>, %arg6: memref<128x128xf32, #tpu.memory_space<vmem>>, %arg7: memref<10240x128xf32, #tpu.memory_space<vmem>>) attributes {dimension_semantics = [], scalar_prefetch = 0 : i64, scratch_operands = 0 : i64, tpu.core_type = #tpu.core_type<tc>} {
    %get3A = arith.constant 0 : index
    %get3A_0 = arith.constant 0 : index
    %get3A_1 = arith.constant 0 : index
    %get3A_2 = vector.load %arg0[%get3A, %get3A_0, %get3A_1] : memref<2x10240x128xf32, #tpu.memory_space<vmem>>, vector<1x10000x128xf32>
    %get3A_3 = vector.shape_cast %get3A_2 : vector<1x10000x128xf32> to vector<10000x128xf32>
    %get3A_4 = arith.constant 1 : index
    %get3A_5 = arith.constant 0 : index
    %get3A_6 = arith.constant 0 : index
    %get3A_7 = vector.load %arg0[%get3A_4, %get3A_5, %get3A_6] : memref<2x10240x128xf32, #tpu.memory_space<vmem>>, vector<1x10000x128xf32>
    %get3A_8 = vector.shape_cast %get3A_7 : vector<1x10000x128xf32> to vector<10000x128xf32>
    %add3A = arith.addf %get3A_3, %get3A_8 : vector<10000x128xf32>
    %get3A_9 = arith.constant 0 : index
    %get3A_10 = arith.constant 0 : index
    %get3A_11 = vector.load %arg1[%get3A_9, %get3A_10] : memref<10240x128xf32, #tpu.memory_space<vmem>>, vector<10000x128xf32>
    %add3A_12 = arith.addf %add3A, %get3A_11 : vector<10000x128xf32>
    %get3A_13 = arith.constant 0 : index
    %get3A_14 = arith.constant 0 : index
    %get3A_15 = vector.load %arg2[%get3A_13, %get3A_14] : memref<10240x1xf32, #tpu.memory_space<vmem>>, vector<10000x1xf32>
    %mul3A = vector.broadcast %get3A_15 : vector<10000x1xf32> to vector<10000x128xf32>
    %mul3A_16 = arith.mulf %add3A_12, %mul3A : vector<10000x128xf32>
    %get3A_17 = arith.constant 0 : index
    %get3A_18 = arith.constant 0 : index
    %get3A_19 = vector.load %arg3[%get3A_17, %get3A_18] : memref<1x128xf32, #tpu.memory_space<vmem>>, vector<1x128xf32>
    %add3A_20 = vector.broadcast %get3A_19 : vector<1x128xf32> to vector<10000x128xf32>
    %add3A_21 = arith.addf %mul3A_16, %add3A_20 : vector<10000x128xf32>
    %reduce_sum3A = arith.constant dense<0.000000e+00> : vector<128xf32>
    %reduce_sum3A_22 = vector.multi_reduction <add>, %add3A_21, %reduce_sum3A [0] : vector<10000x128xf32> to vector<128xf32>
    %broadcast_in_dim3A = vector.shape_cast %reduce_sum3A_22 : vector<128xf32> to vector<1x128xf32>
    %div3A = arith.constant 1.000000e+04 : f32
    %div3A_23 = vector.broadcast %div3A : f32 to vector<1x128xf32>
    %div3A_24 = arith.divf %broadcast_in_dim3A, %div3A_23 : vector<1x128xf32>
    %sub3A = vector.broadcast %div3A_24 : vector<1x128xf32> to vector<10000x128xf32>
    %sub3A_25 = arith.subf %add3A_21, %sub3A : vector<10000x128xf32>
    %mul3A_26 = arith.mulf %sub3A_25, %sub3A_25 : vector<10000x128xf32>
    %reduce_sum3A_27 = arith.constant dense<0.000000e+00> : vector<128xf32>
    %reduce_sum3A_28 = vector.multi_reduction <add>, %mul3A_26, %reduce_sum3A_27 [0] : vector<10000x128xf32> to vector<128xf32>
    %broadcast_in_dim3A_29 = vector.shape_cast %reduce_sum3A_28 : vector<128xf32> to vector<1x128xf32>
    %div3A_30 = arith.constant 1.000000e+04 : f32
    %div3A_31 = vector.broadcast %div3A_30 : f32 to vector<1x128xf32>
    %div3A_32 = arith.divf %broadcast_in_dim3A_29, %div3A_31 : vector<1x128xf32>
    %add3A_33 = arith.constant 9.99999974E-6 : f32
    %add3A_34 = vector.broadcast %add3A_33 : f32 to vector<1x128xf32>
    %add3A_35 = arith.addf %div3A_32, %add3A_34 : vector<1x128xf32>
    %rsqrt3A = math.rsqrt %add3A_35 : vector<1x128xf32>
    %mul3A_36 = vector.broadcast %rsqrt3A : vector<1x128xf32> to vector<10000x128xf32>
    %mul3A_37 = arith.mulf %sub3A_25, %mul3A_36 : vector<10000x128xf32>
    %get3A_38 = arith.constant 0 : index
    %get3A_39 = arith.constant 0 : index
    %get3A_40 = vector.load %arg4[%get3A_38, %get3A_39] : memref<1x128xf32, #tpu.memory_space<vmem>>, vector<1x128xf32>
    %mul3A_41 = vector.broadcast %get3A_40 : vector<1x128xf32> to vector<10000x128xf32>
    %mul3A_42 = arith.mulf %mul3A_37, %mul3A_41 : vector<10000x128xf32>
    %get3A_43 = arith.constant 0 : index
    %get3A_44 = arith.constant 0 : index
    %get3A_45 = vector.load %arg5[%get3A_43, %get3A_44] : memref<1x128xf32, #tpu.memory_space<vmem>>, vector<1x128xf32>
    %add3A_46 = vector.broadcast %get3A_45 : vector<1x128xf32> to vector<10000x128xf32>
    %add3A_47 = arith.addf %mul3A_42, %add3A_46 : vector<10000x128xf32>
    %max3A = arith.constant 0.000000e+00 : f32
    %max3A_48 = vector.broadcast %max3A : f32 to vector<10000x128xf32>
    %max3A_49 = arith.maximumf %add3A_47, %max3A_48 : vector<10000x128xf32>
    %get3A_50 = arith.constant 0 : index
    %get3A_51 = arith.constant 0 : index
    %get3A_52 = vector.load %arg6[%get3A_50, %get3A_51] : memref<128x128xf32, #tpu.memory_space<vmem>>, vector<128x128xf32>
    %dot_general3A = arith.constant dense<0.000000e+00> : vector<10000x128xf32>
    %dot_general3A_53 = tpu.matmul %max3A_49, %get3A_52, %dot_general3A {dimension_numbers = #tpu.dot_dimension_numbers<[1], [0], [0], [1], [0, 0, 1, 1], [], []>, transpose_lhs_hint = false} : vector<10000x128xf32>, vector<128x128xf32>, vector<10000x128xf32> -> vector<10000x128xf32>
    %get3A_54 = arith.constant 0 : index
    %get3A_55 = arith.constant 0 : index
    %get3A_56 = vector.load %arg2[%get3A_54, %get3A_55] : memref<10240x1xf32, #tpu.memory_space<vmem>>, vector<10000x1xf32>
    %mul3A_57 = vector.broadcast %get3A_56 : vector<10000x1xf32> to vector<10000x128xf32>
    %mul3A_58 = arith.mulf %dot_general3A_53, %mul3A_57 : vector<10000x128xf32>
    %swap3A = arith.constant 0 : index
    %swap3A_59 = arith.constant 0 : index
    %swap3A_60 = vector.load %arg7[%swap3A, %swap3A_59] : memref<10240x128xf32, #tpu.memory_space<vmem>>, vector<10000x128xf32>
    tpu.vector_store %arg7[%swap3A, %swap3A_59], %mul3A_58 {strides = array<i32>} : memref<10240x128xf32, #tpu.memory_space<vmem>>, vector<10000x128xf32>,
    %broadcast_in_dim3A_61 = arith.constant 0.000000e+00 : f32
    %broadcast_in_dim3A_62 = vector.broadcast %broadcast_in_dim3A_61 : f32 to vector<240x128xf32>
    %swap3A_63 = arith.constant 10000 : index
    %swap3A_64 = arith.constant 0 : index
    %swap3A_65 = vector.load %arg7[%swap3A_63, %swap3A_64] : memref<10240x128xf32, #tpu.memory_space<vmem>>, vector<240x128xf32>
    tpu.vector_store %arg7[%swap3A_63, %swap3A_64], %broadcast_in_dim3A_62 {strides = array<i32>} : memref<10240x128xf32, #tpu.memory_space<vmem>>, vector<240x128xf32>,
    return
  }
}

module attributes {stable_mosaic.version = 14 : i64} {
  func.func @_ep_last_body(%arg0: memref<2x10240x128xf32, #tpu.memory_space<vmem>>, %arg1: memref<10240x128xf32, #tpu.memory_space<vmem>>, %arg2: memref<10240x1xf32, #tpu.memory_space<vmem>>, %arg3: memref<1x128xf32, #tpu.memory_space<vmem>>, %arg4: memref<1x128xf32, #tpu.memory_space<vmem>>, %arg5: memref<1x128xf32, #tpu.memory_space<vmem>>, %arg6: memref<128x40xf32, #tpu.memory_space<vmem>>, %arg7: memref<1x40xf32, #tpu.memory_space<vmem>>, %arg8: memref<10000x40xf32, #tpu.memory_space<vmem>>) attributes {dimension_semantics = [], scalar_prefetch = 0 : i64, scratch_operands = 0 : i64, tpu.core_type = #tpu.core_type<tc>} {
    %get3A = arith.constant 0 : index
    %get3A_0 = arith.constant 0 : index
    %get3A_1 = arith.constant 0 : index
    %get3A_2 = vector.load %arg0[%get3A, %get3A_0, %get3A_1] : memref<2x10240x128xf32, #tpu.memory_space<vmem>>, vector<1x10000x128xf32>
    %get3A_3 = vector.shape_cast %get3A_2 : vector<1x10000x128xf32> to vector<10000x128xf32>
    %get3A_4 = arith.constant 1 : index
    %get3A_5 = arith.constant 0 : index
    %get3A_6 = arith.constant 0 : index
    %get3A_7 = vector.load %arg0[%get3A_4, %get3A_5, %get3A_6] : memref<2x10240x128xf32, #tpu.memory_space<vmem>>, vector<1x10000x128xf32>
    %get3A_8 = vector.shape_cast %get3A_7 : vector<1x10000x128xf32> to vector<10000x128xf32>
    %add3A = arith.addf %get3A_3, %get3A_8 : vector<10000x128xf32>
    %get3A_9 = arith.constant 0 : index
    %get3A_10 = arith.constant 0 : index
    %get3A_11 = vector.load %arg1[%get3A_9, %get3A_10] : memref<10240x128xf32, #tpu.memory_space<vmem>>, vector<10000x128xf32>
    %add3A_12 = arith.addf %add3A, %get3A_11 : vector<10000x128xf32>
    %get3A_13 = arith.constant 0 : index
    %get3A_14 = arith.constant 0 : index
    %get3A_15 = vector.load %arg2[%get3A_13, %get3A_14] : memref<10240x1xf32, #tpu.memory_space<vmem>>, vector<10000x1xf32>
    %mul3A = vector.broadcast %get3A_15 : vector<10000x1xf32> to vector<10000x128xf32>
    %mul3A_16 = arith.mulf %add3A_12, %mul3A : vector<10000x128xf32>
    %get3A_17 = arith.constant 0 : index
    %get3A_18 = arith.constant 0 : index
    %get3A_19 = vector.load %arg3[%get3A_17, %get3A_18] : memref<1x128xf32, #tpu.memory_space<vmem>>, vector<1x128xf32>
    %add3A_20 = vector.broadcast %get3A_19 : vector<1x128xf32> to vector<10000x128xf32>
    %add3A_21 = arith.addf %mul3A_16, %add3A_20 : vector<10000x128xf32>
    %reduce_sum3A = arith.constant dense<0.000000e+00> : vector<128xf32>
    %reduce_sum3A_22 = vector.multi_reduction <add>, %add3A_21, %reduce_sum3A [0] : vector<10000x128xf32> to vector<128xf32>
    %broadcast_in_dim3A = vector.shape_cast %reduce_sum3A_22 : vector<128xf32> to vector<1x128xf32>
    %div3A = arith.constant 1.000000e+04 : f32
    %div3A_23 = vector.broadcast %div3A : f32 to vector<1x128xf32>
    %div3A_24 = arith.divf %broadcast_in_dim3A, %div3A_23 : vector<1x128xf32>
    %sub3A = vector.broadcast %div3A_24 : vector<1x128xf32> to vector<10000x128xf32>
    %sub3A_25 = arith.subf %add3A_21, %sub3A : vector<10000x128xf32>
    %mul3A_26 = arith.mulf %sub3A_25, %sub3A_25 : vector<10000x128xf32>
    %reduce_sum3A_27 = arith.constant dense<0.000000e+00> : vector<128xf32>
    %reduce_sum3A_28 = vector.multi_reduction <add>, %mul3A_26, %reduce_sum3A_27 [0] : vector<10000x128xf32> to vector<128xf32>
    %broadcast_in_dim3A_29 = vector.shape_cast %reduce_sum3A_28 : vector<128xf32> to vector<1x128xf32>
    %div3A_30 = arith.constant 1.000000e+04 : f32
    %div3A_31 = vector.broadcast %div3A_30 : f32 to vector<1x128xf32>
    %div3A_32 = arith.divf %broadcast_in_dim3A_29, %div3A_31 : vector<1x128xf32>
    %add3A_33 = arith.constant 9.99999974E-6 : f32
    %add3A_34 = vector.broadcast %add3A_33 : f32 to vector<1x128xf32>
    %add3A_35 = arith.addf %div3A_32, %add3A_34 : vector<1x128xf32>
    %rsqrt3A = math.rsqrt %add3A_35 : vector<1x128xf32>
    %mul3A_36 = vector.broadcast %rsqrt3A : vector<1x128xf32> to vector<10000x128xf32>
    %mul3A_37 = arith.mulf %sub3A_25, %mul3A_36 : vector<10000x128xf32>
    %get3A_38 = arith.constant 0 : index
    %get3A_39 = arith.constant 0 : index
    %get3A_40 = vector.load %arg4[%get3A_38, %get3A_39] : memref<1x128xf32, #tpu.memory_space<vmem>>, vector<1x128xf32>
    %mul3A_41 = vector.broadcast %get3A_40 : vector<1x128xf32> to vector<10000x128xf32>
    %mul3A_42 = arith.mulf %mul3A_37, %mul3A_41 : vector<10000x128xf32>
    %get3A_43 = arith.constant 0 : index
    %get3A_44 = arith.constant 0 : index
    %get3A_45 = vector.load %arg5[%get3A_43, %get3A_44] : memref<1x128xf32, #tpu.memory_space<vmem>>, vector<1x128xf32>
    %add3A_46 = vector.broadcast %get3A_45 : vector<1x128xf32> to vector<10000x128xf32>
    %add3A_47 = arith.addf %mul3A_42, %add3A_46 : vector<10000x128xf32>
    %max3A = arith.constant 0.000000e+00 : f32
    %max3A_48 = vector.broadcast %max3A : f32 to vector<10000x128xf32>
    %max3A_49 = arith.maximumf %add3A_47, %max3A_48 : vector<10000x128xf32>
    %get3A_50 = arith.constant 0 : index
    %get3A_51 = arith.constant 0 : index
    %get3A_52 = vector.load %arg6[%get3A_50, %get3A_51] : memref<128x40xf32, #tpu.memory_space<vmem>>, vector<128x40xf32>
    %dot_general3A = arith.constant dense<0.000000e+00> : vector<10000x40xf32>
    %dot_general3A_53 = tpu.matmul %max3A_49, %get3A_52, %dot_general3A {dimension_numbers = #tpu.dot_dimension_numbers<[1], [0], [0], [1], [0, 0, 1, 1], [], []>, transpose_lhs_hint = false} : vector<10000x128xf32>, vector<128x40xf32>, vector<10000x40xf32> -> vector<10000x40xf32>
    %get3A_54 = arith.constant 0 : index
    %get3A_55 = arith.constant 0 : index
    %get3A_56 = vector.load %arg7[%get3A_54, %get3A_55] : memref<1x40xf32, #tpu.memory_space<vmem>>, vector<1x40xf32>
    %add3A_57 = vector.broadcast %get3A_56 : vector<1x40xf32> to vector<10000x40xf32>
    %add3A_58 = arith.addf %dot_general3A_53, %add3A_57 : vector<10000x40xf32>
    %swap3A = arith.constant 0 : index
    %swap3A_59 = arith.constant 0 : index
    %swap3A_60 = vector.load %arg8[%swap3A, %swap3A_59] : memref<10000x40xf32, #tpu.memory_space<vmem>>, vector<10000x40xf32>
    tpu.vector_store %arg8[%swap3A, %swap3A_59], %add3A_58 {strides = array<i32>} : memref<10000x40xf32, #tpu.memory_space<vmem>>, vector<10000x40xf32>,
    return
  }
}

</mosaic_0001>

<sc_bundles>
// kernel: kernel.10.cloned.1.call-start
scs
__scs_entry_jumppad:
0x0: {  	(pc) =	sbr.rel $0x88, $3  }
0x1: {  	(tag) =	ssettag $0x0;
	lr =	simm.s32 $0x1  }
0x2: {  	[smem:$0x3F91] =	sst lr;
	_ =	strace $0xD0000000  }
0x3: {  	_ = 	snop  }
0x4: {  	_ = 	snop  }
0x5: {  	_ = 	snop  }
0x6: {  	_ = 	snop  }
0x7: {  	_ = 	snop  }
__scs_overlays_trampoline_lowered:
0x8: {  	[smem:$0x3FA0] =	sst s0  }
0x9: {  	[smem:$0x3FA1] =	sst s1  }
0xa: {  	[smem:$0x3FA2] =	sst s2  }
0xb: {  	[smem:$0x3FA3] =	sst s3  }
0xc: {  	[smem:$0x3FA4] =	sst s4  }
0xd: {  	[smem:$0x3FA5] =	sst s5  }
0xe: {  	[smem:$0x3FA6] =	sst s6  }
0xf: {  	[smem:$0x3FA7] =	sst s7  }
0x10: {  	[smem:$0x3FA8] =	sst s8  }
0x11: {  	[smem:$0x3FA9] =	sst s9;
	s0 =	simm.s32 @!p0 $0x0  }
0x12: {  	s1 =	sld [smem:$0x3F8F];
	s0 =	simm.s32 @p0 $0x1  }
0x13: {  	[smem:$0x3FAA] =	sst s0;
	s0 =	simm.s32 @!p1 $0x0  }
0x14: {  	s2 =	sld [smem:$0x3F8E];
	s0 =	simm.s32 @p1 $0x1  }
0x15: {  	[smem:$0x3FAB] =	sst s0;
	s0 =	simm.s32 @!p2 $0x0  }
0x16: {  	s3 =	sld [smem:$0x3FDB];
	s0 =	simm.s32 @p2 $0x1  }
0x17: {  	s4 =	simm.s32 $0x1BF5;
	[smem:$0x3FAD] =	sst s0  }
0x18: {  	s0 =	sld [smem:$0x3F90];
	_ =	swait.ge [sflag:s4], $0x0  }
0x19: {  	s7 =	sld [smem:$0x3F91]  }
0x1a: {  	s8 =	sadd.s32 $0xFFFFE003, lr  }
0x1b: {  	s9 =	sadd.s32 $0xFFFFFEF7, lr;
	s5 =	simm.s32 $0xFFFFFFFF;
	p2 =	slt.u32 s8, $0xFFFFF086  }
0x1c: {  	p1 =	slt.u32 s9, $0xF7A;
	s5 =	simm.s32 @!p2 $0x0  }
0x1d: {  	s5 =	simm.s32 @p1 $0x1;
	p0 =	seq.s32 s7, s2  }
0x1e: {  	s7 =	smul.u32 @!p0 $0xF7A, s2;
	p2 =	seq.s32 @!p0 s5, $0x0  }
0x1f: {  	s9 =	smul.u32 $0xF7A, s1;
	s8 =	simm.s32 @!p0 $0x1BF5;
	p2 =	por !p2, p0  }
0x20: {  	[sflag:s8] =	ssyncset.s32 @!p0 $0xFFFFF086;
	s6 =	sadd.s32 @!p0 s3, s7;
	s7 =	simm.s32 @!p0 $0x108  }
0x21: {  	s3 =	sadd.s32 s3, s9;
	s6 =	sadd.s32 @!p0 $0x88, s6;
	s7 =	simm.s32 @p2 $0x1082  }
0x22: {  	[simem:s7], [sflag:s8] =	dma.local @!p0 [hbm:s6], $0xF7A  }
0x23: {  	s9 =	sor.u32 $0xD0000000, s2;
	s6 =	simm.s32 $0x108;
	_ =	swait.ge @!p0 [sflag:s8], $0x0  }
0x24: {  	s3 =	sadd.s32 $0x88, s3;
	s6 =	simm.s32 @!p1 $0x1082;
	[sflag:s4] =	ssyncset.s32 $0xFFFFF086  }
0x25: {  	[simem:s6], [sflag:s4] =	dma.local [hbm:s3], $0xF7A  }
0x26: {  	[smem:$0x3F91] =	sst s1;
	(tag) =	ssettag s2;
	_ =	strace s9  }
0x27: {  	s1 =	sld [smem:$0x3FA1]  }
0x28: {  	s2 =	sld [smem:$0x3FA2]  }
0x29: {  	s4 =	sld [smem:$0x3FA4]  }
0x2a: {  	p0 =	seq.s32 s5, $0x0;
	s5 =	sld [smem:$0x3FA5]  }
0x2b: {  	s6 =	sld [smem:$0x3FA6]  }
0x2c: {  	s7 =	sld [smem:$0x3FA7]  }
0x2d: {  	s3 =	simm.s32 $0x108;
	s8 =	sld [smem:$0x3FA8]  }
0x2e: {  	s3 =	simm.s32 @!p0 $0x1082;
	s9 =	sld [smem:$0x3FA9]  }
0x2f: {  	lr =	sadd.s32 s0, s3;
	s0 =	sld [smem:$0x3FA0]  }
0x30: {  	s3 =	sld [smem:$0x3FA3]  }
0x31: {  	[smem:$0x3FAC] =	sst s10  }
0x32: {  	s10 =	sld [smem:$0x3FAA];
	_ =	sdelay $0x3  }
0x33: {  	p0 =	seq.s32 s10, $0x1;
	s10 =	sld [smem:$0x3FAC];
	_ =	sdelay $0x3  }
0x34: {  	[smem:$0x3FAC] =	sst s10  }
0x35: {  	s10 =	sld [smem:$0x3FAB];
	_ =	sdelay $0x3  }
0x36: {  	p1 =	seq.s32 s10, $0x1;
	s10 =	sld [smem:$0x3FAC];
	_ =	sdelay $0x3  }
0x37: {  	[smem:$0x3FAC] =	sst s10  }
0x38: {  	s10 =	sld [smem:$0x3FAD]  }
0x39: {  	_ = 	snop;
	(pc) =	sbr.ind lr, $3  }
0x3a: {  	_ = 	snop  }
0x3b: {  	_ = 	snop  }
0x3c: {  	p2 =	seq.s32 s10, $0x1;
	s10 =	sld [smem:$0x3FAC]  }
0x3d: {  	_ =	shalt  }
0x3e: {  	_ =	shalt  }
0x3f: {  	_ =	shalt  }
0x40: {  	_ =	shalt  }
0x41: {  	_ =	shalt  }
0x42: {  	_ =	shalt  }
0x43: {  	_ =	shalt  }
0x44: {  	_ =	shalt  }
0x45: {  	_ =	shalt  }
0x46: {  	_ =	shalt  }
0x47: {  	_ =	shalt  }
0x48: {  	_ =	shalt  }
0x49: {  	_ =	shalt  }
0x4a: {  	_ =	shalt  }
0x4b: {  	_ =	shalt  }
0x4c: {  	_ =	shalt  }
0x4d: {  	_ =	shalt  }
0x4e: {  	_ =	shalt  }
0x4f: {  	_ =	shalt  }
0x50: {  	_ =	shalt  }
0x51: {  	_ =	shalt  }
0x52: {  	_ =	shalt  }
0x53: {  	_ =	shalt  }
0x54: {  	_ =	shalt  }
0x55: {  	_ =	shalt  }
0x56: {  	_ =	shalt  }
0x57: {  	_ =	shalt  }
0x58: {  	_ =	shalt  }
0x59: {  	_ =	shalt  }
0x5a: {  	_ =	shalt  }
0x5b: {  	_ =	shalt  }
0x5c: {  	_ =	shalt  }
0x5d: {  	_ =	shalt  }
0x5e: {  	_ =	shalt  }
0x5f: {  	_ =	shalt  }
0x60: {  	_ =	shalt  }
0x61: {  	_ =	shalt  }
0x62: {  	_ =	shalt  }
0x63: {  	_ =	shalt  }
0x64: {  	_ =	shalt  }
0x65: {  	_ =	shalt  }
0x66: {  	_ =	shalt  }
0x67: {  	_ =	shalt  }
0x68: {  	_ =	shalt  }
0x69: {  	_ =	shalt  }
0x6a: {  	_ =	shalt  }
0x6b: {  	_ =	shalt  }
0x6c: {  	_ =	shalt  }
0x6d: {  	_ =	shalt  }
0x6e: {  	_ =	shalt  }
0x6f: {  	_ =	shalt  }
0x70: {  	_ =	shalt  }
0x71: {  	_ =	shalt  }
0x72: {  	_ =	shalt  }
0x73: {  	_ =	shalt  }
0x74: {  	_ =	shalt  }
0x75: {  	_ =	shalt  }
0x76: {  	_ =	shalt  }
0x77: {  	_ =	shalt  }
0x78: {  	_ =	shalt  }
0x79: {  	_ =	shalt  }
0x7a: {  	_ =	shalt  }
0x7b: {  	_ =	shalt  }
0x7c: {  	_ =	shalt  }
0x7d: {  	_ =	shalt  }
0x7e: {  	_ =	shalt  }
0x7f: {  	_ =	shalt  }
0x80: {  	_ =	shalt  }
0x81: {  	_ =	shalt  }
0x82: {  	_ =	shalt  }
0x83: {  	_ =	shalt  }
0x84: {  	_ =	shalt  }
0x85: {  	_ =	shalt  }
0x86: {  	_ =	shalt  }
0x87: {  	_ =	shalt  }
.Lfunc_end0:
.L_simem_size_0:
called_computation_lowered:
.L_overlay_start_0:
0x88: {  	s2 =	sld [smem:$0x3FD9]  }
0x89: {  	s3 =	sld [smem:$0x3FFE];
	_ =	sdelay $0x1  }
0x8a: {  	s1 =	srdreg.scid  }
0x8b: {  	s0 =	sand.u32 $0x1, s1  }
0x8c: {  	s17 =	sshll.u32 s0, $0xA;
	s2 =	sadd.s32 s3, s2  }
0x8d: {  	s2 =	sadd.s32 s2, s17  }
0x8e: {  	[smem:$0x3FB8] =	sst s2  }
0x8f: {  	_ = 	snop  }
0x90: {  	s2 =	sld [smem:$0x3FD0];
	(tm) =	ssettm $0x1  }
0x91: {  	s18 =	sld [smem:$0x3FFB];
	_ =	sdelay $0x3  }
0x92: {  	_ =	strace s18  }
0x93: {  	s3 =	sld [smem:$0x3FFC];
	_ =	sdelay $0x3  }
0x94: {  	_ =	strace s3  }
0x95: {  	s3 =	sld [smem:$0x3FFD];
	_ =	sdelay $0x3  }
0x96: {  	_ =	strace s3  }
0x97: {  	_ =	strace $0x8FFFFFFF  }
0x98: {  	s19 =	sld [smem:$0x3FDB];
	_ =	sdelay $0x1  }
0x99: {  	s4 =	simm.s32 $_scs_section_size  }
0x9a: {  	s5 =	simm.s32 $_size__tile_overlayer_lowered;
	s6 =	simm.s32 $_tile_overlayer_lowered  }
0x9b: {  	s22 =	simm.s32 $0x1BFF;
	s21 =	sshll.u32 s6, $0x1;
	s3 =	sadd.s32 s4, s19  }
0x9c: {  	s7 =	simm.s32 $0x0;
	s20 =	sshll.u32 s5, $0x1;
	s5 =	sadd.s32 s21, s3  }
0x9d: {  	[timem:s7], [sflag:s22] =	dma.local [hbm:s5], s20  }
0x9e: {  	_ =	swait.ge [sflag:s22], s20  }
0x9f: {  	s4 =	ssub.s32 $0x0, s20;
	[sflag:s22] =	ssyncset.done $0x0  }
0xa0: {  	[sflag:s22] =	ssyncadd.s32 s4;
	_ =	sdelay $0x1  }
0xa1: {  	s23 =	simm.s32 $0x1B8B  }
0xa2: {  	_ =	swait.ge [sflag:s23], $0x1  }
0xa3: {  	[sflag:s23] =	ssyncset.done $0x0  }
0xa4: {  	s25 =	simm.s32 $0x1B8E;
	s24 =	sld [smem:$0x3FFE];
	[sflag:s23] =	ssyncadd.s32 $0xFFFFFFFF  }
0xa5: {  	s26 =	simm.s32 $execute0_lowered;
	[smem:$0x3FD2] =	sst s25  }
0xa6: {  	s5 =	sshll.u32 s26, $0x1;
	_ =	strace $0x80000046;
	[dreg:$0x1] =	wrdreg $0xFFFFFFFF  }
0xa7: {  	s28 =	simm.s32 $_size_execute0_lowered;
	s3 =	sadd.s32 s3, s5;
	[dreg:$0x0] =	wrdreg $0x0  }
0xa8: {  	s5 =	sshll.u32 s28, $0x1;
	[dreg:$0x2] =	wrdreg s3  }
0xa9: {  	[dreg:$0x3] =	wrdreg s5  }
0xaa: {  	[dreg:$0x4] =	wrdreg $0xC0  }
0xab: {  	_ =	task [dreg:s7], $0x5FFFF  }
0xac: {  	[dreg:$0x1] =	wrdreg $0xFFFFFFFF  }
0xad: {  	[dreg:$0x0] =	wrdreg $0x60  }
0xae: {  	[dreg:$0x2] =	wrdreg s2  }
0xaf: {  	[dreg:$0x3] =	wrdreg s24  }
0xb0: {  	[dreg:$0x4] =	wrdreg $0x70000  }
0xb1: {  	[dreg:$0x5] =	wrdreg $0x9  }
0xb2: {  	_ =	task.clear_ibuf [dreg:s7], $0x6FFFF;
	_ =	strace $0x90000046  }
0xb3: {  	s29 =	simm.s32 $0x9;
	_ =	strace $0x80000048  }
0xb4: {  	_ =	swait.ge [sflag:s29], $0x1  }
0xb5: {  	[sflag:s29] =	ssyncadd.s32 $0xFFFFFFFF  }
0xb6: {  	_ =	strace $0x90000048  }
0xb7: {  	_ =	sfence  }
0xb8: {  	s30 =	sld [smem:$0x0];
	_ =	sdelay $0x2  }
0xb9: {  	s31 =	sshll.u32 s1, $0xD;
	s1 =	sshrl.u32 s1, $0x2  }
0xba: {  	s3 =	sand.u32 $0x4000, s31;
	s1 =	sadd.s32 s1, s30  }
0xbb: {  	s0 =	sor.u32 s3, s0;
	s1 =	sshll.u32 s1, $0x11  }
0xbc: {  	s0 =	sor.u32 s1, s0  }
0xbd: {  	s0 =	sadd.s32 $0x8F2B, s0  }
0xbe: {  	[sflag:s0] =	ssyncadd.remote.s32 $0x1  }
0xbf: {  	_ =	sfence.sel $0xFFFF  }
0xc0: {  	[dreg:$0x0] =	wrdreg $0xFFFFFFFF;
	(pc) =	sbr.abs _section_cstart, $3  }
0xc1: {  	[dreg:$0x1] =	wrdreg $0xFFFFFFFF  }
0xc2: {  	_ =	task.clear_ibuf [dreg:s7], $0x2FFFF;
	_ =	strace $0x9FFFFFFF  }
0xc3: {  	(tm) =	ssettm $0x7FFFFFFF  }
tec
execute0_lowered:
.L_overlay_start_1:
0x0: {  	(tag) =	ssettag $0x1  }
0x1: {  	s5 =	rddreg [dreg:$0x0]  }
0x2: {  	s4 =	rddreg [dreg:$0x1]  }
0x3: {  	s1 =	rddreg [dreg:$0x2]  }
0x4: {  	s0 =	rddreg [dreg:$0x3]  }
0x5: {  	s3 =	simm.s32 $0x0;
	s6 =	srdreg.scid;
	s2 =	stileid.u32  }
0x6: {  	[smem:$0x7FF] =	sst s3;
	s6 =	sand.u32 $0x1, s6;
	s7 =	smul.u32 $0x50000, s2  }
0x7: {  	s10 =	sadd.s32 $0x4000, s4;
	s11 =	smul.u32 $0x14000, s2;
	_ =	strace $0x80000047  }
0x8: {  	s20 =	ssub.s32 $0x2, s6;
	s9 =	sshll.u32 s6, $0x4;
	s22 =	smul.u32 $0x140000, s6  }
0x9: {  	s8 =	sshrl.u32 s20, $0x1;
	s21 =	sor.u32 s2, s9;
	s23 =	sshrl.u32 s7, $0x2  }
0xa: {  	s25 =	sadd.s32 $0x4000, s11;
	s29 =	sadd.s32 $0x8000, s11;
	s14 =	sadd.s32 $0xC000, s11  }
0xb: {  	s12 =	ssub.s32 s20, s8;
	s24 =	smul.u32 $0x500, s21;
	s4 =	sadd.s32 s23, s1  }
0xc: {  	s26 =	sadd.s32 s11, s22;
	s13 =	sadd.s32 s22, s25;
	s16 =	sadd.s32 s25, s1  }
0xd: {  	s30 =	sadd.s32 s22, s29;
	s15 =	sadd.s32 s22, s14;
	s11 =	sadd.s32 $0x10000, s11  }
0xe: {  	s18 =	sadd.s32 s29, s1;
	s19 =	sadd.s32 s14, s1;
	s14 =	simm.s32 $0x80  }
0xf: {  	s6 =	sshrl.u32 s26, $0x3;
	s28 =	sshrl.u32 s13, $0x3;
	s8 =	sshrl.u32 s30, $0x3  }
0x10: {  	s15 =	sshrl.u32 s15, $0x3;
	s17 =	sadd.s32 s22, s11;
	s20 =	sadd.s32 s11, s1  }
0x11: {  	s11 =	smax.u32 s12, $0x1;
	s12 =	simm.s32 $0x6800;
	s13 =	simm.s32 $0x1  }
0x12: {  	s16 =	sshrl.u32 s16, $0x3;
	s5 =	sadd.s32 s5, s24;
	s6 =	sadd.s32 s10, s6  }
0x13: {  	s7 =	sadd.s32 s10, s28;
	s8 =	sadd.s32 s10, s8;
	s9 =	sadd.s32 s10, s15  }
0x14: {  	s31 =	sshrl.u32 s17, $0x3;
	s15 =	simm.s32 $0x2800;
	s17 =	sshrl.u32 s18, $0x3  }
0x15: {  	v0 =	vimm.f32 $1.000000000e+00;
	v1 =	vimm.f32 $0.0e+00;
	s18 =	sshrl.u32 s19, $0x3;
	s19 =	sshrl.u32 s20, $0x3;
	s10 =	sadd.s32 s10, s31  }
.LBB2_1:
0x16: {  	s20 =	simm.s32 $0x0;
	s21 =	simm.s32 $0x200  }
.LBB2_2:
0x17: {  	p0 =	sne.s32 s21, $0xFE00;
	[tilespmem:s20+$0x2870] =	vst v0  }
0x18: {  	[tilespmem:s20+$0x2800] =	vst v0  }
0x19: {  	[tilespmem:s20+$0x2810] =	vst v0  }
.Ltmp0:
0x1a: {  	[tilespmem:s20+$0x2820] =	vst v0;
	(pc) =	sbr.rel @p0 .LBB2_2-.Ltmp0, $4  }
0x1b: {  	[tilespmem:s20+$0x2830] =	vst v0  }
0x1c: {  	[tilespmem:s20+$0x2840] =	vst v0  }
0x1d: {  	[tilespmem:s20+$0x2850] =	vst v0  }
0x1e: {  	[tilespmem:s20+$0x2860] =	vst v0;
	s20 =	sshra.s32 s21, $0x2;
	s21 =	sadd.s32 $0x200, s21  }
0x1f: {  	[tilespmem:s20+$0x2870] =	vst v0  }
0x20: {  	[tilespmem:s20+$0x2800] =	vst v0  }
0x21: {  	[tilespmem:s20+$0x2810] =	vst v0  }
0x22: {  	[tilespmem:s20+$0x2820] =	vst v0  }
0x23: {  	[tilespmem:s20+$0x2830] =	vst v0  }
0x24: {  	[tilespmem:s20+$0x2840] =	vst v0  }
0x25: {  	[tilespmem:s20+$0x2850] =	vst v0  }
0x26: {  	[tilespmem:s20+$0x2860] =	vst v0;
	s20 =	simm.s32 $0x0;
	s21 =	simm.s32 $0x200  }
.LBB2_4:
0x27: {  	p0 =	sne.s32 s21, $0x1E00;
	[tilespmem:s20+$0x6870] =	vst v1  }
0x28: {  	[tilespmem:s20+$0x6800] =	vst v1  }
0x29: {  	[tilespmem:s20+$0x6810] =	vst v1  }
.Ltmp1:
0x2a: {  	[tilespmem:s20+$0x6820] =	vst v1;
	(pc) =	sbr.rel @p0 .LBB2_4-.Ltmp1, $4  }
0x2b: {  	[tilespmem:s20+$0x6830] =	vst v1  }
0x2c: {  	[tilespmem:s20+$0x6840] =	vst v1  }
0x2d: {  	[tilespmem:s20+$0x6850] =	vst v1  }
0x2e: {  	[tilespmem:s20+$0x6860] =	vst v1;
	s20 =	sshra.s32 s21, $0x2;
	s21 =	sadd.s32 $0x200, s21  }
0x2f: {  	[tilespmem:s20+$0x6870] =	vst v1  }
0x30: {  	[tilespmem:s20+$0x6800] =	vst v1  }
0x31: {  	[tilespmem:s20+$0x6810] =	vst v1  }
0x32: {  	[tilespmem:s20+$0x6820] =	vst v1  }
0x33: {  	[tilespmem:s20+$0x6830] =	vst v1  }
0x34: {  	[tilespmem:s20+$0x6840] =	vst v1  }
0x35: {  	[tilespmem:s20+$0x6850] =	vst v1  }
0x36: {  	[tilespmem:s20+$0x6860] =	vst v1;
	s31 =	sadd.s32 $0x0, s4  }
0x37: {  	[spmem:s31] =	stream.linear.scatter [tilespmem:s12], [sflag:$0x1], $0x800, $0x38;
	[tilespmem:$0x1B000] =	vst v63  }
0x38: {  	s20 =	simm.s32 $0x2000;
	_ =	swait.ge [sflag:s13], $0x800  }
.LBB2_6:
0x39: {  	s21 =	sshra.s32 s20, $0x2;
	[sflag:s13] =	ssyncset.done $0x0;
	p0 =	sne.s32 s20, $0x4E000  }
.Ltmp2:
0x3a: {  	s21 =	sadd.s32 s21, s4;
	[sflag:s13] =	ssyncadd.s32 $0xFFFFF800;
	(pc) =	sbr.rel @p0 .LBB2_6-.Ltmp2, $3  }
0x3b: {  	[spmem:s21] =	stream.linear.scatter [tilespmem:s12], [sflag:$0x1], $0x800, $0x38;
	[tilespmem:$0x1B000] =	vst v63  }
0x3c: {  	s20 =	sadd.s32 $0x2000, s20;
	_ =	sdelay $0x1  }
0x3d: {  	_ =	swait.ge [sflag:s13], $0x800  }
0x3e: {  	[sflag:s13] =	ssyncset.done $0x0  }
0x3f: {  	s20 =	simm.s32 $0x0;
	[sflag:s13] =	ssyncadd.s32 $0xFFFFF800  }
0x40: {  	[tilespmem:s20], [sflag:$0x1] =	stream.linear.gather [hbm4b:s5+s20], $0x2780, $0x38;
	[tilespmem:$0x1B000] =	vst v63  }
0x41: {  	_ =	swait.ge [sflag:s13], $0x2780  }
0x42: {  	[sflag:s13] =	ssyncset.done $0x0  }
0x43: {  	[sflag:s13] =	ssyncadd.s32 $0xFFFFD880  }
0x44: {  	s31 =	simm.s32 $0x0;
	[bflag:$0x0] =	sbarrier.arrive $0xFFFF  }
0x45: {  	[spmem:s1] =	stream.indirect.scatter.add.f32 [tilespmem:s15], [sflag:$0x1], $0x80, s31, s14, $0xb8;
	[tilespmem:$0x1B000] =	vst v63  }
0x46: {  	_ =	swait.ge [sflag:s13], $0x4000  }
0x47: {  	s20 =	simm.s32 $0x200;
	[sflag:s13] =	ssyncset.done $0x0  }
.LBB2_8:
0x48: {  	s21 =	sshra.s32 s20, $0x2;
	[sflag:s13] =	ssyncadd.s32 $0xFFFFC000;
	p0 =	sne.s32 s20, $0x9C00  }
0x49: {  	[spmem:s1] =	stream.indirect.scatter.add.f32 [tilespmem:s15], [sflag:$0x1], $0x80, s21, s14, $0xb8;
	[tilespmem:$0x1B000] =	vst v63  }
.Ltmp3:
0x4a: {  	_ = 	snop;
	(pc) =	sbr.rel @p0 .LBB2_8-.Ltmp3, $4  }
0x4b: {  	_ = 	snop  }
0x4c: {  	s20 =	sadd.s32 $0x200, s20  }
0x4d: {  	_ =	swait.ge [sflag:s13], $0x4000  }
0x4e: {  	[sflag:s13] =	ssyncset.done $0x0  }
0x4f: {  	[sflag:s13] =	ssyncadd.s32 $0xFFFFC000;
	s20 =	sshll.u32 s2, $0x6  }
0x50: {  	s21 =	sshrl.u32 s4, $0x3;
	[bflag:$0x0] =	sbarrier.arrive $0xFFFF;
	s20 =	sor.u32 $0x1C01, s20  }
0x51: {  	[hbm:s6], [sflag:s20] =	dma.local [spmem:s21], $0x800  }
0x52: {  	_ =	swait.ge [sflag:s13], $0x800  }
0x53: {  	[sflag:s13] =	ssyncset.done $0x0  }
0x54: {  	[sflag:s13] =	ssyncadd.s32 $0xFFFFF800  }
0x55: {  	[hbm:s7], [sflag:s20] =	dma.local [spmem:s16], $0x800  }
0x56: {  	_ =	swait.ge [sflag:s13], $0x800  }
0x57: {  	[sflag:s13] =	ssyncset.done $0x0  }
0x58: {  	[sflag:s13] =	ssyncadd.s32 $0xFFFFF800  }
0x59: {  	[hbm:s8], [sflag:s20] =	dma.local [spmem:s17], $0x800  }
0x5a: {  	_ =	swait.ge [sflag:s13], $0x800  }
0x5b: {  	[sflag:s13] =	ssyncset.done $0x0  }
0x5c: {  	[sflag:s13] =	ssyncadd.s32 $0xFFFFF800  }
0x5d: {  	[hbm:s9], [sflag:s20] =	dma.local [spmem:s18], $0x800  }
0x5e: {  	s3 =	sadd.s32 $0x1, s3;
	_ =	swait.ge [sflag:s13], $0x800  }
0x5f: {  	p0 =	sne.s32 s3, s11;
	[sflag:s13] =	ssyncset.done $0x0  }
.Ltmp4:
0x60: {  	[sflag:s13] =	ssyncadd.s32 $0xFFFFF800;
	(pc) =	sbr.rel @p0 .LBB2_1-.Ltmp4, $4  }
0x61: {  	[hbm:s10], [sflag:s20] =	dma.local [spmem:s19], $0x800  }
0x62: {  	_ =	swait.ge [sflag:s13], $0x800  }
0x63: {  	[sflag:s13] =	ssyncset.done $0x0  }
0x64: {  	[sflag:s13] =	ssyncadd.s32 $0xFFFFF800  }
0x65: {  	_ =	sfence.sel $0x180000  }
0x66: {  	[bflag:$0x0] =	sbarrier.arrive $0xFFFF  }
0x67: {  	p0 =	sne.s32 s2, $0x0;
	_ =	strace $0x90000047  }
0x68: {  	s0 =	sadd.s32 @!p0 $0x100000, s0;
	[bflag:$0x2] =	sbarrier.arrive $0xFFFF  }
0x69: {  	[sflag:s0] =	ssyncadd.tile.s32 @!p0 $0x1;
	_ =	shalt  }
.Lfunc_end2:
_tile_overlayer_lowered:
.L_overlay_start_2:
0x6a: {  	(tag) =	ssettag $0x2  }
0x6b: {  	s0 =	rddreg [dreg:$0x0];
	s2 =	stileid.u32  }
0x6c: {  	s1 =	rddreg [dreg:$0x1];
	p0 =	sne.s32 s2, $0x0  }
0x6d: {  	s3 =	rddreg [dreg:$0x2];
	[bflag:$0x3] =	sbarrier.arrive $0xFFFF;
	s2 =	simm.s32 @!p0 $0x1C01  }
0x6e: {  	[timem:s3], [sflag:s2] =	dma.local @!p0 [hbm:s0], s1  }
0x6f: {  	s0 =	simm.s32 @!p0 $0x1  }
0x70: {  	_ =	swait.ge @!p0 [sflag:s0], s1  }
0x71: {  	s1 =	ssub.s32 @!p0 $0x0, s1;
	[sflag:s0] =	ssyncset.done @!p0 $0x0  }
0x72: {  	[sflag:s0] =	ssyncadd.s32 @!p0 s1  }
0x73: {  	[bflag:$0x3] =	sbarrier.arrive $0xFFFF  }
0x74: {  	_ =	shalt  }

// kernel: kernel.13.cloned.1.call-start
scs
__scs_entry_jumppad:
0x0: {  	(pc) =	sbr.rel $0x88, $3  }
0x1: {  	(tag) =	ssettag $0x0;
	lr =	simm.s32 $0x1  }
0x2: {  	[smem:$0x3F91] =	sst lr;
	_ =	strace $0xD0000000  }
0x3: {  	_ = 	snop  }
0x4: {  	_ = 	snop  }
0x5: {  	_ = 	snop  }
0x6: {  	_ = 	snop  }
0x7: {  	_ = 	snop  }
__scs_overlays_trampoline_lowered:
0x8: {  	[smem:$0x3FA0] =	sst s0  }
0x9: {  	[smem:$0x3FA1] =	sst s1  }
0xa: {  	[smem:$0x3FA2] =	sst s2  }
0xb: {  	[smem:$0x3FA3] =	sst s3  }
0xc: {  	[smem:$0x3FA4] =	sst s4  }
0xd: {  	[smem:$0x3FA5] =	sst s5  }
0xe: {  	[smem:$0x3FA6] =	sst s6  }
0xf: {  	[smem:$0x3FA7] =	sst s7  }
0x10: {  	[smem:$0x3FA8] =	sst s8  }
0x11: {  	[smem:$0x3FA9] =	sst s9;
	s0 =	simm.s32 @!p0 $0x0  }
0x12: {  	s1 =	sld [smem:$0x3F8F];
	s0 =	simm.s32 @p0 $0x1  }
0x13: {  	[smem:$0x3FAA] =	sst s0;
	s0 =	simm.s32 @!p1 $0x0  }
0x14: {  	s2 =	sld [smem:$0x3F8E];
	s0 =	simm.s32 @p1 $0x1  }
0x15: {  	[smem:$0x3FAB] =	sst s0;
	s0 =	simm.s32 @!p2 $0x0  }
0x16: {  	s3 =	sld [smem:$0x3FDB];
	s0 =	simm.s32 @p2 $0x1  }
0x17: {  	s4 =	simm.s32 $0x1BF5;
	[smem:$0x3FAD] =	sst s0  }
0x18: {  	s0 =	sld [smem:$0x3F90];
	_ =	swait.ge [sflag:s4], $0x0  }
0x19: {  	s7 =	sld [smem:$0x3F91]  }
0x1a: {  	s8 =	sadd.s32 $0xFFFFE003, lr  }
0x1b: {  	s9 =	sadd.s32 $0xFFFFFEF7, lr;
	s5 =	simm.s32 $0xFFFFFFFF;
	p2 =	slt.u32 s8, $0xFFFFF086  }
0x1c: {  	p1 =	slt.u32 s9, $0xF7A;
	s5 =	simm.s32 @!p2 $0x0  }
0x1d: {  	s5 =	simm.s32 @p1 $0x1;
	p0 =	seq.s32 s7, s2  }
0x1e: {  	s7 =	smul.u32 @!p0 $0xF7A, s2;
	p2 =	seq.s32 @!p0 s5, $0x0  }
0x1f: {  	s9 =	smul.u32 $0xF7A, s1;
	s8 =	simm.s32 @!p0 $0x1BF5;
	p2 =	por !p2, p0  }
0x20: {  	[sflag:s8] =	ssyncset.s32 @!p0 $0xFFFFF086;
	s6 =	sadd.s32 @!p0 s3, s7;
	s7 =	simm.s32 @!p0 $0x108  }
0x21: {  	s3 =	sadd.s32 s3, s9;
	s6 =	sadd.s32 @!p0 $0x88, s6;
	s7 =	simm.s32 @p2 $0x1082  }
0x22: {  	[simem:s7], [sflag:s8] =	dma.local @!p0 [hbm:s6], $0xF7A  }
0x23: {  	s9 =	sor.u32 $0xD0000000, s2;
	s6 =	simm.s32 $0x108;
	_ =	swait.ge @!p0 [sflag:s8], $0x0  }
0x24: {  	s3 =	sadd.s32 $0x88, s3;
	s6 =	simm.s32 @!p1 $0x1082;
	[sflag:s4] =	ssyncset.s32 $0xFFFFF086  }
0x25: {  	[simem:s6], [sflag:s4] =	dma.local [hbm:s3], $0xF7A  }
0x26: {  	[smem:$0x3F91] =	sst s1;
	(tag) =	ssettag s2;
	_ =	strace s9  }
0x27: {  	s1 =	sld [smem:$0x3FA1]  }
0x28: {  	s2 =	sld [smem:$0x3FA2]  }
0x29: {  	s4 =	sld [smem:$0x3FA4]  }
0x2a: {  	p0 =	seq.s32 s5, $0x0;
	s5 =	sld [smem:$0x3FA5]  }
0x2b: {  	s6 =	sld [smem:$0x3FA6]  }
0x2c: {  	s7 =	sld [smem:$0x3FA7]  }
0x2d: {  	s3 =	simm.s32 $0x108;
	s8 =	sld [smem:$0x3FA8]  }
0x2e: {  	s3 =	simm.s32 @!p0 $0x1082;
	s9 =	sld [smem:$0x3FA9]  }
0x2f: {  	lr =	sadd.s32 s0, s3;
	s0 =	sld [smem:$0x3FA0]  }
0x30: {  	s3 =	sld [smem:$0x3FA3]  }
0x31: {  	[smem:$0x3FAC] =	sst s10  }
0x32: {  	s10 =	sld [smem:$0x3FAA];
	_ =	sdelay $0x3  }
0x33: {  	p0 =	seq.s32 s10, $0x1;
	s10 =	sld [smem:$0x3FAC];
	_ =	sdelay $0x3  }
0x34: {  	[smem:$0x3FAC] =	sst s10  }
0x35: {  	s10 =	sld [smem:$0x3FAB];
	_ =	sdelay $0x3  }
0x36: {  	p1 =	seq.s32 s10, $0x1;
	s10 =	sld [smem:$0x3FAC];
	_ =	sdelay $0x3  }
0x37: {  	[smem:$0x3FAC] =	sst s10  }
0x38: {  	s10 =	sld [smem:$0x3FAD]  }
0x39: {  	_ = 	snop;
	(pc) =	sbr.ind lr, $3  }
0x3a: {  	_ = 	snop  }
0x3b: {  	_ = 	snop  }
0x3c: {  	p2 =	seq.s32 s10, $0x1;
	s10 =	sld [smem:$0x3FAC]  }
0x3d: {  	_ =	shalt  }
0x3e: {  	_ =	shalt  }
0x3f: {  	_ =	shalt  }
0x40: {  	_ =	shalt  }
0x41: {  	_ =	shalt  }
0x42: {  	_ =	shalt  }
0x43: {  	_ =	shalt  }
0x44: {  	_ =	shalt  }
0x45: {  	_ =	shalt  }
0x46: {  	_ =	shalt  }
0x47: {  	_ =	shalt  }
0x48: {  	_ =	shalt  }
0x49: {  	_ =	shalt  }
0x4a: {  	_ =	shalt  }
0x4b: {  	_ =	shalt  }
0x4c: {  	_ =	shalt  }
0x4d: {  	_ =	shalt  }
0x4e: {  	_ =	shalt  }
0x4f: {  	_ =	shalt  }
0x50: {  	_ =	shalt  }
0x51: {  	_ =	shalt  }
0x52: {  	_ =	shalt  }
0x53: {  	_ =	shalt  }
0x54: {  	_ =	shalt  }
0x55: {  	_ =	shalt  }
0x56: {  	_ =	shalt  }
0x57: {  	_ =	shalt  }
0x58: {  	_ =	shalt  }
0x59: {  	_ =	shalt  }
0x5a: {  	_ =	shalt  }
0x5b: {  	_ =	shalt  }
0x5c: {  	_ =	shalt  }
0x5d: {  	_ =	shalt  }
0x5e: {  	_ =	shalt  }
0x5f: {  	_ =	shalt  }
0x60: {  	_ =	shalt  }
0x61: {  	_ =	shalt  }
0x62: {  	_ =	shalt  }
0x63: {  	_ =	shalt  }
0x64: {  	_ =	shalt  }
0x65: {  	_ =	shalt  }
0x66: {  	_ =	shalt  }
0x67: {  	_ =	shalt  }
0x68: {  	_ =	shalt  }
0x69: {  	_ =	shalt  }
0x6a: {  	_ =	shalt  }
0x6b: {  	_ =	shalt  }
0x6c: {  	_ =	shalt  }
0x6d: {  	_ =	shalt  }
0x6e: {  	_ =	shalt  }
0x6f: {  	_ =	shalt  }
0x70: {  	_ =	shalt  }
0x71: {  	_ =	shalt  }
0x72: {  	_ =	shalt  }
0x73: {  	_ =	shalt  }
0x74: {  	_ =	shalt  }
0x75: {  	_ =	shalt  }
0x76: {  	_ =	shalt  }
0x77: {  	_ =	shalt  }
0x78: {  	_ =	shalt  }
0x79: {  	_ =	shalt  }
0x7a: {  	_ =	shalt  }
0x7b: {  	_ =	shalt  }
0x7c: {  	_ =	shalt  }
0x7d: {  	_ =	shalt  }
0x7e: {  	_ =	shalt  }
0x7f: {  	_ =	shalt  }
0x80: {  	_ =	shalt  }
0x81: {  	_ =	shalt  }
0x82: {  	_ =	shalt  }
0x83: {  	_ =	shalt  }
0x84: {  	_ =	shalt  }
0x85: {  	_ =	shalt  }
0x86: {  	_ =	shalt  }
0x87: {  	_ =	shalt  }
.Lfunc_end0:
.L_simem_size_0:
called_computation.1_lowered:
.L_overlay_start_0:
0x88: {  	s2 =	sld [smem:$0x3FD9]  }
0x89: {  	s3 =	sld [smem:$0x3FFE];
	_ =	sdelay $0x1  }
0x8a: {  	s1 =	srdreg.scid  }
0x8b: {  	s0 =	sand.u32 $0x1, s1  }
0x8c: {  	s17 =	sshll.u32 s0, $0xA;
	s2 =	sadd.s32 s3, s2  }
0x8d: {  	s2 =	sadd.s32 s2, s17  }
0x8e: {  	[smem:$0x3FB8] =	sst s2  }
0x8f: {  	_ = 	snop  }
0x90: {  	s2 =	sld [smem:$0x3FD0];
	(tm) =	ssettm $0x1  }
0x91: {  	s18 =	sld [smem:$0x3FFB];
	_ =	sdelay $0x3  }
0x92: {  	_ =	strace s18  }
0x93: {  	s3 =	sld [smem:$0x3FFC];
	_ =	sdelay $0x3  }
0x94: {  	_ =	strace s3  }
0x95: {  	s3 =	sld [smem:$0x3FFD];
	_ =	sdelay $0x3  }
0x96: {  	_ =	strace s3  }
0x97: {  	_ =	strace $0x8FFFFFFF  }
0x98: {  	s19 =	sld [smem:$0x3FDB];
	_ =	sdelay $0x1  }
0x99: {  	s4 =	simm.s32 $_scs_section_size  }
0x9a: {  	s5 =	simm.s32 $_size__tile_overlayer_lowered;
	s6 =	simm.s32 $_tile_overlayer_lowered  }
0x9b: {  	s22 =	simm.s32 $0x1BFF;
	s21 =	sshll.u32 s6, $0x1;
	s3 =	sadd.s32 s4, s19  }
0x9c: {  	s7 =	simm.s32 $0x0;
	s20 =	sshll.u32 s5, $0x1;
	s5 =	sadd.s32 s21, s3  }
0x9d: {  	[timem:s7], [sflag:s22] =	dma.local [hbm:s5], s20  }
0x9e: {  	_ =	swait.ge [sflag:s22], s20  }
0x9f: {  	s4 =	ssub.s32 $0x0, s20;
	[sflag:s22] =	ssyncset.done $0x0  }
0xa0: {  	[sflag:s22] =	ssyncadd.s32 s4;
	_ =	sdelay $0x1  }
0xa1: {  	s23 =	simm.s32 $0x1B8B  }
0xa2: {  	_ =	swait.ge [sflag:s23], $0x1  }
0xa3: {  	[sflag:s23] =	ssyncset.done $0x0  }
0xa4: {  	s25 =	simm.s32 $0x1B8E;
	s24 =	sld [smem:$0x3FFE];
	[sflag:s23] =	ssyncadd.s32 $0xFFFFFFFF  }
0xa5: {  	s26 =	simm.s32 $execute0_lowered;
	[smem:$0x3FD2] =	sst s25  }
0xa6: {  	s5 =	sshll.u32 s26, $0x1;
	_ =	strace $0x80000049;
	[dreg:$0x1] =	wrdreg $0xFFFFFFFF  }
0xa7: {  	s28 =	simm.s32 $_size_execute0_lowered;
	s3 =	sadd.s32 s3, s5;
	[dreg:$0x0] =	wrdreg $0x0  }
0xa8: {  	s5 =	sshll.u32 s28, $0x1;
	[dreg:$0x2] =	wrdreg s3  }
0xa9: {  	[dreg:$0x3] =	wrdreg s5  }
0xaa: {  	[dreg:$0x4] =	wrdreg $0xC0  }
0xab: {  	_ =	task [dreg:s7], $0x5FFFF  }
0xac: {  	[dreg:$0x1] =	wrdreg $0xFFFFFFFF  }
0xad: {  	[dreg:$0x0] =	wrdreg $0x60  }
0xae: {  	[dreg:$0x2] =	wrdreg s24  }
0xaf: {  	[dreg:$0x3] =	wrdreg s2  }
0xb0: {  	[dreg:$0x4] =	wrdreg $0x98000  }
0xb1: {  	[dreg:$0x5] =	wrdreg $0x9  }
0xb2: {  	_ =	task.clear_ibuf [dreg:s7], $0x6FFFF;
	_ =	strace $0x90000049  }
0xb3: {  	s29 =	simm.s32 $0x9;
	_ =	strace $0x8000004B  }
0xb4: {  	_ =	swait.ge [sflag:s29], $0x1  }
0xb5: {  	[sflag:s29] =	ssyncadd.s32 $0xFFFFFFFF  }
0xb6: {  	_ =	strace $0x9000004B  }
0xb7: {  	_ =	sfence  }
0xb8: {  	s30 =	sld [smem:$0x0];
	_ =	sdelay $0x2  }
0xb9: {  	s31 =	sshll.u32 s1, $0xD;
	s1 =	sshrl.u32 s1, $0x2  }
0xba: {  	s3 =	sand.u32 $0x4000, s31;
	s1 =	sadd.s32 s1, s30  }
0xbb: {  	s0 =	sor.u32 s3, s0;
	s1 =	sshll.u32 s1, $0x11  }
0xbc: {  	s0 =	sor.u32 s1, s0  }
0xbd: {  	s0 =	sadd.s32 $0x8F2B, s0  }
0xbe: {  	[sflag:s0] =	ssyncadd.remote.s32 $0x1  }
0xbf: {  	_ =	sfence.sel $0xFFFF  }
0xc0: {  	[dreg:$0x0] =	wrdreg $0xFFFFFFFF;
	(pc) =	sbr.abs _section_cstart, $3  }
0xc1: {  	[dreg:$0x1] =	wrdreg $0xFFFFFFFF  }
0xc2: {  	_ =	task.clear_ibuf [dreg:s7], $0x2FFFF;
	_ =	strace $0x9FFFFFFF  }
0xc3: {  	(tm) =	ssettm $0x7FFFFFFF  }
tec
execute0_lowered:
.L_overlay_start_1:
0x0: {  	(tag) =	ssettag $0x1  }
0x1: {  	s5 =	rddreg [dreg:$0x0]  }
0x2: {  	s0 =	srdreg.scid;
	s7 =	rddreg [dreg:$0x1]  }
0x3: {  	s2 =	rddreg [dreg:$0x2];
	s1 =	stileid.u32;
	s3 =	simm.s32 $0x0  }
0x4: {  	s18 =	simm.s32 $0x5000;
	s6 =	sand.u32 $0x1, s0;
	s0 =	rddreg [dreg:$0x3]  }
0x5: {  	s19 =	simm.s32 $0x1;
	[smem:$0x7FF] =	sst s3;
	s9 =	smul.u32 $0x50000, s1  }
0x6: {  	s13 =	smul.u32 $0x14000, s1;
	s14 =	sadd.s32 $0x5E000, s5;
	s4 =	sshll.u32 s6, $0x4  }
0x7: {  	_ =	strace $0x8000004A;
	s11 =	ssub.s32 $0x2, s6;
	s12 =	smul.u32 $0x140000, s6  }
0x8: {  	s4 =	sor.u32 s1, s4;
	s23 =	sshrl.u32 s11, $0x1;
	s9 =	sshrl.u32 s9, $0x2  }
0x9: {  	s25 =	sadd.s32 $0x4000, s13;
	s29 =	sadd.s32 $0x8000, s13;
	s16 =	sadd.s32 $0xC000, s13  }
0xa: {  	s8 =	smul.u32 $0x500, s4;
	s4 =	sadd.s32 $0x4000, s5;
	s15 =	ssub.s32 s11, s23  }
0xb: {  	s24 =	sadd.s32 s13, s12;
	s28 =	sadd.s32 s12, s25;
	s20 =	sadd.s32 s25, s2  }
0xc: {  	s30 =	sadd.s32 s12, s29;
	s13 =	sadd.s32 $0x10000, s13;
	s17 =	sadd.s32 s12, s16  }
0xd: {  	s21 =	sadd.s32 s29, s2;
	s22 =	sadd.s32 s16, s2;
	s16 =	simm.s32 $0x2800  }
0xe: {  	s26 =	sshrl.u32 s24, $0x3;
	s12 =	sadd.s32 s12, s13;
	s31 =	sshrl.u32 s17, $0x3  }
0xf: {  	s23 =	sadd.s32 s13, s2;
	s13 =	smax.u32 s15, $0x1;
	s15 =	simm.s32 $0x2  }
0x10: {  	s17 =	simm.s32 $0x80;
	s20 =	sshrl.u32 s20, $0x3;
	s21 =	sshrl.u32 s21, $0x3  }
0x11: {  	s22 =	sshrl.u32 s22, $0x3;
	s10 =	sadd.s32 s8, s5;
	s5 =	sadd.s32 s9, s2  }
0x12: {  	s7 =	sadd.s32 s7, s8;
	s8 =	sadd.s32 s14, s26;
	s9 =	sshrl.u32 s28, $0x3  }
0x13: {  	s12 =	sshrl.u32 s12, $0x3;
	s11 =	sadd.s32 s14, s31;
	s23 =	sshrl.u32 s23, $0x3  }
0x14: {  	s6 =	sadd.s32 $0x54000, s10;
	s9 =	sadd.s32 s14, s9;
	s10 =	sshrl.u32 s30, $0x3  }
0x15: {  	v0 =	vimm.f32 $0.0e+00;
	s12 =	sadd.s32 s14, s12;
	s10 =	sadd.s32 s14, s10;
	s14 =	simm.s32 $0x9000  }
.LBB2_1:
0x16: {  	s24 =	simm.s32 $0x0;
	s25 =	simm.s32 $0x200  }
.LBB2_2:
0x17: {  	p0 =	sne.s32 s25, $0x1E00;
	[tilespmem:s24+$0x9070] =	vst v0  }
0x18: {  	[tilespmem:s24+$0x9000] =	vst v0  }
0x19: {  	[tilespmem:s24+$0x9010] =	vst v0  }
.Ltmp0:
0x1a: {  	[tilespmem:s24+$0x9020] =	vst v0;
	(pc) =	sbr.rel @p0 .LBB2_2-.Ltmp0, $4  }
0x1b: {  	[tilespmem:s24+$0x9030] =	vst v0  }
0x1c: {  	[tilespmem:s24+$0x9040] =	vst v0  }
0x1d: {  	[tilespmem:s24+$0x9050] =	vst v0  }
0x1e: {  	[tilespmem:s24+$0x9060] =	vst v0;
	s24 =	sshra.s32 s25, $0x2;
	s25 =	sadd.s32 $0x200, s25  }
0x1f: {  	[tilespmem:s24+$0x9070] =	vst v0  }
0x20: {  	[tilespmem:s24+$0x9000] =	vst v0  }
0x21: {  	[tilespmem:s24+$0x9010] =	vst v0  }
0x22: {  	[tilespmem:s24+$0x9020] =	vst v0  }
0x23: {  	[tilespmem:s24+$0x9030] =	vst v0  }
0x24: {  	[tilespmem:s24+$0x9040] =	vst v0  }
0x25: {  	[tilespmem:s24+$0x9050] =	vst v0  }
0x26: {  	[tilespmem:s24+$0x9060] =	vst v0;
	s31 =	sadd.s32 $0x0, s5  }
0x27: {  	[spmem:s31] =	stream.linear.scatter [tilespmem:s14], [sflag:$0x2], $0x800, $0x38;
	[tilespmem:$0x1D800] =	vst v63  }
0x28: {  	s24 =	simm.s32 $0x2000;
	_ =	swait.ge [sflag:s15], $0x800  }
.LBB2_4:
0x29: {  	s25 =	sshra.s32 s24, $0x2;
	[sflag:s15] =	ssyncset.done $0x0;
	p0 =	sne.s32 s24, $0x4E000  }
.Ltmp1:
0x2a: {  	s25 =	sadd.s32 s25, s5;
	[sflag:s15] =	ssyncadd.s32 $0xFFFFF800;
	(pc) =	sbr.rel @p0 .LBB2_4-.Ltmp1, $3  }
0x2b: {  	[spmem:s25] =	stream.linear.scatter [tilespmem:s14], [sflag:$0x2], $0x800, $0x38;
	[tilespmem:$0x1D800] =	vst v63  }
0x2c: {  	s24 =	sadd.s32 $0x2000, s24;
	_ =	sdelay $0x1  }
0x2d: {  	_ =	swait.ge [sflag:s15], $0x800  }
0x2e: {  	[sflag:s15] =	ssyncset.done $0x0  }
0x2f: {  	s24 =	simm.s32 $0x0;
	[sflag:s15] =	ssyncadd.s32 $0xFFFFF800  }
0x30: {  	[tilespmem:s24], [sflag:$0x2] =	stream.linear.gather [hbm4b:s6+s24], $0x2780, $0x38;
	[tilespmem:$0x1D800] =	vst v63  }
0x31: {  	_ =	swait.ge [sflag:s15], $0x2780  }
0x32: {  	[sflag:s15] =	ssyncset.done $0x0  }
0x33: {  	[sflag:s15] =	ssyncadd.s32 $0xFFFFD880  }
0x34: {  	[tilespmem:s16], [sflag:$0x2] =	stream.linear.gather [hbm4b:s7+s24], $0x2780, $0x38;
	[tilespmem:$0x1D800] =	vst v63  }
0x35: {  	_ =	swait.ge [sflag:s15], $0x2780  }
0x36: {  	[sflag:s15] =	ssyncset.done $0x0  }
0x37: {  	[sflag:s15] =	ssyncadd.s32 $0xFFFFD880  }
0x38: {  	s30 =	simm.s32 $0x0;
	[bflag:$0x0] =	sbarrier.arrive $0xFFFF  }
0x39: {  	[tilespmem:s18], [sflag:$0x1] =	stream.indirect.gather [hbm4b:s4+s17], $0x80, s30, s17, $0xb8;
	[tilespmem:$0x1D800] =	vst v63  }
0x3a: {  	_ =	swait.ge [sflag:s19], $0x4000  }
0x3b: {  	[sflag:s19] =	ssyncset.done $0x0  }
0x3c: {  	s31 =	simm.s32 $0x2800;
	[sflag:s19] =	ssyncadd.s32 $0xFFFFC000  }
0x3d: {  	[spmem:s2] =	stream.indirect.scatter.add.f32 [tilespmem:s18], [sflag:$0x2], $0x80, s31, s17, $0xb8;
	[tilespmem:$0x1D800] =	vst v63  }
0x3e: {  	_ =	swait.ge [sflag:s15], $0x4000  }
0x3f: {  	s25 =	simm.s32 $0x400;
	s24 =	simm.s32 $0x200;
	[sflag:s15] =	ssyncset.done $0x0  }
.LBB2_6:
0x40: {  	s26 =	sshra.s32 s24, $0x2  }
0x41: {  	[sflag:s15] =	ssyncadd.s32 $0xFFFFC000;
	s24 =	smov.u32 s25;
	s28 =	sadd.s32 $0x200, s25  }
0x42: {  	[tilespmem:s18], [sflag:$0x1] =	stream.indirect.gather [hbm4b:s4+s17], $0x80, s26, s17, $0xb8;
	[tilespmem:$0x1D800] =	vst v63  }
0x43: {  	p0 =	sne.s32 s25, $0x9C00;
	_ =	swait.ge [sflag:s19], $0x4000  }
.Ltmp2:
0x44: {  	[sflag:s19] =	ssyncset.done $0x0;
	(pc) =	sbr.rel @p0 .LBB2_6-.Ltmp2, $4  }
0x45: {  	s25 =	sadd.s32 $0x2800, s26;
	[sflag:s19] =	ssyncadd.s32 $0xFFFFC000  }
0x46: {  	[spmem:s2] =	stream.indirect.scatter.add.f32 [tilespmem:s18], [sflag:$0x2], $0x80, s25, s17, $0xb8;
	[tilespmem:$0x1D800] =	vst v63  }
0x47: {  	_ =	swait.ge [sflag:s15], $0x4000  }
0x48: {  	s25 =	smov.u32 s28;
	[sflag:s15] =	ssyncset.done $0x0  }
0x49: {  	s24 =	sshra.s32 s24, $0x2;
	[sflag:s15] =	ssyncadd.s32 $0xFFFFC000  }
0x4a: {  	[tilespmem:s18], [sflag:$0x1] =	stream.indirect.gather [hbm4b:s4+s17], $0x80, s24, s17, $0xb8;
	[tilespmem:$0x1D800] =	vst v63  }
0x4b: {  	_ =	swait.ge [sflag:s19], $0x4000  }
0x4c: {  	[sflag:s19] =	ssyncset.done $0x0  }
0x4d: {  	s24 =	sadd.s32 $0x2800, s24;
	[sflag:s19] =	ssyncadd.s32 $0xFFFFC000  }
0x4e: {  	[spmem:s2] =	stream.indirect.scatter.add.f32 [tilespmem:s18], [sflag:$0x2], $0x80, s24, s17, $0xb8;
	[tilespmem:$0x1D800] =	vst v63  }
0x4f: {  	_ =	swait.ge [sflag:s15], $0x4000  }
0x50: {  	[sflag:s15] =	ssyncset.done $0x0  }
0x51: {  	s31 =	sshll.u32 s1, $0x6;
	[sflag:s15] =	ssyncadd.s32 $0xFFFFC000  }
0x52: {  	s25 =	sshrl.u32 s5, $0x3;
	s24 =	sor.u32 $0x1C02, s31;
	[bflag:$0x0] =	sbarrier.arrive $0xFFFF  }
0x53: {  	[hbm:s8], [sflag:s24] =	dma.local [spmem:s25], $0x800  }
0x54: {  	_ =	swait.ge [sflag:s15], $0x800  }
0x55: {  	[sflag:s15] =	ssyncset.done $0x0  }
0x56: {  	[sflag:s15] =	ssyncadd.s32 $0xFFFFF800  }
0x57: {  	[hbm:s9], [sflag:s24] =	dma.local [spmem:s20], $0x800  }
0x58: {  	_ =	swait.ge [sflag:s15], $0x800  }
0x59: {  	[sflag:s15] =	ssyncset.done $0x0  }
0x5a: {  	[sflag:s15] =	ssyncadd.s32 $0xFFFFF800  }
0x5b: {  	[hbm:s10], [sflag:s24] =	dma.local [spmem:s21], $0x800  }
0x5c: {  	_ =	swait.ge [sflag:s15], $0x800  }
0x5d: {  	[sflag:s15] =	ssyncset.done $0x0  }
0x5e: {  	[sflag:s15] =	ssyncadd.s32 $0xFFFFF800  }
0x5f: {  	[hbm:s11], [sflag:s24] =	dma.local [spmem:s22], $0x800  }
0x60: {  	s3 =	sadd.s32 $0x1, s3;
	_ =	swait.ge [sflag:s15], $0x800  }
0x61: {  	p0 =	sne.s32 s3, s13;
	[sflag:s15] =	ssyncset.done $0x0  }
.Ltmp3:
0x62: {  	[sflag:s15] =	ssyncadd.s32 $0xFFFFF800;
	(pc) =	sbr.rel @p0 .LBB2_1-.Ltmp3, $4  }
0x63: {  	[hbm:s12], [sflag:s24] =	dma.local [spmem:s23], $0x800  }
0x64: {  	_ =	swait.ge [sflag:s15], $0x800  }
0x65: {  	[sflag:s15] =	ssyncset.done $0x0  }
0x66: {  	[sflag:s15] =	ssyncadd.s32 $0xFFFFF800  }
0x67: {  	_ =	sfence.sel $0x180000  }
0x68: {  	[bflag:$0x0] =	sbarrier.arrive $0xFFFF  }
0x69: {  	p0 =	sne.s32 s1, $0x0;
	_ =	strace $0x9000004A  }
0x6a: {  	s0 =	sadd.s32 @!p0 $0x100000, s0;
	[bflag:$0x2] =	sbarrier.arrive $0xFFFF  }
0x6b: {  	[sflag:s0] =	ssyncadd.tile.s32 @!p0 $0x1;
	_ =	shalt  }
.Lfunc_end2:
_tile_overlayer_lowered:
.L_overlay_start_2:
0x6c: {  	(tag) =	ssettag $0x2  }
0x6d: {  	s0 =	rddreg [dreg:$0x0];
	s2 =	stileid.u32  }
0x6e: {  	s1 =	rddreg [dreg:$0x1];
	p0 =	sne.s32 s2, $0x0  }
0x6f: {  	s3 =	rddreg [dreg:$0x2];
	[bflag:$0x3] =	sbarrier.arrive $0xFFFF;
	s2 =	simm.s32 @!p0 $0x1C02  }
0x70: {  	[timem:s3], [sflag:s2] =	dma.local @!p0 [hbm:s0], s1  }
0x71: {  	s0 =	simm.s32 @!p0 $0x2  }
0x72: {  	_ =	swait.ge @!p0 [sflag:s0], s1  }
0x73: {  	s1 =	ssub.s32 @!p0 $0x0, s1;
	[sflag:s0] =	ssyncset.done @!p0 $0x0  }
0x74: {  	[sflag:s0] =	ssyncadd.s32 @!p0 s1  }
0x75: {  	[bflag:$0x3] =	sbarrier.arrive $0xFFFF  }
0x76: {  	_ =	shalt  }

// kernel: kernel.16.cloned.1.call-start
scs
__scs_entry_jumppad:
0x0: {  	(pc) =	sbr.rel $0x88, $3  }
0x1: {  	(tag) =	ssettag $0x0;
	lr =	simm.s32 $0x1  }
0x2: {  	[smem:$0x3F91] =	sst lr;
	_ =	strace $0xD0000000  }
0x3: {  	_ = 	snop  }
0x4: {  	_ = 	snop  }
0x5: {  	_ = 	snop  }
0x6: {  	_ = 	snop  }
0x7: {  	_ = 	snop  }
__scs_overlays_trampoline_lowered:
0x8: {  	[smem:$0x3FA0] =	sst s0  }
0x9: {  	[smem:$0x3FA1] =	sst s1  }
0xa: {  	[smem:$0x3FA2] =	sst s2  }
0xb: {  	[smem:$0x3FA3] =	sst s3  }
0xc: {  	[smem:$0x3FA4] =	sst s4  }
0xd: {  	[smem:$0x3FA5] =	sst s5  }
0xe: {  	[smem:$0x3FA6] =	sst s6  }
0xf: {  	[smem:$0x3FA7] =	sst s7  }
0x10: {  	[smem:$0x3FA8] =	sst s8  }
0x11: {  	[smem:$0x3FA9] =	sst s9;
	s0 =	simm.s32 @!p0 $0x0  }
0x12: {  	s1 =	sld [smem:$0x3F8F];
	s0 =	simm.s32 @p0 $0x1  }
0x13: {  	[smem:$0x3FAA] =	sst s0;
	s0 =	simm.s32 @!p1 $0x0  }
0x14: {  	s2 =	sld [smem:$0x3F8E];
	s0 =	simm.s32 @p1 $0x1  }
0x15: {  	[smem:$0x3FAB] =	sst s0;
	s0 =	simm.s32 @!p2 $0x0  }
0x16: {  	s3 =	sld [smem:$0x3FDB];
	s0 =	simm.s32 @p2 $0x1  }
0x17: {  	s4 =	simm.s32 $0x1BF5;
	[smem:$0x3FAD] =	sst s0  }
0x18: {  	s0 =	sld [smem:$0x3F90];
	_ =	swait.ge [sflag:s4], $0x0  }
0x19: {  	s7 =	sld [smem:$0x3F91]  }
0x1a: {  	s8 =	sadd.s32 $0xFFFFE003, lr  }
0x1b: {  	s9 =	sadd.s32 $0xFFFFFEF7, lr;
	s5 =	simm.s32 $0xFFFFFFFF;
	p2 =	slt.u32 s8, $0xFFFFF086  }
0x1c: {  	p1 =	slt.u32 s9, $0xF7A;
	s5 =	simm.s32 @!p2 $0x0  }
0x1d: {  	s5 =	simm.s32 @p1 $0x1;
	p0 =	seq.s32 s7, s2  }
0x1e: {  	s7 =	smul.u32 @!p0 $0xF7A, s2;
	p2 =	seq.s32 @!p0 s5, $0x0  }
0x1f: {  	s9 =	smul.u32 $0xF7A, s1;
	s8 =	simm.s32 @!p0 $0x1BF5;
	p2 =	por !p2, p0  }
0x20: {  	[sflag:s8] =	ssyncset.s32 @!p0 $0xFFFFF086;
	s6 =	sadd.s32 @!p0 s3, s7;
	s7 =	simm.s32 @!p0 $0x108  }
0x21: {  	s3 =	sadd.s32 s3, s9;
	s6 =	sadd.s32 @!p0 $0x88, s6;
	s7 =	simm.s32 @p2 $0x1082  }
0x22: {  	[simem:s7], [sflag:s8] =	dma.local @!p0 [hbm:s6], $0xF7A  }
0x23: {  	s9 =	sor.u32 $0xD0000000, s2;
	s6 =	simm.s32 $0x108;
	_ =	swait.ge @!p0 [sflag:s8], $0x0  }
0x24: {  	s3 =	sadd.s32 $0x88, s3;
	s6 =	simm.s32 @!p1 $0x1082;
	[sflag:s4] =	ssyncset.s32 $0xFFFFF086  }
0x25: {  	[simem:s6], [sflag:s4] =	dma.local [hbm:s3], $0xF7A  }
0x26: {  	[smem:$0x3F91] =	sst s1;
	(tag) =	ssettag s2;
	_ =	strace s9  }
0x27: {  	s1 =	sld [smem:$0x3FA1]  }
0x28: {  	s2 =	sld [smem:$0x3FA2]  }
0x29: {  	s4 =	sld [smem:$0x3FA4]  }
0x2a: {  	p0 =	seq.s32 s5, $0x0;
	s5 =	sld [smem:$0x3FA5]  }
0x2b: {  	s6 =	sld [smem:$0x3FA6]  }
0x2c: {  	s7 =	sld [smem:$0x3FA7]  }
0x2d: {  	s3 =	simm.s32 $0x108;
	s8 =	sld [smem:$0x3FA8]  }
0x2e: {  	s3 =	simm.s32 @!p0 $0x1082;
	s9 =	sld [smem:$0x3FA9]  }
0x2f: {  	lr =	sadd.s32 s0, s3;
	s0 =	sld [smem:$0x3FA0]  }
0x30: {  	s3 =	sld [smem:$0x3FA3]  }
0x31: {  	[smem:$0x3FAC] =	sst s10  }
0x32: {  	s10 =	sld [smem:$0x3FAA];
	_ =	sdelay $0x3  }
0x33: {  	p0 =	seq.s32 s10, $0x1;
	s10 =	sld [smem:$0x3FAC];
	_ =	sdelay $0x3  }
0x34: {  	[smem:$0x3FAC] =	sst s10  }
0x35: {  	s10 =	sld [smem:$0x3FAB];
	_ =	sdelay $0x3  }
0x36: {  	p1 =	seq.s32 s10, $0x1;
	s10 =	sld [smem:$0x3FAC];
	_ =	sdelay $0x3  }
0x37: {  	[smem:$0x3FAC] =	sst s10  }
0x38: {  	s10 =	sld [smem:$0x3FAD]  }
0x39: {  	_ = 	snop;
	(pc) =	sbr.ind lr, $3  }
0x3a: {  	_ = 	snop  }
0x3b: {  	_ = 	snop  }
0x3c: {  	p2 =	seq.s32 s10, $0x1;
	s10 =	sld [smem:$0x3FAC]  }
0x3d: {  	_ =	shalt  }
0x3e: {  	_ =	shalt  }
0x3f: {  	_ =	shalt  }
0x40: {  	_ =	shalt  }
0x41: {  	_ =	shalt  }
0x42: {  	_ =	shalt  }
0x43: {  	_ =	shalt  }
0x44: {  	_ =	shalt  }
0x45: {  	_ =	shalt  }
0x46: {  	_ =	shalt  }
0x47: {  	_ =	shalt  }
0x48: {  	_ =	shalt  }
0x49: {  	_ =	shalt  }
0x4a: {  	_ =	shalt  }
0x4b: {  	_ =	shalt  }
0x4c: {  	_ =	shalt  }
0x4d: {  	_ =	shalt  }
0x4e: {  	_ =	shalt  }
0x4f: {  	_ =	shalt  }
0x50: {  	_ =	shalt  }
0x51: {  	_ =	shalt  }
0x52: {  	_ =	shalt  }
0x53: {  	_ =	shalt  }
0x54: {  	_ =	shalt  }
0x55: {  	_ =	shalt  }
0x56: {  	_ =	shalt  }
0x57: {  	_ =	shalt  }
0x58: {  	_ =	shalt  }
0x59: {  	_ =	shalt  }
0x5a: {  	_ =	shalt  }
0x5b: {  	_ =	shalt  }
0x5c: {  	_ =	shalt  }
0x5d: {  	_ =	shalt  }
0x5e: {  	_ =	shalt  }
0x5f: {  	_ =	shalt  }
0x60: {  	_ =	shalt  }
0x61: {  	_ =	shalt  }
0x62: {  	_ =	shalt  }
0x63: {  	_ =	shalt  }
0x64: {  	_ =	shalt  }
0x65: {  	_ =	shalt  }
0x66: {  	_ =	shalt  }
0x67: {  	_ =	shalt  }
0x68: {  	_ =	shalt  }
0x69: {  	_ =	shalt  }
0x6a: {  	_ =	shalt  }
0x6b: {  	_ =	shalt  }
0x6c: {  	_ =	shalt  }
0x6d: {  	_ =	shalt  }
0x6e: {  	_ =	shalt  }
0x6f: {  	_ =	shalt  }
0x70: {  	_ =	shalt  }
0x71: {  	_ =	shalt  }
0x72: {  	_ =	shalt  }
0x73: {  	_ =	shalt  }
0x74: {  	_ =	shalt  }
0x75: {  	_ =	shalt  }
0x76: {  	_ =	shalt  }
0x77: {  	_ =	shalt  }
0x78: {  	_ =	shalt  }
0x79: {  	_ =	shalt  }
0x7a: {  	_ =	shalt  }
0x7b: {  	_ =	shalt  }
0x7c: {  	_ =	shalt  }
0x7d: {  	_ =	shalt  }
0x7e: {  	_ =	shalt  }
0x7f: {  	_ =	shalt  }
0x80: {  	_ =	shalt  }
0x81: {  	_ =	shalt  }
0x82: {  	_ =	shalt  }
0x83: {  	_ =	shalt  }
0x84: {  	_ =	shalt  }
0x85: {  	_ =	shalt  }
0x86: {  	_ =	shalt  }
0x87: {  	_ =	shalt  }
.Lfunc_end0:
.L_simem_size_0:
called_computation.2_lowered:
.L_overlay_start_0:
0x88: {  	s2 =	sld [smem:$0x3FD9]  }
0x89: {  	s3 =	sld [smem:$0x3FFE];
	_ =	sdelay $0x1  }
0x8a: {  	s1 =	srdreg.scid  }
0x8b: {  	s0 =	sand.u32 $0x1, s1  }
0x8c: {  	s17 =	sshll.u32 s0, $0xA;
	s2 =	sadd.s32 s3, s2  }
0x8d: {  	s2 =	sadd.s32 s2, s17  }
0x8e: {  	[smem:$0x3FB8] =	sst s2  }
0x8f: {  	_ = 	snop  }
0x90: {  	s2 =	sld [smem:$0x3FD0];
	(tm) =	ssettm $0x1  }
0x91: {  	s18 =	sld [smem:$0x3FFB];
	_ =	sdelay $0x3  }
0x92: {  	_ =	strace s18  }
0x93: {  	s3 =	sld [smem:$0x3FFC];
	_ =	sdelay $0x3  }
0x94: {  	_ =	strace s3  }
0x95: {  	s3 =	sld [smem:$0x3FFD];
	_ =	sdelay $0x3  }
0x96: {  	_ =	strace s3  }
0x97: {  	_ =	strace $0x8FFFFFFF  }
0x98: {  	s19 =	sld [smem:$0x3FDB];
	_ =	sdelay $0x1  }
0x99: {  	s4 =	simm.s32 $_scs_section_size  }
0x9a: {  	s5 =	simm.s32 $_size__tile_overlayer_lowered;
	s6 =	simm.s32 $_tile_overlayer_lowered  }
0x9b: {  	s22 =	simm.s32 $0x1BFF;
	s21 =	sshll.u32 s6, $0x1;
	s3 =	sadd.s32 s4, s19  }
0x9c: {  	s7 =	simm.s32 $0x0;
	s20 =	sshll.u32 s5, $0x1;
	s5 =	sadd.s32 s21, s3  }
0x9d: {  	[timem:s7], [sflag:s22] =	dma.local [hbm:s5], s20  }
0x9e: {  	_ =	swait.ge [sflag:s22], s20  }
0x9f: {  	s4 =	ssub.s32 $0x0, s20;
	[sflag:s22] =	ssyncset.done $0x0  }
0xa0: {  	[sflag:s22] =	ssyncadd.s32 s4;
	_ =	sdelay $0x1  }
0xa1: {  	s23 =	simm.s32 $0x1B8B  }
0xa2: {  	_ =	swait.ge [sflag:s23], $0x1  }
0xa3: {  	[sflag:s23] =	ssyncset.done $0x0  }
0xa4: {  	s25 =	simm.s32 $0x1B8E;
	s24 =	sld [smem:$0x3FFE];
	[sflag:s23] =	ssyncadd.s32 $0xFFFFFFFF  }
0xa5: {  	s26 =	simm.s32 $execute0_lowered;
	[smem:$0x3FD2] =	sst s25  }
0xa6: {  	s5 =	sshll.u32 s26, $0x1;
	_ =	strace $0x8000004C;
	[dreg:$0x1] =	wrdreg $0xFFFFFFFF  }
0xa7: {  	s28 =	simm.s32 $_size_execute0_lowered;
	s3 =	sadd.s32 s3, s5;
	[dreg:$0x0] =	wrdreg $0x0  }
0xa8: {  	s5 =	sshll.u32 s28, $0x1;
	[dreg:$0x2] =	wrdreg s3  }
0xa9: {  	[dreg:$0x3] =	wrdreg s5  }
0xaa: {  	[dreg:$0x4] =	wrdreg $0xC0  }
0xab: {  	_ =	task [dreg:s7], $0x5FFFF  }
0xac: {  	[dreg:$0x1] =	wrdreg $0xFFFFFFFF  }
0xad: {  	[dreg:$0x0] =	wrdreg $0x60  }
0xae: {  	[dreg:$0x2] =	wrdreg s24  }
0xaf: {  	[dreg:$0x3] =	wrdreg s2  }
0xb0: {  	[dreg:$0x4] =	wrdreg $0x98000  }
0xb1: {  	[dreg:$0x5] =	wrdreg $0x9  }
0xb2: {  	_ =	task.clear_ibuf [dreg:s7], $0x6FFFF;
	_ =	strace $0x9000004C  }
0xb3: {  	s29 =	simm.s32 $0x9;
	_ =	strace $0x8000004E  }
0xb4: {  	_ =	swait.ge [sflag:s29], $0x1  }
0xb5: {  	[sflag:s29] =	ssyncadd.s32 $0xFFFFFFFF  }
0xb6: {  	_ =	strace $0x9000004E  }
0xb7: {  	_ =	sfence  }
0xb8: {  	s30 =	sld [smem:$0x0];
	_ =	sdelay $0x2  }
0xb9: {  	s31 =	sshll.u32 s1, $0xD;
	s1 =	sshrl.u32 s1, $0x2  }
0xba: {  	s3 =	sand.u32 $0x4000, s31;
	s1 =	sadd.s32 s1, s30  }
0xbb: {  	s0 =	sor.u32 s3, s0;
	s1 =	sshll.u32 s1, $0x11  }
0xbc: {  	s0 =	sor.u32 s1, s0  }
0xbd: {  	s0 =	sadd.s32 $0x8F2B, s0  }
0xbe: {  	[sflag:s0] =	ssyncadd.remote.s32 $0x1  }
0xbf: {  	_ =	sfence.sel $0xFFFF  }
0xc0: {  	[dreg:$0x0] =	wrdreg $0xFFFFFFFF;
	(pc) =	sbr.abs _section_cstart, $3  }
0xc1: {  	[dreg:$0x1] =	wrdreg $0xFFFFFFFF  }
0xc2: {  	_ =	task.clear_ibuf [dreg:s7], $0x2FFFF;
	_ =	strace $0x9FFFFFFF  }
0xc3: {  	(tm) =	ssettm $0x7FFFFFFF  }
tec
execute0_lowered:
.L_overlay_start_1:
0x0: {  	(tag) =	ssettag $0x1  }
0x1: {  	s5 =	rddreg [dreg:$0x0]  }
0x2: {  	s0 =	srdreg.scid;
	s7 =	rddreg [dreg:$0x1]  }
0x3: {  	s2 =	rddreg [dreg:$0x2];
	s1 =	stileid.u32;
	s3 =	simm.s32 $0x0  }
0x4: {  	s18 =	simm.s32 $0x5000;
	s6 =	sand.u32 $0x1, s0;
	s0 =	rddreg [dreg:$0x3]  }
0x5: {  	s19 =	simm.s32 $0x1;
	[smem:$0x7FF] =	sst s3;
	s9 =	smul.u32 $0x50000, s1  }
0x6: {  	s13 =	smul.u32 $0x14000, s1;
	s14 =	sadd.s32 $0x5E000, s5;
	s4 =	sshll.u32 s6, $0x4  }
0x7: {  	_ =	strace $0x8000004D;
	s11 =	ssub.s32 $0x2, s6;
	s12 =	smul.u32 $0x140000, s6  }
0x8: {  	s4 =	sor.u32 s1, s4;
	s23 =	sshrl.u32 s11, $0x1;
	s9 =	sshrl.u32 s9, $0x2  }
0x9: {  	s25 =	sadd.s32 $0x4000, s13;
	s29 =	sadd.s32 $0x8000, s13;
	s16 =	sadd.s32 $0xC000, s13  }
0xa: {  	s8 =	smul.u32 $0x500, s4;
	s4 =	sadd.s32 $0x4000, s5;
	s15 =	ssub.s32 s11, s23  }
0xb: {  	s24 =	sadd.s32 s13, s12;
	s28 =	sadd.s32 s12, s25;
	s20 =	sadd.s32 s25, s2  }
0xc: {  	s30 =	sadd.s32 s12, s29;
	s13 =	sadd.s32 $0x10000, s13;
	s17 =	sadd.s32 s12, s16  }
0xd: {  	s21 =	sadd.s32 s29, s2;
	s22 =	sadd.s32 s16, s2;
	s16 =	simm.s32 $0x2800  }
0xe: {  	s26 =	sshrl.u32 s24, $0x3;
	s12 =	sadd.s32 s12, s13;
	s31 =	sshrl.u32 s17, $0x3  }
0xf: {  	s23 =	sadd.s32 s13, s2;
	s13 =	smax.u32 s15, $0x1;
	s15 =	simm.s32 $0x2  }
0x10: {  	s17 =	simm.s32 $0x80;
	s20 =	sshrl.u32 s20, $0x3;
	s21 =	sshrl.u32 s21, $0x3  }
0x11: {  	s22 =	sshrl.u32 s22, $0x3;
	s10 =	sadd.s32 s8, s5;
	s5 =	sadd.s32 s9, s2  }
0x12: {  	s7 =	sadd.s32 s7, s8;
	s8 =	sadd.s32 s14, s26;
	s9 =	sshrl.u32 s28, $0x3  }
0x13: {  	s12 =	sshrl.u32 s12, $0x3;
	s11 =	sadd.s32 s14, s31;
	s23 =	sshrl.u32 s23, $0x3  }
0x14: {  	s6 =	sadd.s32 $0x54000, s10;
	s9 =	sadd.s32 s14, s9;
	s10 =	sshrl.u32 s30, $0x3  }
0x15: {  	v0 =	vimm.f32 $0.0e+00;
	s12 =	sadd.s32 s14, s12;
	s10 =	sadd.s32 s14, s10;
	s14 =	simm.s32 $0x9000  }
.LBB2_1:
0x16: {  	s24 =	simm.s32 $0x0;
	s25 =	simm.s32 $0x200  }
.LBB2_2:
0x17: {  	p0 =	sne.s32 s25, $0x1E00;
	[tilespmem:s24+$0x9070] =	vst v0  }
0x18: {  	[tilespmem:s24+$0x9000] =	vst v0  }
0x19: {  	[tilespmem:s24+$0x9010] =	vst v0  }
.Ltmp0:
0x1a: {  	[tilespmem:s24+$0x9020] =	vst v0;
	(pc) =	sbr.rel @p0 .LBB2_2-.Ltmp0, $4  }
0x1b: {  	[tilespmem:s24+$0x9030] =	vst v0  }
0x1c: {  	[tilespmem:s24+$0x9040] =	vst v0  }
0x1d: {  	[tilespmem:s24+$0x9050] =	vst v0  }
0x1e: {  	[tilespmem:s24+$0x9060] =	vst v0;
	s24 =	sshra.s32 s25, $0x2;
	s25 =	sadd.s32 $0x200, s25  }
0x1f: {  	[tilespmem:s24+$0x9070] =	vst v0  }
0x20: {  	[tilespmem:s24+$0x9000] =	vst v0  }
0x21: {  	[tilespmem:s24+$0x9010] =	vst v0  }
0x22: {  	[tilespmem:s24+$0x9020] =	vst v0  }
0x23: {  	[tilespmem:s24+$0x9030] =	vst v0  }
0x24: {  	[tilespmem:s24+$0x9040] =	vst v0  }
0x25: {  	[tilespmem:s24+$0x9050] =	vst v0  }
0x26: {  	[tilespmem:s24+$0x9060] =	vst v0;
	s31 =	sadd.s32 $0x0, s5  }
0x27: {  	[spmem:s31] =	stream.linear.scatter [tilespmem:s14], [sflag:$0x2], $0x800, $0x38;
	[tilespmem:$0x1D800] =	vst v63  }
0x28: {  	s24 =	simm.s32 $0x2000;
	_ =	swait.ge [sflag:s15], $0x800  }
.LBB2_4:
0x29: {  	s25 =	sshra.s32 s24, $0x2;
	[sflag:s15] =	ssyncset.done $0x0;
	p0 =	sne.s32 s24, $0x4E000  }
.Ltmp1:
0x2a: {  	s25 =	sadd.s32 s25, s5;
	[sflag:s15] =	ssyncadd.s32 $0xFFFFF800;
	(pc) =	sbr.rel @p0 .LBB2_4-.Ltmp1, $3  }
0x2b: {  	[spmem:s25] =	stream.linear.scatter [tilespmem:s14], [sflag:$0x2], $0x800, $0x38;
	[tilespmem:$0x1D800] =	vst v63  }
0x2c: {  	s24 =	sadd.s32 $0x2000, s24;
	_ =	sdelay $0x1  }
0x2d: {  	_ =	swait.ge [sflag:s15], $0x800  }
0x2e: {  	[sflag:s15] =	ssyncset.done $0x0  }
0x2f: {  	s24 =	simm.s32 $0x0;
	[sflag:s15] =	ssyncadd.s32 $0xFFFFF800  }
0x30: {  	[tilespmem:s24], [sflag:$0x2] =	stream.linear.gather [hbm4b:s6+s24], $0x2780, $0x38;
	[tilespmem:$0x1D800] =	vst v63  }
0x31: {  	_ =	swait.ge [sflag:s15], $0x2780  }
0x32: {  	[sflag:s15] =	ssyncset.done $0x0  }
0x33: {  	[sflag:s15] =	ssyncadd.s32 $0xFFFFD880  }
0x34: {  	[tilespmem:s16], [sflag:$0x2] =	stream.linear.gather [hbm4b:s7+s24], $0x2780, $0x38;
	[tilespmem:$0x1D800] =	vst v63  }
0x35: {  	_ =	swait.ge [sflag:s15], $0x2780  }
0x36: {  	[sflag:s15] =	ssyncset.done $0x0  }
0x37: {  	[sflag:s15] =	ssyncadd.s32 $0xFFFFD880  }
0x38: {  	s30 =	simm.s32 $0x0;
	[bflag:$0x0] =	sbarrier.arrive $0xFFFF  }
0x39: {  	[tilespmem:s18], [sflag:$0x1] =	stream.indirect.gather [hbm4b:s4+s17], $0x80, s30, s17, $0xb8;
	[tilespmem:$0x1D800] =	vst v63  }
0x3a: {  	_ =	swait.ge [sflag:s19], $0x4000  }
0x3b: {  	[sflag:s19] =	ssyncset.done $0x0  }
0x3c: {  	s31 =	simm.s32 $0x2800;
	[sflag:s19] =	ssyncadd.s32 $0xFFFFC000  }
0x3d: {  	[spmem:s2] =	stream.indirect.scatter.add.f32 [tilespmem:s18], [sflag:$0x2], $0x80, s31, s17, $0xb8;
	[tilespmem:$0x1D800] =	vst v63  }
0x3e: {  	_ =	swait.ge [sflag:s15], $0x4000  }
0x3f: {  	s25 =	simm.s32 $0x400;
	s24 =	simm.s32 $0x200;
	[sflag:s15] =	ssyncset.done $0x0  }
.LBB2_6:
0x40: {  	s26 =	sshra.s32 s24, $0x2  }
0x41: {  	[sflag:s15] =	ssyncadd.s32 $0xFFFFC000;
	s24 =	smov.u32 s25;
	s28 =	sadd.s32 $0x200, s25  }
0x42: {  	[tilespmem:s18], [sflag:$0x1] =	stream.indirect.gather [hbm4b:s4+s17], $0x80, s26, s17, $0xb8;
	[tilespmem:$0x1D800] =	vst v63  }
0x43: {  	p0 =	sne.s32 s25, $0x9C00;
	_ =	swait.ge [sflag:s19], $0x4000  }
.Ltmp2:
0x44: {  	[sflag:s19] =	ssyncset.done $0x0;
	(pc) =	sbr.rel @p0 .LBB2_6-.Ltmp2, $4  }
0x45: {  	s25 =	sadd.s32 $0x2800, s26;
	[sflag:s19] =	ssyncadd.s32 $0xFFFFC000  }
0x46: {  	[spmem:s2] =	stream.indirect.scatter.add.f32 [tilespmem:s18], [sflag:$0x2], $0x80, s25, s17, $0xb8;
	[tilespmem:$0x1D800] =	vst v63  }
0x47: {  	_ =	swait.ge [sflag:s15], $0x4000  }
0x48: {  	s25 =	smov.u32 s28;
	[sflag:s15] =	ssyncset.done $0x0  }
0x49: {  	s24 =	sshra.s32 s24, $0x2;
	[sflag:s15] =	ssyncadd.s32 $0xFFFFC000  }
0x4a: {  	[tilespmem:s18], [sflag:$0x1] =	stream.indirect.gather [hbm4b:s4+s17], $0x80, s24, s17, $0xb8;
	[tilespmem:$0x1D800] =	vst v63  }
0x4b: {  	_ =	swait.ge [sflag:s19], $0x4000  }
0x4c: {  	[sflag:s19] =	ssyncset.done $0x0  }
0x4d: {  	s24 =	sadd.s32 $0x2800, s24;
	[sflag:s19] =	ssyncadd.s32 $0xFFFFC000  }
0x4e: {  	[spmem:s2] =	stream.indirect.scatter.add.f32 [tilespmem:s18], [sflag:$0x2], $0x80, s24, s17, $0xb8;
	[tilespmem:$0x1D800] =	vst v63  }
0x4f: {  	_ =	swait.ge [sflag:s15], $0x4000  }
0x50: {  	[sflag:s15] =	ssyncset.done $0x0  }
0x51: {  	s31 =	sshll.u32 s1, $0x6;
	[sflag:s15] =	ssyncadd.s32 $0xFFFFC000  }
0x52: {  	s25 =	sshrl.u32 s5, $0x3;
	s24 =	sor.u32 $0x1C02, s31;
	[bflag:$0x0] =	sbarrier.arrive $0xFFFF  }
0x53: {  	[hbm:s8], [sflag:s24] =	dma.local [spmem:s25], $0x800  }
0x54: {  	_ =	swait.ge [sflag:s15], $0x800  }
0x55: {  	[sflag:s15] =	ssyncset.done $0x0  }
0x56: {  	[sflag:s15] =	ssyncadd.s32 $0xFFFFF800  }
0x57: {  	[hbm:s9], [sflag:s24] =	dma.local [spmem:s20], $0x800  }
0x58: {  	_ =	swait.ge [sflag:s15], $0x800  }
0x59: {  	[sflag:s15] =	ssyncset.done $0x0  }
0x5a: {  	[sflag:s15] =	ssyncadd.s32 $0xFFFFF800  }
0x5b: {  	[hbm:s10], [sflag:s24] =	dma.local [spmem:s21], $0x800  }
0x5c: {  	_ =	swait.ge [sflag:s15], $0x800  }
0x5d: {  	[sflag:s15] =	ssyncset.done $0x0  }
0x5e: {  	[sflag:s15] =	ssyncadd.s32 $0xFFFFF800  }
0x5f: {  	[hbm:s11], [sflag:s24] =	dma.local [spmem:s22], $0x800  }
0x60: {  	s3 =	sadd.s32 $0x1, s3;
	_ =	swait.ge [sflag:s15], $0x800  }
0x61: {  	p0 =	sne.s32 s3, s13;
	[sflag:s15] =	ssyncset.done $0x0  }
.Ltmp3:
0x62: {  	[sflag:s15] =	ssyncadd.s32 $0xFFFFF800;
	(pc) =	sbr.rel @p0 .LBB2_1-.Ltmp3, $4  }
0x63: {  	[hbm:s12], [sflag:s24] =	dma.local [spmem:s23], $0x800  }
0x64: {  	_ =	swait.ge [sflag:s15], $0x800  }
0x65: {  	[sflag:s15] =	ssyncset.done $0x0  }
0x66: {  	[sflag:s15] =	ssyncadd.s32 $0xFFFFF800  }
0x67: {  	_ =	sfence.sel $0x180000  }
0x68: {  	[bflag:$0x0] =	sbarrier.arrive $0xFFFF  }
0x69: {  	p0 =	sne.s32 s1, $0x0;
	_ =	strace $0x9000004D  }
0x6a: {  	s0 =	sadd.s32 @!p0 $0x100000, s0;
	[bflag:$0x2] =	sbarrier.arrive $0xFFFF  }
0x6b: {  	[sflag:s0] =	ssyncadd.tile.s32 @!p0 $0x1;
	_ =	shalt  }
.Lfunc_end2:
_tile_overlayer_lowered:
.L_overlay_start_2:
0x6c: {  	(tag) =	ssettag $0x2  }
0x6d: {  	s0 =	rddreg [dreg:$0x0];
	s2 =	stileid.u32  }
0x6e: {  	s1 =	rddreg [dreg:$0x1];
	p0 =	sne.s32 s2, $0x0  }
0x6f: {  	s3 =	rddreg [dreg:$0x2];
	[bflag:$0x3] =	sbarrier.arrive $0xFFFF;
	s2 =	simm.s32 @!p0 $0x1C02  }
0x70: {  	[timem:s3], [sflag:s2] =	dma.local @!p0 [hbm:s0], s1  }
0x71: {  	s0 =	simm.s32 @!p0 $0x2  }
0x72: {  	_ =	swait.ge @!p0 [sflag:s0], s1  }
0x73: {  	s1 =	ssub.s32 @!p0 $0x0, s1;
	[sflag:s0] =	ssyncset.done @!p0 $0x0  }
0x74: {  	[sflag:s0] =	ssyncadd.s32 @!p0 s1  }
0x75: {  	[bflag:$0x3] =	sbarrier.arrive $0xFFFF  }
0x76: {  	_ =	shalt  }

// kernel: kernel.19.cloned.1.call-start
scs
__scs_entry_jumppad:
0x0: {  	(pc) =	sbr.rel $0x88, $3  }
0x1: {  	(tag) =	ssettag $0x0;
	lr =	simm.s32 $0x1  }
0x2: {  	[smem:$0x3F91] =	sst lr;
	_ =	strace $0xD0000000  }
0x3: {  	_ = 	snop  }
0x4: {  	_ = 	snop  }
0x5: {  	_ = 	snop  }
0x6: {  	_ = 	snop  }
0x7: {  	_ = 	snop  }
__scs_overlays_trampoline_lowered:
0x8: {  	[smem:$0x3FA0] =	sst s0  }
0x9: {  	[smem:$0x3FA1] =	sst s1  }
0xa: {  	[smem:$0x3FA2] =	sst s2  }
0xb: {  	[smem:$0x3FA3] =	sst s3  }
0xc: {  	[smem:$0x3FA4] =	sst s4  }
0xd: {  	[smem:$0x3FA5] =	sst s5  }
0xe: {  	[smem:$0x3FA6] =	sst s6  }
0xf: {  	[smem:$0x3FA7] =	sst s7  }
0x10: {  	[smem:$0x3FA8] =	sst s8  }
0x11: {  	[smem:$0x3FA9] =	sst s9;
	s0 =	simm.s32 @!p0 $0x0  }
0x12: {  	s1 =	sld [smem:$0x3F8F];
	s0 =	simm.s32 @p0 $0x1  }
0x13: {  	[smem:$0x3FAA] =	sst s0;
	s0 =	simm.s32 @!p1 $0x0  }
0x14: {  	s2 =	sld [smem:$0x3F8E];
	s0 =	simm.s32 @p1 $0x1  }
0x15: {  	[smem:$0x3FAB] =	sst s0;
	s0 =	simm.s32 @!p2 $0x0  }
0x16: {  	s3 =	sld [smem:$0x3FDB];
	s0 =	simm.s32 @p2 $0x1  }
0x17: {  	s4 =	simm.s32 $0x1BF5;
	[smem:$0x3FAD] =	sst s0  }
0x18: {  	s0 =	sld [smem:$0x3F90];
	_ =	swait.ge [sflag:s4], $0x0  }
0x19: {  	s7 =	sld [smem:$0x3F91]  }
0x1a: {  	s8 =	sadd.s32 $0xFFFFE003, lr  }
0x1b: {  	s9 =	sadd.s32 $0xFFFFFEF7, lr;
	s5 =	simm.s32 $0xFFFFFFFF;
	p2 =	slt.u32 s8, $0xFFFFF086  }
0x1c: {  	p1 =	slt.u32 s9, $0xF7A;
	s5 =	simm.s32 @!p2 $0x0  }
0x1d: {  	s5 =	simm.s32 @p1 $0x1;
	p0 =	seq.s32 s7, s2  }
0x1e: {  	s7 =	smul.u32 @!p0 $0xF7A, s2;
	p2 =	seq.s32 @!p0 s5, $0x0  }
0x1f: {  	s9 =	smul.u32 $0xF7A, s1;
	s8 =	simm.s32 @!p0 $0x1BF5;
	p2 =	por !p2, p0  }
0x20: {  	[sflag:s8] =	ssyncset.s32 @!p0 $0xFFFFF086;
	s6 =	sadd.s32 @!p0 s3, s7;
	s7 =	simm.s32 @!p0 $0x108  }
0x21: {  	s3 =	sadd.s32 s3, s9;
	s6 =	sadd.s32 @!p0 $0x88, s6;
	s7 =	simm.s32 @p2 $0x1082  }
0x22: {  	[simem:s7], [sflag:s8] =	dma.local @!p0 [hbm:s6], $0xF7A  }
0x23: {  	s9 =	sor.u32 $0xD0000000, s2;
	s6 =	simm.s32 $0x108;
	_ =	swait.ge @!p0 [sflag:s8], $0x0  }
0x24: {  	s3 =	sadd.s32 $0x88, s3;
	s6 =	simm.s32 @!p1 $0x1082;
	[sflag:s4] =	ssyncset.s32 $0xFFFFF086  }
0x25: {  	[simem:s6], [sflag:s4] =	dma.local [hbm:s3], $0xF7A  }
0x26: {  	[smem:$0x3F91] =	sst s1;
	(tag) =	ssettag s2;
	_ =	strace s9  }
0x27: {  	s1 =	sld [smem:$0x3FA1]  }
0x28: {  	s2 =	sld [smem:$0x3FA2]  }
0x29: {  	s4 =	sld [smem:$0x3FA4]  }
0x2a: {  	p0 =	seq.s32 s5, $0x0;
	s5 =	sld [smem:$0x3FA5]  }
0x2b: {  	s6 =	sld [smem:$0x3FA6]  }
0x2c: {  	s7 =	sld [smem:$0x3FA7]  }
0x2d: {  	s3 =	simm.s32 $0x108;
	s8 =	sld [smem:$0x3FA8]  }
0x2e: {  	s3 =	simm.s32 @!p0 $0x1082;
	s9 =	sld [smem:$0x3FA9]  }
0x2f: {  	lr =	sadd.s32 s0, s3;
	s0 =	sld [smem:$0x3FA0]  }
0x30: {  	s3 =	sld [smem:$0x3FA3]  }
0x31: {  	[smem:$0x3FAC] =	sst s10  }
0x32: {  	s10 =	sld [smem:$0x3FAA];
	_ =	sdelay $0x3  }
0x33: {  	p0 =	seq.s32 s10, $0x1;
	s10 =	sld [smem:$0x3FAC];
	_ =	sdelay $0x3  }
0x34: {  	[smem:$0x3FAC] =	sst s10  }
0x35: {  	s10 =	sld [smem:$0x3FAB];
	_ =	sdelay $0x3  }
0x36: {  	p1 =	seq.s32 s10, $0x1;
	s10 =	sld [smem:$0x3FAC];
	_ =	sdelay $0x3  }
0x37: {  	[smem:$0x3FAC] =	sst s10  }
0x38: {  	s10 =	sld [smem:$0x3FAD]  }
0x39: {  	_ = 	snop;
	(pc) =	sbr.ind lr, $3  }
0x3a: {  	_ = 	snop  }
0x3b: {  	_ = 	snop  }
0x3c: {  	p2 =	seq.s32 s10, $0x1;
	s10 =	sld [smem:$0x3FAC]  }
0x3d: {  	_ =	shalt  }
0x3e: {  	_ =	shalt  }
0x3f: {  	_ =	shalt  }
0x40: {  	_ =	shalt  }
0x41: {  	_ =	shalt  }
0x42: {  	_ =	shalt  }
0x43: {  	_ =	shalt  }
0x44: {  	_ =	shalt  }
0x45: {  	_ =	shalt  }
0x46: {  	_ =	shalt  }
0x47: {  	_ =	shalt  }
0x48: {  	_ =	shalt  }
0x49: {  	_ =	shalt  }
0x4a: {  	_ =	shalt  }
0x4b: {  	_ =	shalt  }
0x4c: {  	_ =	shalt  }
0x4d: {  	_ =	shalt  }
0x4e: {  	_ =	shalt  }
0x4f: {  	_ =	shalt  }
0x50: {  	_ =	shalt  }
0x51: {  	_ =	shalt  }
0x52: {  	_ =	shalt  }
0x53: {  	_ =	shalt  }
0x54: {  	_ =	shalt  }
0x55: {  	_ =	shalt  }
0x56: {  	_ =	shalt  }
0x57: {  	_ =	shalt  }
0x58: {  	_ =	shalt  }
0x59: {  	_ =	shalt  }
0x5a: {  	_ =	shalt  }
0x5b: {  	_ =	shalt  }
0x5c: {  	_ =	shalt  }
0x5d: {  	_ =	shalt  }
0x5e: {  	_ =	shalt  }
0x5f: {  	_ =	shalt  }
0x60: {  	_ =	shalt  }
0x61: {  	_ =	shalt  }
0x62: {  	_ =	shalt  }
0x63: {  	_ =	shalt  }
0x64: {  	_ =	shalt  }
0x65: {  	_ =	shalt  }
0x66: {  	_ =	shalt  }
0x67: {  	_ =	shalt  }
0x68: {  	_ =	shalt  }
0x69: {  	_ =	shalt  }
0x6a: {  	_ =	shalt  }
0x6b: {  	_ =	shalt  }
0x6c: {  	_ =	shalt  }
0x6d: {  	_ =	shalt  }
0x6e: {  	_ =	shalt  }
0x6f: {  	_ =	shalt  }
0x70: {  	_ =	shalt  }
0x71: {  	_ =	shalt  }
0x72: {  	_ =	shalt  }
0x73: {  	_ =	shalt  }
0x74: {  	_ =	shalt  }
0x75: {  	_ =	shalt  }
0x76: {  	_ =	shalt  }
0x77: {  	_ =	shalt  }
0x78: {  	_ =	shalt  }
0x79: {  	_ =	shalt  }
0x7a: {  	_ =	shalt  }
0x7b: {  	_ =	shalt  }
0x7c: {  	_ =	shalt  }
0x7d: {  	_ =	shalt  }
0x7e: {  	_ =	shalt  }
0x7f: {  	_ =	shalt  }
0x80: {  	_ =	shalt  }
0x81: {  	_ =	shalt  }
0x82: {  	_ =	shalt  }
0x83: {  	_ =	shalt  }
0x84: {  	_ =	shalt  }
0x85: {  	_ =	shalt  }
0x86: {  	_ =	shalt  }
0x87: {  	_ =	shalt  }
.Lfunc_end0:
.L_simem_size_0:
called_computation.3_lowered:
.L_overlay_start_0:
0x88: {  	s2 =	sld [smem:$0x3FD9]  }
0x89: {  	s3 =	sld [smem:$0x3FFE];
	_ =	sdelay $0x1  }
0x8a: {  	s1 =	srdreg.scid  }
0x8b: {  	s0 =	sand.u32 $0x1, s1  }
0x8c: {  	s17 =	sshll.u32 s0, $0xA;
	s2 =	sadd.s32 s3, s2  }
0x8d: {  	s2 =	sadd.s32 s2, s17  }
0x8e: {  	[smem:$0x3FB8] =	sst s2  }
0x8f: {  	_ = 	snop  }
0x90: {  	s2 =	sld [smem:$0x3FD0];
	(tm) =	ssettm $0x1  }
0x91: {  	s18 =	sld [smem:$0x3FFB];
	_ =	sdelay $0x3  }
0x92: {  	_ =	strace s18  }
0x93: {  	s3 =	sld [smem:$0x3FFC];
	_ =	sdelay $0x3  }
0x94: {  	_ =	strace s3  }
0x95: {  	s3 =	sld [smem:$0x3FFD];
	_ =	sdelay $0x3  }
0x96: {  	_ =	strace s3  }
0x97: {  	_ =	strace $0x8FFFFFFF  }
0x98: {  	s19 =	sld [smem:$0x3FDB];
	_ =	sdelay $0x1  }
0x99: {  	s4 =	simm.s32 $_scs_section_size  }
0x9a: {  	s5 =	simm.s32 $_size__tile_overlayer_lowered;
	s6 =	simm.s32 $_tile_overlayer_lowered  }
0x9b: {  	s22 =	simm.s32 $0x1BFF;
	s21 =	sshll.u32 s6, $0x1;
	s3 =	sadd.s32 s4, s19  }
0x9c: {  	s7 =	simm.s32 $0x0;
	s20 =	sshll.u32 s5, $0x1;
	s5 =	sadd.s32 s21, s3  }
0x9d: {  	[timem:s7], [sflag:s22] =	dma.local [hbm:s5], s20  }
0x9e: {  	_ =	swait.ge [sflag:s22], s20  }
0x9f: {  	s4 =	ssub.s32 $0x0, s20;
	[sflag:s22] =	ssyncset.done $0x0  }
0xa0: {  	[sflag:s22] =	ssyncadd.s32 s4;
	_ =	sdelay $0x1  }
0xa1: {  	s23 =	simm.s32 $0x1B8B  }
0xa2: {  	_ =	swait.ge [sflag:s23], $0x1  }
0xa3: {  	[sflag:s23] =	ssyncset.done $0x0  }
0xa4: {  	s25 =	simm.s32 $0x1B8E;
	s24 =	sld [smem:$0x3FFE];
	[sflag:s23] =	ssyncadd.s32 $0xFFFFFFFF  }
0xa5: {  	s26 =	simm.s32 $execute0_lowered;
	[smem:$0x3FD2] =	sst s25  }
0xa6: {  	s5 =	sshll.u32 s26, $0x1;
	_ =	strace $0x8000004F;
	[dreg:$0x1] =	wrdreg $0xFFFFFFFF  }
0xa7: {  	s28 =	simm.s32 $_size_execute0_lowered;
	s3 =	sadd.s32 s3, s5;
	[dreg:$0x0] =	wrdreg $0x0  }
0xa8: {  	s5 =	sshll.u32 s28, $0x1;
	[dreg:$0x2] =	wrdreg s3  }
0xa9: {  	[dreg:$0x3] =	wrdreg s5  }
0xaa: {  	[dreg:$0x4] =	wrdreg $0xC0  }
0xab: {  	_ =	task [dreg:s7], $0x5FFFF  }
0xac: {  	[dreg:$0x1] =	wrdreg $0xFFFFFFFF  }
0xad: {  	[dreg:$0x0] =	wrdreg $0x60  }
0xae: {  	[dreg:$0x2] =	wrdreg s24  }
0xaf: {  	[dreg:$0x3] =	wrdreg s2  }
0xb0: {  	[dreg:$0x4] =	wrdreg $0x98000  }
0xb1: {  	[dreg:$0x5] =	wrdreg $0x9  }
0xb2: {  	_ =	task.clear_ibuf [dreg:s7], $0x6FFFF;
	_ =	strace $0x9000004F  }
0xb3: {  	s29 =	simm.s32 $0x9;
	_ =	strace $0x80000051  }
0xb4: {  	_ =	swait.ge [sflag:s29], $0x1  }
0xb5: {  	[sflag:s29] =	ssyncadd.s32 $0xFFFFFFFF  }
0xb6: {  	_ =	strace $0x90000051  }
0xb7: {  	_ =	sfence  }
0xb8: {  	s30 =	sld [smem:$0x0];
	_ =	sdelay $0x2  }
0xb9: {  	s31 =	sshll.u32 s1, $0xD;
	s1 =	sshrl.u32 s1, $0x2  }
0xba: {  	s3 =	sand.u32 $0x4000, s31;
	s1 =	sadd.s32 s1, s30  }
0xbb: {  	s0 =	sor.u32 s3, s0;
	s1 =	sshll.u32 s1, $0x11  }
0xbc: {  	s0 =	sor.u32 s1, s0  }
0xbd: {  	s0 =	sadd.s32 $0x8F2B, s0  }
0xbe: {  	[sflag:s0] =	ssyncadd.remote.s32 $0x1  }
0xbf: {  	_ =	sfence.sel $0xFFFF  }
0xc0: {  	[dreg:$0x0] =	wrdreg $0xFFFFFFFF;
	(pc) =	sbr.abs _section_cstart, $3  }
0xc1: {  	[dreg:$0x1] =	wrdreg $0xFFFFFFFF  }
0xc2: {  	_ =	task.clear_ibuf [dreg:s7], $0x2FFFF;
	_ =	strace $0x9FFFFFFF  }
0xc3: {  	(tm) =	ssettm $0x7FFFFFFF  }
tec
execute0_lowered:
.L_overlay_start_1:
0x0: {  	(tag) =	ssettag $0x1  }
0x1: {  	s5 =	rddreg [dreg:$0x0]  }
0x2: {  	s0 =	srdreg.scid;
	s7 =	rddreg [dreg:$0x1]  }
0x3: {  	s2 =	rddreg [dreg:$0x2];
	s1 =	stileid.u32;
	s3 =	simm.s32 $0x0  }
0x4: {  	s18 =	simm.s32 $0x5000;
	s6 =	sand.u32 $0x1, s0;
	s0 =	rddreg [dreg:$0x3]  }
0x5: {  	s19 =	simm.s32 $0x1;
	[smem:$0x7FF] =	sst s3;
	s9 =	smul.u32 $0x50000, s1  }
0x6: {  	s13 =	smul.u32 $0x14000, s1;
	s14 =	sadd.s32 $0x5E000, s5;
	s4 =	sshll.u32 s6, $0x4  }
0x7: {  	_ =	strace $0x80000050;
	s11 =	ssub.s32 $0x2, s6;
	s12 =	smul.u32 $0x140000, s6  }
0x8: {  	s4 =	sor.u32 s1, s4;
	s23 =	sshrl.u32 s11, $0x1;
	s9 =	sshrl.u32 s9, $0x2  }
0x9: {  	s25 =	sadd.s32 $0x4000, s13;
	s29 =	sadd.s32 $0x8000, s13;
	s16 =	sadd.s32 $0xC000, s13  }
0xa: {  	s8 =	smul.u32 $0x500, s4;
	s4 =	sadd.s32 $0x4000, s5;
	s15 =	ssub.s32 s11, s23  }
0xb: {  	s24 =	sadd.s32 s13, s12;
	s28 =	sadd.s32 s12, s25;
	s20 =	sadd.s32 s25, s2  }
0xc: {  	s30 =	sadd.s32 s12, s29;
	s13 =	sadd.s32 $0x10000, s13;
	s17 =	sadd.s32 s12, s16  }
0xd: {  	s21 =	sadd.s32 s29, s2;
	s22 =	sadd.s32 s16, s2;
	s16 =	simm.s32 $0x2800  }
0xe: {  	s26 =	sshrl.u32 s24, $0x3;
	s12 =	sadd.s32 s12, s13;
	s31 =	sshrl.u32 s17, $0x3  }
0xf: {  	s23 =	sadd.s32 s13, s2;
	s13 =	smax.u32 s15, $0x1;
	s15 =	simm.s32 $0x2  }
0x10: {  	s17 =	simm.s32 $0x80;
	s20 =	sshrl.u32 s20, $0x3;
	s21 =	sshrl.u32 s21, $0x3  }
0x11: {  	s22 =	sshrl.u32 s22, $0x3;
	s10 =	sadd.s32 s8, s5;
	s5 =	sadd.s32 s9, s2  }
0x12: {  	s7 =	sadd.s32 s7, s8;
	s8 =	sadd.s32 s14, s26;
	s9 =	sshrl.u32 s28, $0x3  }
0x13: {  	s12 =	sshrl.u32 s12, $0x3;
	s11 =	sadd.s32 s14, s31;
	s23 =	sshrl.u32 s23, $0x3  }
0x14: {  	s6 =	sadd.s32 $0x54000, s10;
	s9 =	sadd.s32 s14, s9;
	s10 =	sshrl.u32 s30, $0x3  }
0x15: {  	v0 =	vimm.f32 $0.0e+00;
	s12 =	sadd.s32 s14, s12;
	s10 =	sadd.s32 s14, s10;
	s14 =	simm.s32 $0x9000  }
.LBB2_1:
0x16: {  	s24 =	simm.s32 $0x0;
	s25 =	simm.s32 $0x200  }
.LBB2_2:
0x17: {  	p0 =	sne.s32 s25, $0x1E00;
	[tilespmem:s24+$0x9070] =	vst v0  }
0x18: {  	[tilespmem:s24+$0x9000] =	vst v0  }
0x19: {  	[tilespmem:s24+$0x9010] =	vst v0  }
.Ltmp0:
0x1a: {  	[tilespmem:s24+$0x9020] =	vst v0;
	(pc) =	sbr.rel @p0 .LBB2_2-.Ltmp0, $4  }
0x1b: {  	[tilespmem:s24+$0x9030] =	vst v0  }
0x1c: {  	[tilespmem:s24+$0x9040] =	vst v0  }
0x1d: {  	[tilespmem:s24+$0x9050] =	vst v0  }
0x1e: {  	[tilespmem:s24+$0x9060] =	vst v0;
	s24 =	sshra.s32 s25, $0x2;
	s25 =	sadd.s32 $0x200, s25  }
0x1f: {  	[tilespmem:s24+$0x9070] =	vst v0  }
0x20: {  	[tilespmem:s24+$0x9000] =	vst v0  }
0x21: {  	[tilespmem:s24+$0x9010] =	vst v0  }
0x22: {  	[tilespmem:s24+$0x9020] =	vst v0  }
0x23: {  	[tilespmem:s24+$0x9030] =	vst v0  }
0x24: {  	[tilespmem:s24+$0x9040] =	vst v0  }
0x25: {  	[tilespmem:s24+$0x9050] =	vst v0  }
0x26: {  	[tilespmem:s24+$0x9060] =	vst v0;
	s31 =	sadd.s32 $0x0, s5  }
0x27: {  	[spmem:s31] =	stream.linear.scatter [tilespmem:s14], [sflag:$0x2], $0x800, $0x38;
	[tilespmem:$0x1D800] =	vst v63  }
0x28: {  	s24 =	simm.s32 $0x2000;
	_ =	swait.ge [sflag:s15], $0x800  }
.LBB2_4:
0x29: {  	s25 =	sshra.s32 s24, $0x2;
	[sflag:s15] =	ssyncset.done $0x0;
	p0 =	sne.s32 s24, $0x4E000  }
.Ltmp1:
0x2a: {  	s25 =	sadd.s32 s25, s5;
	[sflag:s15] =	ssyncadd.s32 $0xFFFFF800;
	(pc) =	sbr.rel @p0 .LBB2_4-.Ltmp1, $3  }
0x2b: {  	[spmem:s25] =	stream.linear.scatter [tilespmem:s14], [sflag:$0x2], $0x800, $0x38;
	[tilespmem:$0x1D800] =	vst v63  }
0x2c: {  	s24 =	sadd.s32 $0x2000, s24;
	_ =	sdelay $0x1  }
0x2d: {  	_ =	swait.ge [sflag:s15], $0x800  }
0x2e: {  	[sflag:s15] =	ssyncset.done $0x0  }
0x2f: {  	s24 =	simm.s32 $0x0;
	[sflag:s15] =	ssyncadd.s32 $0xFFFFF800  }
0x30: {  	[tilespmem:s24], [sflag:$0x2] =	stream.linear.gather [hbm4b:s6+s24], $0x2780, $0x38;
	[tilespmem:$0x1D800] =	vst v63  }
0x31: {  	_ =	swait.ge [sflag:s15], $0x2780  }
0x32: {  	[sflag:s15] =	ssyncset.done $0x0  }
0x33: {  	[sflag:s15] =	ssyncadd.s32 $0xFFFFD880  }
0x34: {  	[tilespmem:s16], [sflag:$0x2] =	stream.linear.gather [hbm4b:s7+s24], $0x2780, $0x38;
	[tilespmem:$0x1D800] =	vst v63  }
0x35: {  	_ =	swait.ge [sflag:s15], $0x2780  }
0x36: {  	[sflag:s15] =	ssyncset.done $0x0  }
0x37: {  	[sflag:s15] =	ssyncadd.s32 $0xFFFFD880  }
0x38: {  	s30 =	simm.s32 $0x0;
	[bflag:$0x0] =	sbarrier.arrive $0xFFFF  }
0x39: {  	[tilespmem:s18], [sflag:$0x1] =	stream.indirect.gather [hbm4b:s4+s17], $0x80, s30, s17, $0xb8;
	[tilespmem:$0x1D800] =	vst v63  }
0x3a: {  	_ =	swait.ge [sflag:s19], $0x4000  }
0x3b: {  	[sflag:s19] =	ssyncset.done $0x0  }
0x3c: {  	s31 =	simm.s32 $0x2800;
	[sflag:s19] =	ssyncadd.s32 $0xFFFFC000  }
0x3d: {  	[spmem:s2] =	stream.indirect.scatter.add.f32 [tilespmem:s18], [sflag:$0x2], $0x80, s31, s17, $0xb8;
	[tilespmem:$0x1D800] =	vst v63  }
0x3e: {  	_ =	swait.ge [sflag:s15], $0x4000  }
0x3f: {  	s25 =	simm.s32 $0x400;
	s24 =	simm.s32 $0x200;
	[sflag:s15] =	ssyncset.done $0x0  }
.LBB2_6:
0x40: {  	s26 =	sshra.s32 s24, $0x2  }
0x41: {  	[sflag:s15] =	ssyncadd.s32 $0xFFFFC000;
	s24 =	smov.u32 s25;
	s28 =	sadd.s32 $0x200, s25  }
0x42: {  	[tilespmem:s18], [sflag:$0x1] =	stream.indirect.gather [hbm4b:s4+s17], $0x80, s26, s17, $0xb8;
	[tilespmem:$0x1D800] =	vst v63  }
0x43: {  	p0 =	sne.s32 s25, $0x9C00;
	_ =	swait.ge [sflag:s19], $0x4000  }
.Ltmp2:
0x44: {  	[sflag:s19] =	ssyncset.done $0x0;
	(pc) =	sbr.rel @p0 .LBB2_6-.Ltmp2, $4  }
0x45: {  	s25 =	sadd.s32 $0x2800, s26;
	[sflag:s19] =	ssyncadd.s32 $0xFFFFC000  }
0x46: {  	[spmem:s2] =	stream.indirect.scatter.add.f32 [tilespmem:s18], [sflag:$0x2], $0x80, s25, s17, $0xb8;
	[tilespmem:$0x1D800] =	vst v63  }
0x47: {  	_ =	swait.ge [sflag:s15], $0x4000  }
0x48: {  	s25 =	smov.u32 s28;
	[sflag:s15] =	ssyncset.done $0x0  }
0x49: {  	s24 =	sshra.s32 s24, $0x2;
	[sflag:s15] =	ssyncadd.s32 $0xFFFFC000  }
0x4a: {  	[tilespmem:s18], [sflag:$0x1] =	stream.indirect.gather [hbm4b:s4+s17], $0x80, s24, s17, $0xb8;
	[tilespmem:$0x1D800] =	vst v63  }
0x4b: {  	_ =	swait.ge [sflag:s19], $0x4000  }
0x4c: {  	[sflag:s19] =	ssyncset.done $0x0  }
0x4d: {  	s24 =	sadd.s32 $0x2800, s24;
	[sflag:s19] =	ssyncadd.s32 $0xFFFFC000  }
0x4e: {  	[spmem:s2] =	stream.indirect.scatter.add.f32 [tilespmem:s18], [sflag:$0x2], $0x80, s24, s17, $0xb8;
	[tilespmem:$0x1D800] =	vst v63  }
0x4f: {  	_ =	swait.ge [sflag:s15], $0x4000  }
0x50: {  	[sflag:s15] =	ssyncset.done $0x0  }
0x51: {  	s31 =	sshll.u32 s1, $0x6;
	[sflag:s15] =	ssyncadd.s32 $0xFFFFC000  }
0x52: {  	s25 =	sshrl.u32 s5, $0x3;
	s24 =	sor.u32 $0x1C02, s31;
	[bflag:$0x0] =	sbarrier.arrive $0xFFFF  }
0x53: {  	[hbm:s8], [sflag:s24] =	dma.local [spmem:s25], $0x800  }
0x54: {  	_ =	swait.ge [sflag:s15], $0x800  }
0x55: {  	[sflag:s15] =	ssyncset.done $0x0  }
0x56: {  	[sflag:s15] =	ssyncadd.s32 $0xFFFFF800  }
0x57: {  	[hbm:s9], [sflag:s24] =	dma.local [spmem:s20], $0x800  }
0x58: {  	_ =	swait.ge [sflag:s15], $0x800  }
0x59: {  	[sflag:s15] =	ssyncset.done $0x0  }
0x5a: {  	[sflag:s15] =	ssyncadd.s32 $0xFFFFF800  }
0x5b: {  	[hbm:s10], [sflag:s24] =	dma.local [spmem:s21], $0x800  }
0x5c: {  	_ =	swait.ge [sflag:s15], $0x800  }
0x5d: {  	[sflag:s15] =	ssyncset.done $0x0  }
0x5e: {  	[sflag:s15] =	ssyncadd.s32 $0xFFFFF800  }
0x5f: {  	[hbm:s11], [sflag:s24] =	dma.local [spmem:s22], $0x800  }
0x60: {  	s3 =	sadd.s32 $0x1, s3;
	_ =	swait.ge [sflag:s15], $0x800  }
0x61: {  	p0 =	sne.s32 s3, s13;
	[sflag:s15] =	ssyncset.done $0x0  }
.Ltmp3:
0x62: {  	[sflag:s15] =	ssyncadd.s32 $0xFFFFF800;
	(pc) =	sbr.rel @p0 .LBB2_1-.Ltmp3, $4  }
0x63: {  	[hbm:s12], [sflag:s24] =	dma.local [spmem:s23], $0x800  }
0x64: {  	_ =	swait.ge [sflag:s15], $0x800  }
0x65: {  	[sflag:s15] =	ssyncset.done $0x0  }
0x66: {  	[sflag:s15] =	ssyncadd.s32 $0xFFFFF800  }
0x67: {  	_ =	sfence.sel $0x180000  }
0x68: {  	[bflag:$0x0] =	sbarrier.arrive $0xFFFF  }
0x69: {  	p0 =	sne.s32 s1, $0x0;
	_ =	strace $0x90000050  }
0x6a: {  	s0 =	sadd.s32 @!p0 $0x100000, s0;
	[bflag:$0x2] =	sbarrier.arrive $0xFFFF  }
0x6b: {  	[sflag:s0] =	ssyncadd.tile.s32 @!p0 $0x1;
	_ =	shalt  }
.Lfunc_end2:
_tile_overlayer_lowered:
.L_overlay_start_2:
0x6c: {  	(tag) =	ssettag $0x2  }
0x6d: {  	s0 =	rddreg [dreg:$0x0];
	s2 =	stileid.u32  }
0x6e: {  	s1 =	rddreg [dreg:$0x1];
	p0 =	sne.s32 s2, $0x0  }
0x6f: {  	s3 =	rddreg [dreg:$0x2];
	[bflag:$0x3] =	sbarrier.arrive $0xFFFF;
	s2 =	simm.s32 @!p0 $0x1C02  }
0x70: {  	[timem:s3], [sflag:s2] =	dma.local @!p0 [hbm:s0], s1  }
0x71: {  	s0 =	simm.s32 @!p0 $0x2  }
0x72: {  	_ =	swait.ge @!p0 [sflag:s0], s1  }
0x73: {  	s1 =	ssub.s32 @!p0 $0x0, s1;
	[sflag:s0] =	ssyncset.done @!p0 $0x0  }
0x74: {  	[sflag:s0] =	ssyncadd.s32 @!p0 s1  }
0x75: {  	[bflag:$0x3] =	sbarrier.arrive $0xFFFF  }
0x76: {  	_ =	shalt  }

</sc_bundles>
